<compile_context>
chip_gen: v7x
topology: tpu7x:2x2x1
jax: 0.10.2.dev20260603
libtpu: 0.0.44.dev20260713+nightly
codegen_flags: <defaults>
</compile_context>

<pallas_src>
import functools

import jax
import jax.numpy as jnp
from jax import lax
from jax.experimental import pallas as pl
from jax.experimental.pallas import tpu as pltpu
from jax.experimental.pallas import tpu_sc as plsc

_NC = 2
_NS = 16
_NW = _NC * _NS
_CHUNK = 128


def _sc_aggregate(x, edges, n_pad, d):
    e = edges.shape[1]
    nfull = e // (_NW * _CHUNK)
    nextra = (e - _NW * nfull * _CHUNK) // _CHUNK
    ebase_extra = _NW * nfull * _CHUNK
    hch = nfull // 2
    rows_per_tile = n_pad // _NS
    copies_per_tile = rows_per_tile // _CHUNK
    mesh = plsc.VectorSubcoreMesh(core_axis_name="c", subcore_axis_name="s")

    @functools.partial(
        pl.kernel,
        out_type=jax.ShapeDtypeStruct((_NC, n_pad, d), jnp.float32),
        mesh=mesh,
        scratch_types=[
            pltpu.VMEM((2, hch * _CHUNK), jnp.int32),
            pltpu.VMEM((2, _CHUNK), jnp.int32),
            pltpu.VMEM((2, _CHUNK, d), jnp.float32),
            pltpu.VMEM_SHARED((n_pad, d), jnp.float32),
            pltpu.SemaphoreType.DMA,
            pltpu.SemaphoreType.DMA,
        ],
    )
    def agg_kernel(x_hbm, edge_hbm, out_hbm, idx_v, ext_v, buf_v, acc_sh,
                   gsem0, gsem1):
        c = lax.axis_index("c")
        s = lax.axis_index("s")
        wid = s * _NC + c
        ebase = wid * nfull * _CHUNK

        idx0_cp = pltpu.async_copy(
            edge_hbm.at[:, pl.ds(ebase, hch * _CHUNK)], idx_v, gsem0)
        ext_wid = jnp.minimum(wid, nextra - 1)
        ext_cp = pltpu.async_copy(
            edge_hbm.at[:, pl.ds(ebase_extra + ext_wid * _CHUNK, _CHUNK)],
            ext_v, gsem1)

        zeros16 = jnp.zeros((16,), jnp.float32)
        lanes = d // 16

        def zero_body(r, carry):
            for k in range(lanes):
                buf_v[0, r, pl.ds(k * 16, 16)] = zeros16
            return carry

        lax.fori_loop(0, _CHUNK, zero_body, 0)
        row0 = s * rows_per_tile
        for r in range(copies_per_tile):
            pltpu.sync_copy(buf_v.at[0], acc_sh.at[pl.ds(row0 + r * _CHUNK,
                                                         _CHUNK)])
        ext_cp.wait()
        idx0_cp.wait()

        def sidx(j):
            return idx_v.at[0, pl.ds(j * _CHUNK, _CHUNK)]

        def didx(j):
            return idx_v.at[1, pl.ds(j * _CHUNK, _CHUNK)]

        pltpu.async_copy(x_hbm.at[sidx(0)], buf_v.at[0], gsem0)
        pltpu.async_copy(x_hbm.at[sidx(1)], buf_v.at[1], gsem1)
        plsc.subcore_barrier()

        for h in range(2):
            if h:
                pltpu.sync_copy(
                    edge_hbm.at[:, pl.ds(ebase + h * hch * _CHUNK,
                                         hch * _CHUNK)], idx_v)
                pltpu.async_copy(x_hbm.at[sidx(0)], buf_v.at[0], gsem0)
                pltpu.async_copy(x_hbm.at[sidx(1)], buf_v.at[1], gsem1)

            def pair_body(i, carry):
                j0 = 2 * i
                pltpu.make_async_copy(x_hbm.at[sidx(j0)], buf_v.at[0],
                                      gsem0).wait()
                pltpu.sync_copy(buf_v.at[0], acc_sh.at[didx(j0)], add=True)
                pltpu.async_copy(x_hbm.at[sidx(j0 + 2)], buf_v.at[0], gsem0)
                pltpu.make_async_copy(x_hbm.at[sidx(j0 + 1)], buf_v.at[1],
                                      gsem1).wait()
                pltpu.sync_copy(buf_v.at[1], acc_sh.at[didx(j0 + 1)],
                                add=True)

                @pl.when(j0 + 3 < hch)
                def _():
                    pltpu.async_copy(x_hbm.at[sidx(j0 + 3)], buf_v.at[1],
                                     gsem1)

                return carry

            lax.fori_loop(0, hch // 2 - 1, pair_body, 0)
            j0 = 2 * (hch // 2 - 1)
            pltpu.make_async_copy(x_hbm.at[sidx(j0)], buf_v.at[0],
                                  gsem0).wait()
            pltpu.sync_copy(buf_v.at[0], acc_sh.at[didx(j0)], add=True)
            pltpu.make_async_copy(x_hbm.at[sidx(j0 + 1)], buf_v.at[1],
                                  gsem1).wait()
            pltpu.sync_copy(buf_v.at[1], acc_sh.at[didx(j0 + 1)], add=True)

            if hch % 2:
                j1 = hch - 1
                pltpu.async_copy(x_hbm.at[sidx(j1)], buf_v.at[0],
                                 gsem0).wait()
                pltpu.sync_copy(buf_v.at[0], acc_sh.at[didx(j1)], add=True)

        @pl.when(wid < nextra)
        def _():
            pltpu.async_copy(x_hbm.at[ext_v.at[0]], buf_v.at[0],
                             gsem0).wait()
            pltpu.sync_copy(buf_v.at[0], acc_sh.at[ext_v.at[1]], add=True)

        plsc.subcore_barrier()

        pltpu.sync_copy(acc_sh.at[pl.ds(row0, rows_per_tile)],
                        out_hbm.at[c, pl.ds(row0, rows_per_tile)])

    return agg_kernel(x, edges)


def _tc_project(parts, w, n, d):
    br = 5000
    grid = n // br

    def body(p_ref, w_ref, o_ref):
        agg = p_ref[0] + p_ref[1]
        o_ref[...] = jnp.maximum(
            jnp.dot(agg, w_ref[...], preferred_element_type=jnp.float32), 0.0)

    return pl.pallas_call(
        body,
        grid=(grid,),
        in_specs=[
            pl.BlockSpec((2, br, d), lambda i: (0, i, 0)),
            pl.BlockSpec((d, d), lambda i: (0, 0)),
        ],
        out_specs=pl.BlockSpec((br, d), lambda i: (i, 0)),
        out_shape=jax.ShapeDtypeStruct((n, d), jnp.float32),
    )(parts, w)


def _tc_copy_xh(x, h1, n, d):
    br = 5000
    sec = n // br

    def body(x_ref, h1_ref, o_ref):
        i = pl.program_id(0)

        @pl.when(i < sec)
        def _():
            o_ref[...] = x_ref[...]

        @pl.when(i >= sec)
        def _():
            o_ref[...] = h1_ref[...]

    clamp = lambda lo, hi: (lambda i: (jnp.clip(i - lo, 0, hi), 0))
    return pl.pallas_call(
        body,
        grid=(2 * sec,),
        in_specs=[
            pl.BlockSpec((br, d), clamp(0, sec - 1)),
            pl.BlockSpec((br, d), clamp(sec, sec - 1)),
        ],
        out_specs=pl.BlockSpec((br, d), lambda i: (i, 0)),
        out_shape=jax.ShapeDtypeStruct((3 * n, d), jnp.float32),
    )(x, h1)


def _tc_project_h2(out_xh, parts, w, n, d):
    br = 5000
    sec = n // br

    def body(o_in_ref, p_ref, w_ref, o_ref):
        agg = p_ref[0] + p_ref[1]
        o_ref[...] = jnp.maximum(
            jnp.dot(agg, w_ref[...], preferred_element_type=jnp.float32),
            0.0)

    return pl.pallas_call(
        body,
        grid=(sec,),
        in_specs=[
            pl.BlockSpec((8, d), lambda i: (0, 0)),
            pl.BlockSpec((2, br, d), lambda i: (0, i, 0)),
            pl.BlockSpec((d, d), lambda i: (0, 0)),
        ],
        out_specs=pl.BlockSpec((br, d), lambda i: (i + 2 * sec, 0)),
        out_shape=jax.ShapeDtypeStruct((3 * n, d), jnp.float32),
        input_output_aliases={0: 0},
    )(out_xh, parts, w)


def kernel(inputs, edge_index, W1, W2):
    n, d = inputs.shape
    n_pad = ((n + _NS * _CHUNK - 1) // (_NS * _CHUNK)) * (_NS * _CHUNK)

    p1 = _sc_aggregate(inputs, edge_index, n_pad, d)
    h1 = _tc_project(p1, W1, n, d)
    p2 = _sc_aggregate(h1, edge_index, n_pad, d)
    out_xh = _tc_copy_xh(inputs, h1, n, d)
    return _tc_project_h2(out_xh, p2, W2, n, d)

# --- scband reference (transcript-rebuilt; emitter-appended) ---
"""Pipeline reference for scband-fhop-gcnlayer-24524263260203 (READ-ONLY COPY).

The authoritative reference and input builder live on the scoring server;
editing this copy changes nothing except your own understanding.
"""

import jax, jax.numpy as jnp
import numpy as np

N = 10000
E = 320000
D = 128


def setup_inputs(seed: int = 0) -> dict:
    key = jax.random.key(seed)
    k1, k2, k3, k4 = jax.random.split(key, 4)
    inputs = jax.random.normal(k1, (N, D), dtype=jnp.float32)
    edge_index = jax.random.randint(k2, (2, E), 0, N, dtype=jnp.int32)
    W1 = jax.random.normal(k3, (D, D), dtype=jnp.float32) * (1.0 / np.sqrt(D))
    W2 = jax.random.normal(k4, (D, D), dtype=jnp.float32) * (1.0 / np.sqrt(D))
    return {"inputs": inputs, "edge_index": edge_index, "W1": W1, "W2": W2}


def _gcn_layer(x, edge_index, W):
    # GCNLayer: sparse adjacency aggregation (adj @ x) followed by dense
    # projection and ReLU. Dropout is inactive at training=False.
    src = edge_index[0]
    dst = edge_index[1]
    gathered = jnp.take(x, src, axis=0)                      # gather: [E, D]
    agg = jax.ops.segment_sum(gathered, dst, num_segments=N)  # scatter-add: [N, D]
    return jax.nn.relu(agg @ W)


def reference(inputs, edge_index, W1, W2):
    # args.AL=True -> outputList starts with raw inputs
    # args.A=True  -> run the 'a' GCN stack (disables S/P/C branches),
    #                 collecting every layer output, concat along axis=0.
    h1 = _gcn_layer(inputs, edge_index, W1)
    h2 = _gcn_layer(h1, edge_index, W2)
    output_a = jnp.concatenate([h1, h2], axis=0)
    return jnp.concatenate([inputs, output_a], axis=0)  # [3*N, D]

if __name__ == "__main__":
    import jax
    _d = setup_inputs()
    print(jax.jit(kernel)(*tuple(_d.values())))

</pallas_src>

<mosaic_0001>
#map = affine_map<(d0, d1) -> (0, 0)>
#map1 = affine_map<(d0, d1) -> (0, 0, 0)>
module attributes {stable_mosaic.version = 14 : i64} {
  func.func @agg_kernel(%arg0: i32, %arg1: i32, %arg2: memref<10000x128xf32, #tpu.memory_space<hbm>>, %arg3: memref<2x320000xi32, #tpu.memory_space<hbm>>, %arg4: memref<2x10240x128xf32, #tpu.memory_space<hbm>>, %arg5: memref<2x4992xi32, #tpu.memory_space<vmem>>, %arg6: memref<2x128xi32, #tpu.memory_space<vmem>>, %arg7: memref<2x128x128xf32, #tpu.memory_space<vmem>>, %arg8: memref<10240x128xf32, #tpu.memory_space<vmem_shared>>, %arg9: memref<!tpu.dma_semaphore, #tpu.memory_space<semaphore_mem>>, %arg10: memref<!tpu.dma_semaphore, #tpu.memory_space<semaphore_mem>>) attributes {dimension_semantics = [#tpu.dimension_semantics<core_parallel>, #tpu.dimension_semantics<subcore_parallel>], iteration_bounds = array<i64: 2, 16>, scalar_prefetch = 0 : i64, scratch_operands = 6 : i64, tpu.core_type = #tpu.core_type<sc_vector_subcore>, window_params = [{transform_indices = #map}, {transform_indices = #map}, {transform_indices = #map1}]} {
    %mul3A = arith.constant 2 : i32
    %mul3A_0 = arith.muli %arg1, %mul3A : i32
    %add3A = arith.addi %mul3A_0, %arg0 : i32
    %mul3A_1 = arith.constant 78 : i32
    %mul3A_2 = arith.muli %add3A, %mul3A_1 : i32
    %mul3A_3 = arith.constant 128 : i32
    %mul3A_4 = arith.muli %mul3A_2, %mul3A_3 : i32
    %dma_start3A = arith.constant 0 : i32
    %dma_start3A_5 = tpu.memref_slice %arg3[%dma_start3A, %mul3A_4] : memref<2x320000xi32, #tpu.memory_space<hbm>> -> memref<2x4992xi32, #tpu.memory_space<hbm>>
    %dma_start3A_6 = arith.constant 0 : i32
    %dma_start3A_7 = tpu.memref_slice %arg3[%dma_start3A_6, %mul3A_4] : memref<2x320000xi32, #tpu.memory_space<hbm>> -> memref<2x4992xi32, #tpu.memory_space<hbm>>
    tpu.enqueue_dma source(%dma_start3A_7 : memref<2x4992xi32, #tpu.memory_space<hbm>>) target(%arg5 : memref<2x4992xi32, #tpu.memory_space<vmem>>) target_semaphore(%arg9 : memref<!tpu.dma_semaphore, #tpu.memory_space<semaphore_mem>>)
    %min3A = arith.constant 3 : i32
    %min3A_8 = arith.minsi %add3A, %min3A : i32
    %mul3A_9 = arith.constant 128 : i32
    %mul3A_10 = arith.muli %min3A_8, %mul3A_9 : i32
    %add3A_11 = arith.constant 319488 : i32
    %add3A_12 = arith.addi %add3A_11, %mul3A_10 : i32
    %dma_start3A_13 = arith.constant 0 : i32
    %dma_start3A_14 = tpu.memref_slice %arg3[%dma_start3A_13, %add3A_12] : memref<2x320000xi32, #tpu.memory_space<hbm>> -> memref<2x128xi32, #tpu.memory_space<hbm>>
    %dma_start3A_15 = arith.constant 0 : i32
    %dma_start3A_16 = tpu.memref_slice %arg3[%dma_start3A_15, %add3A_12] : memref<2x320000xi32, #tpu.memory_space<hbm>> -> memref<2x128xi32, #tpu.memory_space<hbm>>
    tpu.enqueue_dma source(%dma_start3A_16 : memref<2x128xi32, #tpu.memory_space<hbm>>) target(%arg6 : memref<2x128xi32, #tpu.memory_space<vmem>>) target_semaphore(%arg10 : memref<!tpu.dma_semaphore, #tpu.memory_space<semaphore_mem>>)
    %broadcast_in_dim3A = arith.constant 0.000000e+00 : f32
    %broadcast_in_dim3A_17 = vector.broadcast %broadcast_in_dim3A : f32 to vector<16xf32>
    %scan3A = arith.constant 0 : i32
    %scan3A_18 = arith.constant 0 : i32
    %scan3A_19 = arith.constant 128 : i32
    %scan3A_20 = arith.addi %scan3A_18, %scan3A_19 : i32
    %scan3A_21 = arith.constant 1 : i32
    scf.for %scan3A_219 = %scan3A_18 to %scan3A_20 step %scan3A_21  : i32 {
      %swap3A = arith.constant 0 : i32
      %swap3A_220 = arith.index_cast %swap3A : i32 to index
      %swap3A_221 = arith.index_cast %scan3A_219 : i32 to index
      %swap3A_222 = arith.constant 0 : index
      %swap3A_223 = tpu.vector_load %arg7[%swap3A_220, %swap3A_221, %swap3A_222] {strides = array<i32>} : memref<2x128x128xf32, #tpu.memory_space<vmem>>, vector<1x1x16xf32>,
      %swap3A_224 = vector.shape_cast %swap3A_223 : vector<1x1x16xf32> to vector<16xf32>
      %swap3A_225 = vector.shape_cast %broadcast_in_dim3A_17 : vector<16xf32> to vector<1x1x16xf32>
      tpu.vector_store %arg7[%swap3A_220, %swap3A_221, %swap3A_222], %swap3A_225 {strides = array<i32>} : memref<2x128x128xf32, #tpu.memory_space<vmem>>, vector<1x1x16xf32>,
      %swap3A_226 = arith.constant 0 : i32
      %swap3A_227 = arith.index_cast %swap3A_226 : i32 to index
      %swap3A_228 = arith.index_cast %scan3A_219 : i32 to index
      %swap3A_229 = arith.constant 16 : index
      %swap3A_230 = tpu.vector_load %arg7[%swap3A_227, %swap3A_228, %swap3A_229] {strides = array<i32>} : memref<2x128x128xf32, #tpu.memory_space<vmem>>, vector<1x1x16xf32>,
      %swap3A_231 = vector.shape_cast %swap3A_230 : vector<1x1x16xf32> to vector<16xf32>
      %swap3A_232 = vector.shape_cast %broadcast_in_dim3A_17 : vector<16xf32> to vector<1x1x16xf32>
      tpu.vector_store %arg7[%swap3A_227, %swap3A_228, %swap3A_229], %swap3A_232 {strides = array<i32>} : memref<2x128x128xf32, #tpu.memory_space<vmem>>, vector<1x1x16xf32>,
      %swap3A_233 = arith.constant 0 : i32
      %swap3A_234 = arith.index_cast %swap3A_233 : i32 to index
      %swap3A_235 = arith.index_cast %scan3A_219 : i32 to index
      %swap3A_236 = arith.constant 32 : index
      %swap3A_237 = tpu.vector_load %arg7[%swap3A_234, %swap3A_235, %swap3A_236] {strides = array<i32>} : memref<2x128x128xf32, #tpu.memory_space<vmem>>, vector<1x1x16xf32>,
      %swap3A_238 = vector.shape_cast %swap3A_237 : vector<1x1x16xf32> to vector<16xf32>
      %swap3A_239 = vector.shape_cast %broadcast_in_dim3A_17 : vector<16xf32> to vector<1x1x16xf32>
      tpu.vector_store %arg7[%swap3A_234, %swap3A_235, %swap3A_236], %swap3A_239 {strides = array<i32>} : memref<2x128x128xf32, #tpu.memory_space<vmem>>, vector<1x1x16xf32>,
      %swap3A_240 = arith.constant 0 : i32
      %swap3A_241 = arith.index_cast %swap3A_240 : i32 to index
      %swap3A_242 = arith.index_cast %scan3A_219 : i32 to index
      %swap3A_243 = arith.constant 48 : index
      %swap3A_244 = tpu.vector_load %arg7[%swap3A_241, %swap3A_242, %swap3A_243] {strides = array<i32>} : memref<2x128x128xf32, #tpu.memory_space<vmem>>, vector<1x1x16xf32>,
      %swap3A_245 = vector.shape_cast %swap3A_244 : vector<1x1x16xf32> to vector<16xf32>
      %swap3A_246 = vector.shape_cast %broadcast_in_dim3A_17 : vector<16xf32> to vector<1x1x16xf32>
      tpu.vector_store %arg7[%swap3A_241, %swap3A_242, %swap3A_243], %swap3A_246 {strides = array<i32>} : memref<2x128x128xf32, #tpu.memory_space<vmem>>, vector<1x1x16xf32>,
      %swap3A_247 = arith.constant 0 : i32
      %swap3A_248 = arith.index_cast %swap3A_247 : i32 to index
      %swap3A_249 = arith.index_cast %scan3A_219 : i32 to index
      %swap3A_250 = arith.constant 64 : index
      %swap3A_251 = tpu.vector_load %arg7[%swap3A_248, %swap3A_249, %swap3A_250] {strides = array<i32>} : memref<2x128x128xf32, #tpu.memory_space<vmem>>, vector<1x1x16xf32>,
      %swap3A_252 = vector.shape_cast %swap3A_251 : vector<1x1x16xf32> to vector<16xf32>
      %swap3A_253 = vector.shape_cast %broadcast_in_dim3A_17 : vector<16xf32> to vector<1x1x16xf32>
      tpu.vector_store %arg7[%swap3A_248, %swap3A_249, %swap3A_250], %swap3A_253 {strides = array<i32>} : memref<2x128x128xf32, #tpu.memory_space<vmem>>, vector<1x1x16xf32>,
      %swap3A_254 = arith.constant 0 : i32
      %swap3A_255 = arith.index_cast %swap3A_254 : i32 to index
      %swap3A_256 = arith.index_cast %scan3A_219 : i32 to index
      %swap3A_257 = arith.constant 80 : index
      %swap3A_258 = tpu.vector_load %arg7[%swap3A_255, %swap3A_256, %swap3A_257] {strides = array<i32>} : memref<2x128x128xf32, #tpu.memory_space<vmem>>, vector<1x1x16xf32>,
      %swap3A_259 = vector.shape_cast %swap3A_258 : vector<1x1x16xf32> to vector<16xf32>
      %swap3A_260 = vector.shape_cast %broadcast_in_dim3A_17 : vector<16xf32> to vector<1x1x16xf32>
      tpu.vector_store %arg7[%swap3A_255, %swap3A_256, %swap3A_257], %swap3A_260 {strides = array<i32>} : memref<2x128x128xf32, #tpu.memory_space<vmem>>, vector<1x1x16xf32>,
      %swap3A_261 = arith.constant 0 : i32
      %swap3A_262 = arith.index_cast %swap3A_261 : i32 to index
      %swap3A_263 = arith.index_cast %scan3A_219 : i32 to index
      %swap3A_264 = arith.constant 96 : index
      %swap3A_265 = tpu.vector_load %arg7[%swap3A_262, %swap3A_263, %swap3A_264] {strides = array<i32>} : memref<2x128x128xf32, #tpu.memory_space<vmem>>, vector<1x1x16xf32>,
      %swap3A_266 = vector.shape_cast %swap3A_265 : vector<1x1x16xf32> to vector<16xf32>
      %swap3A_267 = vector.shape_cast %broadcast_in_dim3A_17 : vector<16xf32> to vector<1x1x16xf32>
      tpu.vector_store %arg7[%swap3A_262, %swap3A_263, %swap3A_264], %swap3A_267 {strides = array<i32>} : memref<2x128x128xf32, #tpu.memory_space<vmem>>, vector<1x1x16xf32>,
      %swap3A_268 = arith.constant 0 : i32
      %swap3A_269 = arith.index_cast %swap3A_268 : i32 to index
      %swap3A_270 = arith.index_cast %scan3A_219 : i32 to index
      %swap3A_271 = arith.constant 112 : index
      %swap3A_272 = tpu.vector_load %arg7[%swap3A_269, %swap3A_270, %swap3A_271] {strides = array<i32>} : memref<2x128x128xf32, #tpu.memory_space<vmem>>, vector<1x1x16xf32>,
      %swap3A_273 = vector.shape_cast %swap3A_272 : vector<1x1x16xf32> to vector<16xf32>
      %swap3A_274 = vector.shape_cast %broadcast_in_dim3A_17 : vector<16xf32> to vector<1x1x16xf32>
      tpu.vector_store %arg7[%swap3A_269, %swap3A_270, %swap3A_271], %swap3A_274 {strides = array<i32>} : memref<2x128x128xf32, #tpu.memory_space<vmem>>, vector<1x1x16xf32>,
    }
    %scan3A_22 = arith.constant 128 : i32
    %mul3A_23 = arith.constant 640 : i32
    %mul3A_24 = arith.muli %arg1, %mul3A_23 : i32
    %add3A_25 = arith.constant 0 : i32
    %add3A_26 = arith.addi %mul3A_24, %add3A_25 : i32
    %run_scoped3A = arith.constant 0 : i32
    "tpu.region"() ({
      %run_scoped3A_219 = tpu.sem_alloc : memref<!tpu.dma_semaphore, #tpu.memory_space<semaphore_mem>>
      %dma_start3A_220 = arith.constant 0 : i32
      %dma_start3A_221 = arith.constant 0 : i32
      %dma_start3A_222 = tpu.memref_slice %arg7[%run_scoped3A, %dma_start3A_220, %dma_start3A_221] : memref<2x128x128xf32, #tpu.memory_space<vmem>> -> memref<1x128x128xf32, #tpu.memory_space<vmem>>
      %dma_start3A_223 = tpu.memref_squeeze %dma_start3A_222 : memref<1x128x128xf32, #tpu.memory_space<vmem>> -> memref<128x128xf32, #tpu.memory_space<vmem>>
      %dma_start3A_224 = arith.constant 0 : i32
      %dma_start3A_225 = tpu.memref_slice %arg8[%add3A_26, %dma_start3A_224] : memref<10240x128xf32, #tpu.memory_space<vmem_shared>> -> memref<128x128xf32, #tpu.memory_space<vmem_shared>>
      %dma_start3A_226 = arith.constant 0 : i32
      %dma_start3A_227 = tpu.memref_slice %arg8[%add3A_26, %dma_start3A_226] : memref<10240x128xf32, #tpu.memory_space<vmem_shared>> -> memref<128x128xf32, #tpu.memory_space<vmem_shared>>
      %dma_start3A_228 = arith.constant 0 : i32
      %dma_start3A_229 = arith.constant 0 : i32
      %dma_start3A_230 = tpu.memref_slice %arg7[%run_scoped3A, %dma_start3A_228, %dma_start3A_229] : memref<2x128x128xf32, #tpu.memory_space<vmem>> -> memref<1x128x128xf32, #tpu.memory_space<vmem>>
      %dma_start3A_231 = tpu.memref_squeeze %dma_start3A_230 : memref<1x128x128xf32, #tpu.memory_space<vmem>> -> memref<128x128xf32, #tpu.memory_space<vmem>>
      tpu.enqueue_dma source(%dma_start3A_231 : memref<128x128xf32, #tpu.memory_space<vmem>>) target(%dma_start3A_227 : memref<128x128xf32, #tpu.memory_space<vmem_shared>>) target_semaphore(%run_scoped3A_219 : memref<!tpu.dma_semaphore, #tpu.memory_space<semaphore_mem>>)
      %dma_wait3A_232 = arith.constant 0 : i32
      %dma_wait3A_233 = arith.constant 0 : i32
      %dma_wait3A_234 = tpu.memref_slice %arg7[%run_scoped3A, %dma_wait3A_232, %dma_wait3A_233] : memref<2x128x128xf32, #tpu.memory_space<vmem>> -> memref<1x128x128xf32, #tpu.memory_space<vmem>>
      %dma_wait3A_235 = tpu.memref_squeeze %dma_wait3A_234 : memref<1x128x128xf32, #tpu.memory_space<vmem>> -> memref<128x128xf32, #tpu.memory_space<vmem>>
      %dma_wait3A_236 = arith.constant 0 : i32
      %dma_wait3A_237 = tpu.memref_slice %arg8[%add3A_26, %dma_wait3A_236] : memref<10240x128xf32, #tpu.memory_space<vmem_shared>> -> memref<128x128xf32, #tpu.memory_space<vmem_shared>>
      %dma_wait3A_238 = arith.constant 0 : i32
      %dma_wait3A_239 = tpu.memref_slice %arg8[%add3A_26, %dma_wait3A_238] : memref<10240x128xf32, #tpu.memory_space<vmem_shared>> -> memref<128x128xf32, #tpu.memory_space<vmem_shared>>
      %dma_wait3A_240 = arith.constant 0 : i32
      %dma_wait3A_241 = arith.constant 0 : i32
      %dma_wait3A_242 = tpu.memref_slice %arg7[%run_scoped3A, %dma_wait3A_240, %dma_wait3A_241] : memref<2x128x128xf32, #tpu.memory_space<vmem>> -> memref<1x128x128xf32, #tpu.memory_space<vmem>>
      %dma_wait3A_243 = tpu.memref_squeeze %dma_wait3A_242 : memref<1x128x128xf32, #tpu.memory_space<vmem>> -> memref<128x128xf32, #tpu.memory_space<vmem>>
      tpu.wait_dma2 semaphore(%run_scoped3A_219 : memref<!tpu.dma_semaphore, #tpu.memory_space<semaphore_mem>>) src(%dma_wait3A_243 : memref<128x128xf32, #tpu.memory_space<vmem>>) dst(%dma_wait3A_239 : memref<128x128xf32, #tpu.memory_space<vmem_shared>>)
      tpu.yield
    }) : () -> ()
    %add3A_27 = arith.constant 128 : i32
    %add3A_28 = arith.addi %mul3A_24, %add3A_27 : i32
    %run_scoped3A_29 = arith.constant 0 : i32
    "tpu.region"() ({
      %run_scoped3A_219 = tpu.sem_alloc : memref<!tpu.dma_semaphore, #tpu.memory_space<semaphore_mem>>
      %dma_start3A_220 = arith.constant 0 : i32
      %dma_start3A_221 = arith.constant 0 : i32
      %dma_start3A_222 = tpu.memref_slice %arg7[%run_scoped3A_29, %dma_start3A_220, %dma_start3A_221] : memref<2x128x128xf32, #tpu.memory_space<vmem>> -> memref<1x128x128xf32, #tpu.memory_space<vmem>>
      %dma_start3A_223 = tpu.memref_squeeze %dma_start3A_222 : memref<1x128x128xf32, #tpu.memory_space<vmem>> -> memref<128x128xf32, #tpu.memory_space<vmem>>
      %dma_start3A_224 = arith.constant 0 : i32
      %dma_start3A_225 = tpu.memref_slice %arg8[%add3A_28, %dma_start3A_224] : memref<10240x128xf32, #tpu.memory_space<vmem_shared>> -> memref<128x128xf32, #tpu.memory_space<vmem_shared>>
      %dma_start3A_226 = arith.constant 0 : i32
      %dma_start3A_227 = tpu.memref_slice %arg8[%add3A_28, %dma_start3A_226] : memref<10240x128xf32, #tpu.memory_space<vmem_shared>> -> memref<128x128xf32, #tpu.memory_space<vmem_shared>>
      %dma_start3A_228 = arith.constant 0 : i32
      %dma_start3A_229 = arith.constant 0 : i32
      %dma_start3A_230 = tpu.memref_slice %arg7[%run_scoped3A_29, %dma_start3A_228, %dma_start3A_229] : memref<2x128x128xf32, #tpu.memory_space<vmem>> -> memref<1x128x128xf32, #tpu.memory_space<vmem>>
      %dma_start3A_231 = tpu.memref_squeeze %dma_start3A_230 : memref<1x128x128xf32, #tpu.memory_space<vmem>> -> memref<128x128xf32, #tpu.memory_space<vmem>>
      tpu.enqueue_dma source(%dma_start3A_231 : memref<128x128xf32, #tpu.memory_space<vmem>>) target(%dma_start3A_227 : memref<128x128xf32, #tpu.memory_space<vmem_shared>>) target_semaphore(%run_scoped3A_219 : memref<!tpu.dma_semaphore, #tpu.memory_space<semaphore_mem>>)
      %dma_wait3A_232 = arith.constant 0 : i32
      %dma_wait3A_233 = arith.constant 0 : i32
      %dma_wait3A_234 = tpu.memref_slice %arg7[%run_scoped3A_29, %dma_wait3A_232, %dma_wait3A_233] : memref<2x128x128xf32, #tpu.memory_space<vmem>> -> memref<1x128x128xf32, #tpu.memory_space<vmem>>
      %dma_wait3A_235 = tpu.memref_squeeze %dma_wait3A_234 : memref<1x128x128xf32, #tpu.memory_space<vmem>> -> memref<128x128xf32, #tpu.memory_space<vmem>>
      %dma_wait3A_236 = arith.constant 0 : i32
      %dma_wait3A_237 = tpu.memref_slice %arg8[%add3A_28, %dma_wait3A_236] : memref<10240x128xf32, #tpu.memory_space<vmem_shared>> -> memref<128x128xf32, #tpu.memory_space<vmem_shared>>
      %dma_wait3A_238 = arith.constant 0 : i32
      %dma_wait3A_239 = tpu.memref_slice %arg8[%add3A_28, %dma_wait3A_238] : memref<10240x128xf32, #tpu.memory_space<vmem_shared>> -> memref<128x128xf32, #tpu.memory_space<vmem_shared>>
      %dma_wait3A_240 = arith.constant 0 : i32
      %dma_wait3A_241 = arith.constant 0 : i32
      %dma_wait3A_242 = tpu.memref_slice %arg7[%run_scoped3A_29, %dma_wait3A_240, %dma_wait3A_241] : memref<2x128x128xf32, #tpu.memory_space<vmem>> -> memref<1x128x128xf32, #tpu.memory_space<vmem>>
      %dma_wait3A_243 = tpu.memref_squeeze %dma_wait3A_242 : memref<1x128x128xf32, #tpu.memory_space<vmem>> -> memref<128x128xf32, #tpu.memory_space<vmem>>
      tpu.wait_dma2 semaphore(%run_scoped3A_219 : memref<!tpu.dma_semaphore, #tpu.memory_space<semaphore_mem>>) src(%dma_wait3A_243 : memref<128x128xf32, #tpu.memory_space<vmem>>) dst(%dma_wait3A_239 : memref<128x128xf32, #tpu.memory_space<vmem_shared>>)
      tpu.yield
    }) : () -> ()
    %add3A_30 = arith.constant 256 : i32
    %add3A_31 = arith.addi %mul3A_24, %add3A_30 : i32
    %run_scoped3A_32 = arith.constant 0 : i32
    "tpu.region"() ({
      %run_scoped3A_219 = tpu.sem_alloc : memref<!tpu.dma_semaphore, #tpu.memory_space<semaphore_mem>>
      %dma_start3A_220 = arith.constant 0 : i32
      %dma_start3A_221 = arith.constant 0 : i32
      %dma_start3A_222 = tpu.memref_slice %arg7[%run_scoped3A_32, %dma_start3A_220, %dma_start3A_221] : memref<2x128x128xf32, #tpu.memory_space<vmem>> -> memref<1x128x128xf32, #tpu.memory_space<vmem>>
      %dma_start3A_223 = tpu.memref_squeeze %dma_start3A_222 : memref<1x128x128xf32, #tpu.memory_space<vmem>> -> memref<128x128xf32, #tpu.memory_space<vmem>>
      %dma_start3A_224 = arith.constant 0 : i32
      %dma_start3A_225 = tpu.memref_slice %arg8[%add3A_31, %dma_start3A_224] : memref<10240x128xf32, #tpu.memory_space<vmem_shared>> -> memref<128x128xf32, #tpu.memory_space<vmem_shared>>
      %dma_start3A_226 = arith.constant 0 : i32
      %dma_start3A_227 = tpu.memref_slice %arg8[%add3A_31, %dma_start3A_226] : memref<10240x128xf32, #tpu.memory_space<vmem_shared>> -> memref<128x128xf32, #tpu.memory_space<vmem_shared>>
      %dma_start3A_228 = arith.constant 0 : i32
      %dma_start3A_229 = arith.constant 0 : i32
      %dma_start3A_230 = tpu.memref_slice %arg7[%run_scoped3A_32, %dma_start3A_228, %dma_start3A_229] : memref<2x128x128xf32, #tpu.memory_space<vmem>> -> memref<1x128x128xf32, #tpu.memory_space<vmem>>
      %dma_start3A_231 = tpu.memref_squeeze %dma_start3A_230 : memref<1x128x128xf32, #tpu.memory_space<vmem>> -> memref<128x128xf32, #tpu.memory_space<vmem>>
      tpu.enqueue_dma source(%dma_start3A_231 : memref<128x128xf32, #tpu.memory_space<vmem>>) target(%dma_start3A_227 : memref<128x128xf32, #tpu.memory_space<vmem_shared>>) target_semaphore(%run_scoped3A_219 : memref<!tpu.dma_semaphore, #tpu.memory_space<semaphore_mem>>)
      %dma_wait3A_232 = arith.constant 0 : i32
      %dma_wait3A_233 = arith.constant 0 : i32
      %dma_wait3A_234 = tpu.memref_slice %arg7[%run_scoped3A_32, %dma_wait3A_232, %dma_wait3A_233] : memref<2x128x128xf32, #tpu.memory_space<vmem>> -> memref<1x128x128xf32, #tpu.memory_space<vmem>>
      %dma_wait3A_235 = tpu.memref_squeeze %dma_wait3A_234 : memref<1x128x128xf32, #tpu.memory_space<vmem>> -> memref<128x128xf32, #tpu.memory_space<vmem>>
      %dma_wait3A_236 = arith.constant 0 : i32
      %dma_wait3A_237 = tpu.memref_slice %arg8[%add3A_31, %dma_wait3A_236] : memref<10240x128xf32, #tpu.memory_space<vmem_shared>> -> memref<128x128xf32, #tpu.memory_space<vmem_shared>>
      %dma_wait3A_238 = arith.constant 0 : i32
      %dma_wait3A_239 = tpu.memref_slice %arg8[%add3A_31, %dma_wait3A_238] : memref<10240x128xf32, #tpu.memory_space<vmem_shared>> -> memref<128x128xf32, #tpu.memory_space<vmem_shared>>
      %dma_wait3A_240 = arith.constant 0 : i32
      %dma_wait3A_241 = arith.constant 0 : i32
      %dma_wait3A_242 = tpu.memref_slice %arg7[%run_scoped3A_32, %dma_wait3A_240, %dma_wait3A_241] : memref<2x128x128xf32, #tpu.memory_space<vmem>> -> memref<1x128x128xf32, #tpu.memory_space<vmem>>
      %dma_wait3A_243 = tpu.memref_squeeze %dma_wait3A_242 : memref<1x128x128xf32, #tpu.memory_space<vmem>> -> memref<128x128xf32, #tpu.memory_space<vmem>>
      tpu.wait_dma2 semaphore(%run_scoped3A_219 : memref<!tpu.dma_semaphore, #tpu.memory_space<semaphore_mem>>) src(%dma_wait3A_243 : memref<128x128xf32, #tpu.memory_space<vmem>>) dst(%dma_wait3A_239 : memref<128x128xf32, #tpu.memory_space<vmem_shared>>)
      tpu.yield
    }) : () -> ()
    %add3A_33 = arith.constant 384 : i32
    %add3A_34 = arith.addi %mul3A_24, %add3A_33 : i32
    %run_scoped3A_35 = arith.constant 0 : i32
    "tpu.region"() ({
      %run_scoped3A_219 = tpu.sem_alloc : memref<!tpu.dma_semaphore, #tpu.memory_space<semaphore_mem>>
      %dma_start3A_220 = arith.constant 0 : i32
      %dma_start3A_221 = arith.constant 0 : i32
      %dma_start3A_222 = tpu.memref_slice %arg7[%run_scoped3A_35, %dma_start3A_220, %dma_start3A_221] : memref<2x128x128xf32, #tpu.memory_space<vmem>> -> memref<1x128x128xf32, #tpu.memory_space<vmem>>
      %dma_start3A_223 = tpu.memref_squeeze %dma_start3A_222 : memref<1x128x128xf32, #tpu.memory_space<vmem>> -> memref<128x128xf32, #tpu.memory_space<vmem>>
      %dma_start3A_224 = arith.constant 0 : i32
      %dma_start3A_225 = tpu.memref_slice %arg8[%add3A_34, %dma_start3A_224] : memref<10240x128xf32, #tpu.memory_space<vmem_shared>> -> memref<128x128xf32, #tpu.memory_space<vmem_shared>>
      %dma_start3A_226 = arith.constant 0 : i32
      %dma_start3A_227 = tpu.memref_slice %arg8[%add3A_34, %dma_start3A_226] : memref<10240x128xf32, #tpu.memory_space<vmem_shared>> -> memref<128x128xf32, #tpu.memory_space<vmem_shared>>
      %dma_start3A_228 = arith.constant 0 : i32
      %dma_start3A_229 = arith.constant 0 : i32
      %dma_start3A_230 = tpu.memref_slice %arg7[%run_scoped3A_35, %dma_start3A_228, %dma_start3A_229] : memref<2x128x128xf32, #tpu.memory_space<vmem>> -> memref<1x128x128xf32, #tpu.memory_space<vmem>>
      %dma_start3A_231 = tpu.memref_squeeze %dma_start3A_230 : memref<1x128x128xf32, #tpu.memory_space<vmem>> -> memref<128x128xf32, #tpu.memory_space<vmem>>
      tpu.enqueue_dma source(%dma_start3A_231 : memref<128x128xf32, #tpu.memory_space<vmem>>) target(%dma_start3A_227 : memref<128x128xf32, #tpu.memory_space<vmem_shared>>) target_semaphore(%run_scoped3A_219 : memref<!tpu.dma_semaphore, #tpu.memory_space<semaphore_mem>>)
      %dma_wait3A_232 = arith.constant 0 : i32
      %dma_wait3A_233 = arith.constant 0 : i32
      %dma_wait3A_234 = tpu.memref_slice %arg7[%run_scoped3A_35, %dma_wait3A_232, %dma_wait3A_233] : memref<2x128x128xf32, #tpu.memory_space<vmem>> -> memref<1x128x128xf32, #tpu.memory_space<vmem>>
      %dma_wait3A_235 = tpu.memref_squeeze %dma_wait3A_234 : memref<1x128x128xf32, #tpu.memory_space<vmem>> -> memref<128x128xf32, #tpu.memory_space<vmem>>
      %dma_wait3A_236 = arith.constant 0 : i32
      %dma_wait3A_237 = tpu.memref_slice %arg8[%add3A_34, %dma_wait3A_236] : memref<10240x128xf32, #tpu.memory_space<vmem_shared>> -> memref<128x128xf32, #tpu.memory_space<vmem_shared>>
      %dma_wait3A_238 = arith.constant 0 : i32
      %dma_wait3A_239 = tpu.memref_slice %arg8[%add3A_34, %dma_wait3A_238] : memref<10240x128xf32, #tpu.memory_space<vmem_shared>> -> memref<128x128xf32, #tpu.memory_space<vmem_shared>>
      %dma_wait3A_240 = arith.constant 0 : i32
      %dma_wait3A_241 = arith.constant 0 : i32
      %dma_wait3A_242 = tpu.memref_slice %arg7[%run_scoped3A_35, %dma_wait3A_240, %dma_wait3A_241] : memref<2x128x128xf32, #tpu.memory_space<vmem>> -> memref<1x128x128xf32, #tpu.memory_space<vmem>>
      %dma_wait3A_243 = tpu.memref_squeeze %dma_wait3A_242 : memref<1x128x128xf32, #tpu.memory_space<vmem>> -> memref<128x128xf32, #tpu.memory_space<vmem>>
      tpu.wait_dma2 semaphore(%run_scoped3A_219 : memref<!tpu.dma_semaphore, #tpu.memory_space<semaphore_mem>>) src(%dma_wait3A_243 : memref<128x128xf32, #tpu.memory_space<vmem>>) dst(%dma_wait3A_239 : memref<128x128xf32, #tpu.memory_space<vmem_shared>>)
      tpu.yield
    }) : () -> ()
    %add3A_36 = arith.constant 512 : i32
    %add3A_37 = arith.addi %mul3A_24, %add3A_36 : i32
    %run_scoped3A_38 = arith.constant 0 : i32
    "tpu.region"() ({
      %run_scoped3A_219 = tpu.sem_alloc : memref<!tpu.dma_semaphore, #tpu.memory_space<semaphore_mem>>
      %dma_start3A_220 = arith.constant 0 : i32
      %dma_start3A_221 = arith.constant 0 : i32
      %dma_start3A_222 = tpu.memref_slice %arg7[%run_scoped3A_38, %dma_start3A_220, %dma_start3A_221] : memref<2x128x128xf32, #tpu.memory_space<vmem>> -> memref<1x128x128xf32, #tpu.memory_space<vmem>>
      %dma_start3A_223 = tpu.memref_squeeze %dma_start3A_222 : memref<1x128x128xf32, #tpu.memory_space<vmem>> -> memref<128x128xf32, #tpu.memory_space<vmem>>
      %dma_start3A_224 = arith.constant 0 : i32
      %dma_start3A_225 = tpu.memref_slice %arg8[%add3A_37, %dma_start3A_224] : memref<10240x128xf32, #tpu.memory_space<vmem_shared>> -> memref<128x128xf32, #tpu.memory_space<vmem_shared>>
      %dma_start3A_226 = arith.constant 0 : i32
      %dma_start3A_227 = tpu.memref_slice %arg8[%add3A_37, %dma_start3A_226] : memref<10240x128xf32, #tpu.memory_space<vmem_shared>> -> memref<128x128xf32, #tpu.memory_space<vmem_shared>>
      %dma_start3A_228 = arith.constant 0 : i32
      %dma_start3A_229 = arith.constant 0 : i32
      %dma_start3A_230 = tpu.memref_slice %arg7[%run_scoped3A_38, %dma_start3A_228, %dma_start3A_229] : memref<2x128x128xf32, #tpu.memory_space<vmem>> -> memref<1x128x128xf32, #tpu.memory_space<vmem>>
      %dma_start3A_231 = tpu.memref_squeeze %dma_start3A_230 : memref<1x128x128xf32, #tpu.memory_space<vmem>> -> memref<128x128xf32, #tpu.memory_space<vmem>>
      tpu.enqueue_dma source(%dma_start3A_231 : memref<128x128xf32, #tpu.memory_space<vmem>>) target(%dma_start3A_227 : memref<128x128xf32, #tpu.memory_space<vmem_shared>>) target_semaphore(%run_scoped3A_219 : memref<!tpu.dma_semaphore, #tpu.memory_space<semaphore_mem>>)
      %dma_wait3A_232 = arith.constant 0 : i32
      %dma_wait3A_233 = arith.constant 0 : i32
      %dma_wait3A_234 = tpu.memref_slice %arg7[%run_scoped3A_38, %dma_wait3A_232, %dma_wait3A_233] : memref<2x128x128xf32, #tpu.memory_space<vmem>> -> memref<1x128x128xf32, #tpu.memory_space<vmem>>
      %dma_wait3A_235 = tpu.memref_squeeze %dma_wait3A_234 : memref<1x128x128xf32, #tpu.memory_space<vmem>> -> memref<128x128xf32, #tpu.memory_space<vmem>>
      %dma_wait3A_236 = arith.constant 0 : i32
      %dma_wait3A_237 = tpu.memref_slice %arg8[%add3A_37, %dma_wait3A_236] : memref<10240x128xf32, #tpu.memory_space<vmem_shared>> -> memref<128x128xf32, #tpu.memory_space<vmem_shared>>
      %dma_wait3A_238 = arith.constant 0 : i32
      %dma_wait3A_239 = tpu.memref_slice %arg8[%add3A_37, %dma_wait3A_238] : memref<10240x128xf32, #tpu.memory_space<vmem_shared>> -> memref<128x128xf32, #tpu.memory_space<vmem_shared>>
      %dma_wait3A_240 = arith.constant 0 : i32
      %dma_wait3A_241 = arith.constant 0 : i32
      %dma_wait3A_242 = tpu.memref_slice %arg7[%run_scoped3A_38, %dma_wait3A_240, %dma_wait3A_241] : memref<2x128x128xf32, #tpu.memory_space<vmem>> -> memref<1x128x128xf32, #tpu.memory_space<vmem>>
      %dma_wait3A_243 = tpu.memref_squeeze %dma_wait3A_242 : memref<1x128x128xf32, #tpu.memory_space<vmem>> -> memref<128x128xf32, #tpu.memory_space<vmem>>
      tpu.wait_dma2 semaphore(%run_scoped3A_219 : memref<!tpu.dma_semaphore, #tpu.memory_space<semaphore_mem>>) src(%dma_wait3A_243 : memref<128x128xf32, #tpu.memory_space<vmem>>) dst(%dma_wait3A_239 : memref<128x128xf32, #tpu.memory_space<vmem_shared>>)
      tpu.yield
    }) : () -> ()
    %dma_wait3A = arith.constant 0 : i32
    %dma_wait3A_39 = tpu.memref_slice %arg3[%dma_wait3A, %add3A_12] : memref<2x320000xi32, #tpu.memory_space<hbm>> -> memref<2x128xi32, #tpu.memory_space<hbm>>
    %dma_wait3A_40 = arith.constant 0 : i32
    %dma_wait3A_41 = tpu.memref_slice %arg3[%dma_wait3A_40, %add3A_12] : memref<2x320000xi32, #tpu.memory_space<hbm>> -> memref<2x128xi32, #tpu.memory_space<hbm>>
    tpu.wait_dma2 semaphore(%arg10 : memref<!tpu.dma_semaphore, #tpu.memory_space<semaphore_mem>>) src(%dma_wait3A_41 : memref<2x128xi32, #tpu.memory_space<hbm>>) dst(%arg6 : memref<2x128xi32, #tpu.memory_space<vmem>>)
    %dma_wait3A_42 = arith.constant 0 : i32
    %dma_wait3A_43 = tpu.memref_slice %arg3[%dma_wait3A_42, %mul3A_4] : memref<2x320000xi32, #tpu.memory_space<hbm>> -> memref<2x4992xi32, #tpu.memory_space<hbm>>
    %dma_wait3A_44 = arith.constant 0 : i32
    %dma_wait3A_45 = tpu.memref_slice %arg3[%dma_wait3A_44, %mul3A_4] : memref<2x320000xi32, #tpu.memory_space<hbm>> -> memref<2x4992xi32, #tpu.memory_space<hbm>>
    tpu.wait_dma2 semaphore(%arg9 : memref<!tpu.dma_semaphore, #tpu.memory_space<semaphore_mem>>) src(%dma_wait3A_45 : memref<2x4992xi32, #tpu.memory_space<hbm>>) dst(%arg5 : memref<2x4992xi32, #tpu.memory_space<vmem>>)
    %dma_start3A_46 = arith.constant 0 : i32
    %dma_start3A_47 = arith.constant 0 : i32
    %dma_start3A_48 = arith.constant 0 : i32
    %dma_start3A_49 = arith.constant 0 : i32
    %dma_start3A_50 = tpu.memref_slice %arg7[%dma_start3A_47, %dma_start3A_48, %dma_start3A_49] : memref<2x128x128xf32, #tpu.memory_space<vmem>> -> memref<1x128x128xf32, #tpu.memory_space<vmem>>
    %dma_start3A_51 = tpu.memref_squeeze %dma_start3A_50 : memref<1x128x128xf32, #tpu.memory_space<vmem>> -> memref<128x128xf32, #tpu.memory_space<vmem>>
    %dma_start3A_52 = arith.constant 0 : i32
    %dma_start3A_53 = tpu.memref_slice %arg5[%dma_start3A_46, %dma_start3A_52] : memref<2x4992xi32, #tpu.memory_space<vmem>> -> memref<1x128xi32, #tpu.memory_space<vmem>>
    %dma_start3A_54 = tpu.memref_squeeze %dma_start3A_53 : memref<1x128xi32, #tpu.memory_space<vmem>> -> memref<128xi32, #tpu.memory_space<vmem>>
    %dma_start3A_55 = arith.constant 0 : i32
    %dma_start3A_56 = arith.constant 0 : i32
    %dma_start3A_57 = tpu.memref_slice %arg2[%dma_start3A_55, %dma_start3A_56] : memref<10000x128xf32, #tpu.memory_space<hbm>> -> memref<10000x128xf32, #tpu.memory_space<hbm>>
    tpu.enqueue_indirect_dma source(%dma_start3A_57 : memref<10000x128xf32, #tpu.memory_space<hbm>>) target(%dma_start3A_51 : memref<128x128xf32, #tpu.memory_space<vmem>>) offsets(%dma_start3A_54 : memref<128xi32, #tpu.memory_space<vmem>>) semaphore(%arg9 : memref<!tpu.dma_semaphore, #tpu.memory_space<semaphore_mem>>)
    %dma_start3A_58 = arith.constant 0 : i32
    %dma_start3A_59 = arith.constant 1 : i32
    %dma_start3A_60 = arith.constant 0 : i32
    %dma_start3A_61 = arith.constant 0 : i32
    %dma_start3A_62 = tpu.memref_slice %arg7[%dma_start3A_59, %dma_start3A_60, %dma_start3A_61] : memref<2x128x128xf32, #tpu.memory_space<vmem>> -> memref<1x128x128xf32, #tpu.memory_space<vmem>>
    %dma_start3A_63 = tpu.memref_squeeze %dma_start3A_62 : memref<1x128x128xf32, #tpu.memory_space<vmem>> -> memref<128x128xf32, #tpu.memory_space<vmem>>
    %dma_start3A_64 = arith.constant 128 : i32
    %dma_start3A_65 = tpu.memref_slice %arg5[%dma_start3A_58, %dma_start3A_64] : memref<2x4992xi32, #tpu.memory_space<vmem>> -> memref<1x128xi32, #tpu.memory_space<vmem>>
    %dma_start3A_66 = tpu.memref_squeeze %dma_start3A_65 : memref<1x128xi32, #tpu.memory_space<vmem>> -> memref<128xi32, #tpu.memory_space<vmem>>
    %dma_start3A_67 = arith.constant 0 : i32
    %dma_start3A_68 = arith.constant 0 : i32
    %dma_start3A_69 = tpu.memref_slice %arg2[%dma_start3A_67, %dma_start3A_68] : memref<10000x128xf32, #tpu.memory_space<hbm>> -> memref<10000x128xf32, #tpu.memory_space<hbm>>
    tpu.enqueue_indirect_dma source(%dma_start3A_69 : memref<10000x128xf32, #tpu.memory_space<hbm>>) target(%dma_start3A_63 : memref<128x128xf32, #tpu.memory_space<vmem>>) offsets(%dma_start3A_66 : memref<128xi32, #tpu.memory_space<vmem>>) semaphore(%arg10 : memref<!tpu.dma_semaphore, #tpu.memory_space<semaphore_mem>>)
    %barrier3A = arith.constant 0 : index
    tpu.barrier barrier_id(%barrier3A)
    %scan3A_70 = arith.constant 0 : i32
    %scan3A_71 = arith.constant 0 : i32
    %scan3A_72 = arith.constant 18 : i32
    %scan3A_73 = arith.addi %scan3A_71, %scan3A_72 : i32
    %scan3A_74 = arith.constant 1 : i32
    scf.for %scan3A_219 = %scan3A_71 to %scan3A_73 step %scan3A_74  : i32 {
      %mul3A_220 = arith.constant 2 : i32
      %mul3A_221 = arith.muli %mul3A_220, %scan3A_219 : i32
      %mul3A_222 = arith.constant 128 : i32
      %mul3A_223 = arith.muli %mul3A_221, %mul3A_222 : i32
      %dma_wait3A_224 = arith.constant 0 : i32
      %dma_wait3A_225 = arith.constant 0 : i32
      %dma_wait3A_226 = arith.constant 0 : i32
      %dma_wait3A_227 = arith.constant 0 : i32
      %dma_wait3A_228 = tpu.memref_slice %arg7[%dma_wait3A_225, %dma_wait3A_226, %dma_wait3A_227] : memref<2x128x128xf32, #tpu.memory_space<vmem>> -> memref<1x128x128xf32, #tpu.memory_space<vmem>>
      %dma_wait3A_229 = tpu.memref_squeeze %dma_wait3A_228 : memref<1x128x128xf32, #tpu.memory_space<vmem>> -> memref<128x128xf32, #tpu.memory_space<vmem>>
      %dma_wait3A_230 = tpu.memref_slice %arg5[%dma_wait3A_224, %mul3A_223] : memref<2x4992xi32, #tpu.memory_space<vmem>> -> memref<1x128xi32, #tpu.memory_space<vmem>>
      %dma_wait3A_231 = tpu.memref_squeeze %dma_wait3A_230 : memref<1x128xi32, #tpu.memory_space<vmem>> -> memref<128xi32, #tpu.memory_space<vmem>>
      %dma_wait3A_232 = arith.constant 0 : i32
      %dma_wait3A_233 = arith.constant 0 : i32
      %dma_wait3A_234 = tpu.memref_slice %arg2[%dma_wait3A_232, %dma_wait3A_233] : memref<10000x128xf32, #tpu.memory_space<hbm>> -> memref<10000x128xf32, #tpu.memory_space<hbm>>
      tpu.wait_indirect_dma semaphore(%arg9 : memref<!tpu.dma_semaphore, #tpu.memory_space<semaphore_mem>>) src(%dma_wait3A_234 : memref<10000x128xf32, #tpu.memory_space<hbm>>) dst(%dma_wait3A_229 : memref<128x128xf32, #tpu.memory_space<vmem>>)
      %mul3A_235 = arith.constant 128 : i32
      %mul3A_236 = arith.muli %mul3A_221, %mul3A_235 : i32
      %run_scoped3A_237 = arith.constant 0 : i32
      %run_scoped3A_238 = arith.constant 1 : i32
      "tpu.region"() ({
        %run_scoped3A_282 = tpu.sem_alloc : memref<!tpu.dma_semaphore, #tpu.memory_space<semaphore_mem>>
        %dma_start3A_283 = arith.constant 0 : i32
        %dma_start3A_284 = arith.constant 0 : i32
        %dma_start3A_285 = tpu.memref_slice %arg7[%run_scoped3A_237, %dma_start3A_283, %dma_start3A_284] : memref<2x128x128xf32, #tpu.memory_space<vmem>> -> memref<1x128x128xf32, #tpu.memory_space<vmem>>
        %dma_start3A_286 = tpu.memref_squeeze %dma_start3A_285 : memref<1x128x128xf32, #tpu.memory_space<vmem>> -> memref<128x128xf32, #tpu.memory_space<vmem>>
        %dma_start3A_287 = tpu.memref_slice %arg5[%run_scoped3A_238, %mul3A_236] : memref<2x4992xi32, #tpu.memory_space<vmem>> -> memref<1x128xi32, #tpu.memory_space<vmem>>
        %dma_start3A_288 = tpu.memref_squeeze %dma_start3A_287 : memref<1x128xi32, #tpu.memory_space<vmem>> -> memref<128xi32, #tpu.memory_space<vmem>>
        %dma_start3A_289 = arith.constant 0 : i32
        %dma_start3A_290 = arith.constant 0 : i32
        %dma_start3A_291 = tpu.memref_slice %arg8[%dma_start3A_289, %dma_start3A_290] : memref<10240x128xf32, #tpu.memory_space<vmem_shared>> -> memref<10240x128xf32, #tpu.memory_space<vmem_shared>>
        tpu.enqueue_indirect_dma source(%dma_start3A_286 : memref<128x128xf32, #tpu.memory_space<vmem>>) target(%dma_start3A_291 : memref<10240x128xf32, #tpu.memory_space<vmem_shared>>) offsets(%dma_start3A_288 : memref<128xi32, #tpu.memory_space<vmem>>) semaphore(%run_scoped3A_282 : memref<!tpu.dma_semaphore, #tpu.memory_space<semaphore_mem>>) {add = true}
        %dma_wait3A_292 = arith.constant 0 : i32
        %dma_wait3A_293 = arith.constant 0 : i32
        %dma_wait3A_294 = tpu.memref_slice %arg7[%run_scoped3A_237, %dma_wait3A_292, %dma_wait3A_293] : memref<2x128x128xf32, #tpu.memory_space<vmem>> -> memref<1x128x128xf32, #tpu.memory_space<vmem>>
        %dma_wait3A_295 = tpu.memref_squeeze %dma_wait3A_294 : memref<1x128x128xf32, #tpu.memory_space<vmem>> -> memref<128x128xf32, #tpu.memory_space<vmem>>
        %dma_wait3A_296 = tpu.memref_slice %arg5[%run_scoped3A_238, %mul3A_236] : memref<2x4992xi32, #tpu.memory_space<vmem>> -> memref<1x128xi32, #tpu.memory_space<vmem>>
        %dma_wait3A_297 = tpu.memref_squeeze %dma_wait3A_296 : memref<1x128xi32, #tpu.memory_space<vmem>> -> memref<128xi32, #tpu.memory_space<vmem>>
        %dma_wait3A_298 = arith.constant 0 : i32
        %dma_wait3A_299 = arith.constant 0 : i32
        %dma_wait3A_300 = tpu.memref_slice %arg8[%dma_wait3A_298, %dma_wait3A_299] : memref<10240x128xf32, #tpu.memory_space<vmem_shared>> -> memref<10240x128xf32, #tpu.memory_space<vmem_shared>>
        tpu.wait_indirect_dma semaphore(%run_scoped3A_282 : memref<!tpu.dma_semaphore, #tpu.memory_space<semaphore_mem>>) src(%dma_wait3A_295 : memref<128x128xf32, #tpu.memory_space<vmem>>) dst(%dma_wait3A_300 : memref<10240x128xf32, #tpu.memory_space<vmem_shared>>)
        tpu.yield
      }) : () -> ()
      %add3A_239 = arith.constant 2 : i32
      %add3A_240 = arith.addi %mul3A_221, %add3A_239 : i32
      %mul3A_241 = arith.constant 128 : i32
      %mul3A_242 = arith.muli %add3A_240, %mul3A_241 : i32
      %dma_start3A_243 = arith.constant 0 : i32
      %dma_start3A_244 = arith.constant 0 : i32
      %dma_start3A_245 = arith.constant 0 : i32
      %dma_start3A_246 = arith.constant 0 : i32
      %dma_start3A_247 = tpu.memref_slice %arg7[%dma_start3A_244, %dma_start3A_245, %dma_start3A_246] : memref<2x128x128xf32, #tpu.memory_space<vmem>> -> memref<1x128x128xf32, #tpu.memory_space<vmem>>
      %dma_start3A_248 = tpu.memref_squeeze %dma_start3A_247 : memref<1x128x128xf32, #tpu.memory_space<vmem>> -> memref<128x128xf32, #tpu.memory_space<vmem>>
      %dma_start3A_249 = tpu.memref_slice %arg5[%dma_start3A_243, %mul3A_242] : memref<2x4992xi32, #tpu.memory_space<vmem>> -> memref<1x128xi32, #tpu.memory_space<vmem>>
      %dma_start3A_250 = tpu.memref_squeeze %dma_start3A_249 : memref<1x128xi32, #tpu.memory_space<vmem>> -> memref<128xi32, #tpu.memory_space<vmem>>
      %dma_start3A_251 = arith.constant 0 : i32
      %dma_start3A_252 = arith.constant 0 : i32
      %dma_start3A_253 = tpu.memref_slice %arg2[%dma_start3A_251, %dma_start3A_252] : memref<10000x128xf32, #tpu.memory_space<hbm>> -> memref<10000x128xf32, #tpu.memory_space<hbm>>
      tpu.enqueue_indirect_dma source(%dma_start3A_253 : memref<10000x128xf32, #tpu.memory_space<hbm>>) target(%dma_start3A_248 : memref<128x128xf32, #tpu.memory_space<vmem>>) offsets(%dma_start3A_250 : memref<128xi32, #tpu.memory_space<vmem>>) semaphore(%arg9 : memref<!tpu.dma_semaphore, #tpu.memory_space<semaphore_mem>>)
      %add3A_254 = arith.constant 1 : i32
      %add3A_255 = arith.addi %mul3A_221, %add3A_254 : i32
      %mul3A_256 = arith.constant 128 : i32
      %mul3A_257 = arith.muli %add3A_255, %mul3A_256 : i32
      %dma_wait3A_258 = arith.constant 0 : i32
      %dma_wait3A_259 = arith.constant 1 : i32
      %dma_wait3A_260 = arith.constant 0 : i32
      %dma_wait3A_261 = arith.constant 0 : i32
      %dma_wait3A_262 = tpu.memref_slice %arg7[%dma_wait3A_259, %dma_wait3A_260, %dma_wait3A_261] : memref<2x128x128xf32, #tpu.memory_space<vmem>> -> memref<1x128x128xf32, #tpu.memory_space<vmem>>
      %dma_wait3A_263 = tpu.memref_squeeze %dma_wait3A_262 : memref<1x128x128xf32, #tpu.memory_space<vmem>> -> memref<128x128xf32, #tpu.memory_space<vmem>>
      %dma_wait3A_264 = tpu.memref_slice %arg5[%dma_wait3A_258, %mul3A_257] : memref<2x4992xi32, #tpu.memory_space<vmem>> -> memref<1x128xi32, #tpu.memory_space<vmem>>
      %dma_wait3A_265 = tpu.memref_squeeze %dma_wait3A_264 : memref<1x128xi32, #tpu.memory_space<vmem>> -> memref<128xi32, #tpu.memory_space<vmem>>
      %dma_wait3A_266 = arith.constant 0 : i32
      %dma_wait3A_267 = arith.constant 0 : i32
      %dma_wait3A_268 = tpu.memref_slice %arg2[%dma_wait3A_266, %dma_wait3A_267] : memref<10000x128xf32, #tpu.memory_space<hbm>> -> memref<10000x128xf32, #tpu.memory_space<hbm>>
      tpu.wait_indirect_dma semaphore(%arg10 : memref<!tpu.dma_semaphore, #tpu.memory_space<semaphore_mem>>) src(%dma_wait3A_268 : memref<10000x128xf32, #tpu.memory_space<hbm>>) dst(%dma_wait3A_263 : memref<128x128xf32, #tpu.memory_space<vmem>>)
      %add3A_269 = arith.constant 1 : i32
      %add3A_270 = arith.addi %mul3A_221, %add3A_269 : i32
      %mul3A_271 = arith.constant 128 : i32
      %mul3A_272 = arith.muli %add3A_270, %mul3A_271 : i32
      %run_scoped3A_273 = arith.constant 1 : i32
      %run_scoped3A_274 = arith.constant 1 : i32
      "tpu.region"() ({
        %run_scoped3A_282 = tpu.sem_alloc : memref<!tpu.dma_semaphore, #tpu.memory_space<semaphore_mem>>
        %dma_start3A_283 = arith.constant 0 : i32
        %dma_start3A_284 = arith.constant 0 : i32
        %dma_start3A_285 = tpu.memref_slice %arg7[%run_scoped3A_273, %dma_start3A_283, %dma_start3A_284] : memref<2x128x128xf32, #tpu.memory_space<vmem>> -> memref<1x128x128xf32, #tpu.memory_space<vmem>>
        %dma_start3A_286 = tpu.memref_squeeze %dma_start3A_285 : memref<1x128x128xf32, #tpu.memory_space<vmem>> -> memref<128x128xf32, #tpu.memory_space<vmem>>
        %dma_start3A_287 = tpu.memref_slice %arg5[%run_scoped3A_274, %mul3A_272] : memref<2x4992xi32, #tpu.memory_space<vmem>> -> memref<1x128xi32, #tpu.memory_space<vmem>>
        %dma_start3A_288 = tpu.memref_squeeze %dma_start3A_287 : memref<1x128xi32, #tpu.memory_space<vmem>> -> memref<128xi32, #tpu.memory_space<vmem>>
        %dma_start3A_289 = arith.constant 0 : i32
        %dma_start3A_290 = arith.constant 0 : i32
        %dma_start3A_291 = tpu.memref_slice %arg8[%dma_start3A_289, %dma_start3A_290] : memref<10240x128xf32, #tpu.memory_space<vmem_shared>> -> memref<10240x128xf32, #tpu.memory_space<vmem_shared>>
        tpu.enqueue_indirect_dma source(%dma_start3A_286 : memref<128x128xf32, #tpu.memory_space<vmem>>) target(%dma_start3A_291 : memref<10240x128xf32, #tpu.memory_space<vmem_shared>>) offsets(%dma_start3A_288 : memref<128xi32, #tpu.memory_space<vmem>>) semaphore(%run_scoped3A_282 : memref<!tpu.dma_semaphore, #tpu.memory_space<semaphore_mem>>) {add = true}
        %dma_wait3A_292 = arith.constant 0 : i32
        %dma_wait3A_293 = arith.constant 0 : i32
        %dma_wait3A_294 = tpu.memref_slice %arg7[%run_scoped3A_273, %dma_wait3A_292, %dma_wait3A_293] : memref<2x128x128xf32, #tpu.memory_space<vmem>> -> memref<1x128x128xf32, #tpu.memory_space<vmem>>
        %dma_wait3A_295 = tpu.memref_squeeze %dma_wait3A_294 : memref<1x128x128xf32, #tpu.memory_space<vmem>> -> memref<128x128xf32, #tpu.memory_space<vmem>>
        %dma_wait3A_296 = tpu.memref_slice %arg5[%run_scoped3A_274, %mul3A_272] : memref<2x4992xi32, #tpu.memory_space<vmem>> -> memref<1x128xi32, #tpu.memory_space<vmem>>
        %dma_wait3A_297 = tpu.memref_squeeze %dma_wait3A_296 : memref<1x128xi32, #tpu.memory_space<vmem>> -> memref<128xi32, #tpu.memory_space<vmem>>
        %dma_wait3A_298 = arith.constant 0 : i32
        %dma_wait3A_299 = arith.constant 0 : i32
        %dma_wait3A_300 = tpu.memref_slice %arg8[%dma_wait3A_298, %dma_wait3A_299] : memref<10240x128xf32, #tpu.memory_space<vmem_shared>> -> memref<10240x128xf32, #tpu.memory_space<vmem_shared>>
        tpu.wait_indirect_dma semaphore(%run_scoped3A_282 : memref<!tpu.dma_semaphore, #tpu.memory_space<semaphore_mem>>) src(%dma_wait3A_295 : memref<128x128xf32, #tpu.memory_space<vmem>>) dst(%dma_wait3A_300 : memref<10240x128xf32, #tpu.memory_space<vmem_shared>>)
        tpu.yield
      }) : () -> ()
      %add3A_275 = arith.constant 3 : i32
      %add3A_276 = arith.addi %mul3A_221, %add3A_275 : i32
      %lt3A_277 = arith.constant 39 : i32
      %lt3A_278 = arith.cmpi slt, %add3A_276, %lt3A_277 : i32
      %convert_element_type3A_279 = arith.extui %lt3A_278 : i1 to i32
      %cond3A_280 = arith.constant 0 : i32
      %cond3A_281 = arith.cmpi ne, %convert_element_type3A_279, %cond3A_280 : i32
      scf.if %cond3A_281 {
        %add3A_282 = arith.constant 3 : i32
        %add3A_283 = arith.addi %mul3A_221, %add3A_282 : i32
        %mul3A_284 = arith.constant 128 : i32
        %mul3A_285 = arith.muli %add3A_283, %mul3A_284 : i32
        %dma_start3A_286 = arith.constant 0 : i32
        %dma_start3A_287 = arith.constant 1 : i32
        %dma_start3A_288 = arith.constant 0 : i32
        %dma_start3A_289 = arith.constant 0 : i32
        %dma_start3A_290 = tpu.memref_slice %arg7[%dma_start3A_287, %dma_start3A_288, %dma_start3A_289] : memref<2x128x128xf32, #tpu.memory_space<vmem>> -> memref<1x128x128xf32, #tpu.memory_space<vmem>>
        %dma_start3A_291 = tpu.memref_squeeze %dma_start3A_290 : memref<1x128x128xf32, #tpu.memory_space<vmem>> -> memref<128x128xf32, #tpu.memory_space<vmem>>
        %dma_start3A_292 = tpu.memref_slice %arg5[%dma_start3A_286, %mul3A_285] : memref<2x4992xi32, #tpu.memory_space<vmem>> -> memref<1x128xi32, #tpu.memory_space<vmem>>
        %dma_start3A_293 = tpu.memref_squeeze %dma_start3A_292 : memref<1x128xi32, #tpu.memory_space<vmem>> -> memref<128xi32, #tpu.memory_space<vmem>>
        %dma_start3A_294 = arith.constant 0 : i32
        %dma_start3A_295 = arith.constant 0 : i32
        %dma_start3A_296 = tpu.memref_slice %arg2[%dma_start3A_294, %dma_start3A_295] : memref<10000x128xf32, #tpu.memory_space<hbm>> -> memref<10000x128xf32, #tpu.memory_space<hbm>>
        tpu.enqueue_indirect_dma source(%dma_start3A_296 : memref<10000x128xf32, #tpu.memory_space<hbm>>) target(%dma_start3A_291 : memref<128x128xf32, #tpu.memory_space<vmem>>) offsets(%dma_start3A_293 : memref<128xi32, #tpu.memory_space<vmem>>) semaphore(%arg10 : memref<!tpu.dma_semaphore, #tpu.memory_space<semaphore_mem>>)
      } else {
      }
    }
    %scan3A_75 = arith.constant 18 : i32
    %dma_wait3A_76 = arith.constant 0 : i32
    %dma_wait3A_77 = arith.constant 0 : i32
    %dma_wait3A_78 = arith.constant 0 : i32
    %dma_wait3A_79 = arith.constant 0 : i32
    %dma_wait3A_80 = tpu.memref_slice %arg7[%dma_wait3A_77, %dma_wait3A_78, %dma_wait3A_79] : memref<2x128x128xf32, #tpu.memory_space<vmem>> -> memref<1x128x128xf32, #tpu.memory_space<vmem>>
    %dma_wait3A_81 = tpu.memref_squeeze %dma_wait3A_80 : memref<1x128x128xf32, #tpu.memory_space<vmem>> -> memref<128x128xf32, #tpu.memory_space<vmem>>
    %dma_wait3A_82 = arith.constant 4608 : i32
    %dma_wait3A_83 = tpu.memref_slice %arg5[%dma_wait3A_76, %dma_wait3A_82] : memref<2x4992xi32, #tpu.memory_space<vmem>> -> memref<1x128xi32, #tpu.memory_space<vmem>>
    %dma_wait3A_84 = tpu.memref_squeeze %dma_wait3A_83 : memref<1x128xi32, #tpu.memory_space<vmem>> -> memref<128xi32, #tpu.memory_space<vmem>>
    %dma_wait3A_85 = arith.constant 0 : i32
    %dma_wait3A_86 = arith.constant 0 : i32
    %dma_wait3A_87 = tpu.memref_slice %arg2[%dma_wait3A_85, %dma_wait3A_86] : memref<10000x128xf32, #tpu.memory_space<hbm>> -> memref<10000x128xf32, #tpu.memory_space<hbm>>
    tpu.wait_indirect_dma semaphore(%arg9 : memref<!tpu.dma_semaphore, #tpu.memory_space<semaphore_mem>>) src(%dma_wait3A_87 : memref<10000x128xf32, #tpu.memory_space<hbm>>) dst(%dma_wait3A_81 : memref<128x128xf32, #tpu.memory_space<vmem>>)
    %run_scoped3A_88 = arith.constant 0 : i32
    %run_scoped3A_89 = arith.constant 1 : i32
    "tpu.region"() ({
      %run_scoped3A_219 = tpu.sem_alloc : memref<!tpu.dma_semaphore, #tpu.memory_space<semaphore_mem>>
      %dma_start3A_220 = arith.constant 0 : i32
      %dma_start3A_221 = arith.constant 0 : i32
      %dma_start3A_222 = tpu.memref_slice %arg7[%run_scoped3A_88, %dma_start3A_220, %dma_start3A_221] : memref<2x128x128xf32, #tpu.memory_space<vmem>> -> memref<1x128x128xf32, #tpu.memory_space<vmem>>
      %dma_start3A_223 = tpu.memref_squeeze %dma_start3A_222 : memref<1x128x128xf32, #tpu.memory_space<vmem>> -> memref<128x128xf32, #tpu.memory_space<vmem>>
      %dma_start3A_224 = arith.constant 4608 : i32
      %dma_start3A_225 = tpu.memref_slice %arg5[%run_scoped3A_89, %dma_start3A_224] : memref<2x4992xi32, #tpu.memory_space<vmem>> -> memref<1x128xi32, #tpu.memory_space<vmem>>
      %dma_start3A_226 = tpu.memref_squeeze %dma_start3A_225 : memref<1x128xi32, #tpu.memory_space<vmem>> -> memref<128xi32, #tpu.memory_space<vmem>>
      %dma_start3A_227 = arith.constant 0 : i32
      %dma_start3A_228 = arith.constant 0 : i32
      %dma_start3A_229 = tpu.memref_slice %arg8[%dma_start3A_227, %dma_start3A_228] : memref<10240x128xf32, #tpu.memory_space<vmem_shared>> -> memref<10240x128xf32, #tpu.memory_space<vmem_shared>>
      tpu.enqueue_indirect_dma source(%dma_start3A_223 : memref<128x128xf32, #tpu.memory_space<vmem>>) target(%dma_start3A_229 : memref<10240x128xf32, #tpu.memory_space<vmem_shared>>) offsets(%dma_start3A_226 : memref<128xi32, #tpu.memory_space<vmem>>) semaphore(%run_scoped3A_219 : memref<!tpu.dma_semaphore, #tpu.memory_space<semaphore_mem>>) {add = true}
      %dma_wait3A_230 = arith.constant 0 : i32
      %dma_wait3A_231 = arith.constant 0 : i32
      %dma_wait3A_232 = tpu.memref_slice %arg7[%run_scoped3A_88, %dma_wait3A_230, %dma_wait3A_231] : memref<2x128x128xf32, #tpu.memory_space<vmem>> -> memref<1x128x128xf32, #tpu.memory_space<vmem>>
      %dma_wait3A_233 = tpu.memref_squeeze %dma_wait3A_232 : memref<1x128x128xf32, #tpu.memory_space<vmem>> -> memref<128x128xf32, #tpu.memory_space<vmem>>
      %dma_wait3A_234 = arith.constant 4608 : i32
      %dma_wait3A_235 = tpu.memref_slice %arg5[%run_scoped3A_89, %dma_wait3A_234] : memref<2x4992xi32, #tpu.memory_space<vmem>> -> memref<1x128xi32, #tpu.memory_space<vmem>>
      %dma_wait3A_236 = tpu.memref_squeeze %dma_wait3A_235 : memref<1x128xi32, #tpu.memory_space<vmem>> -> memref<128xi32, #tpu.memory_space<vmem>>
      %dma_wait3A_237 = arith.constant 0 : i32
      %dma_wait3A_238 = arith.constant 0 : i32
      %dma_wait3A_239 = tpu.memref_slice %arg8[%dma_wait3A_237, %dma_wait3A_238] : memref<10240x128xf32, #tpu.memory_space<vmem_shared>> -> memref<10240x128xf32, #tpu.memory_space<vmem_shared>>
      tpu.wait_indirect_dma semaphore(%run_scoped3A_219 : memref<!tpu.dma_semaphore, #tpu.memory_space<semaphore_mem>>) src(%dma_wait3A_233 : memref<128x128xf32, #tpu.memory_space<vmem>>) dst(%dma_wait3A_239 : memref<10240x128xf32, #tpu.memory_space<vmem_shared>>)
      tpu.yield
    }) : () -> ()
    %dma_wait3A_90 = arith.constant 0 : i32
    %dma_wait3A_91 = arith.constant 1 : i32
    %dma_wait3A_92 = arith.constant 0 : i32
    %dma_wait3A_93 = arith.constant 0 : i32
    %dma_wait3A_94 = tpu.memref_slice %arg7[%dma_wait3A_91, %dma_wait3A_92, %dma_wait3A_93] : memref<2x128x128xf32, #tpu.memory_space<vmem>> -> memref<1x128x128xf32, #tpu.memory_space<vmem>>
    %dma_wait3A_95 = tpu.memref_squeeze %dma_wait3A_94 : memref<1x128x128xf32, #tpu.memory_space<vmem>> -> memref<128x128xf32, #tpu.memory_space<vmem>>
    %dma_wait3A_96 = arith.constant 4736 : i32
    %dma_wait3A_97 = tpu.memref_slice %arg5[%dma_wait3A_90, %dma_wait3A_96] : memref<2x4992xi32, #tpu.memory_space<vmem>> -> memref<1x128xi32, #tpu.memory_space<vmem>>
    %dma_wait3A_98 = tpu.memref_squeeze %dma_wait3A_97 : memref<1x128xi32, #tpu.memory_space<vmem>> -> memref<128xi32, #tpu.memory_space<vmem>>
    %dma_wait3A_99 = arith.constant 0 : i32
    %dma_wait3A_100 = arith.constant 0 : i32
    %dma_wait3A_101 = tpu.memref_slice %arg2[%dma_wait3A_99, %dma_wait3A_100] : memref<10000x128xf32, #tpu.memory_space<hbm>> -> memref<10000x128xf32, #tpu.memory_space<hbm>>
    tpu.wait_indirect_dma semaphore(%arg10 : memref<!tpu.dma_semaphore, #tpu.memory_space<semaphore_mem>>) src(%dma_wait3A_101 : memref<10000x128xf32, #tpu.memory_space<hbm>>) dst(%dma_wait3A_95 : memref<128x128xf32, #tpu.memory_space<vmem>>)
    %run_scoped3A_102 = arith.constant 1 : i32
    %run_scoped3A_103 = arith.constant 1 : i32
    "tpu.region"() ({
      %run_scoped3A_219 = tpu.sem_alloc : memref<!tpu.dma_semaphore, #tpu.memory_space<semaphore_mem>>
      %dma_start3A_220 = arith.constant 0 : i32
      %dma_start3A_221 = arith.constant 0 : i32
      %dma_start3A_222 = tpu.memref_slice %arg7[%run_scoped3A_102, %dma_start3A_220, %dma_start3A_221] : memref<2x128x128xf32, #tpu.memory_space<vmem>> -> memref<1x128x128xf32, #tpu.memory_space<vmem>>
      %dma_start3A_223 = tpu.memref_squeeze %dma_start3A_222 : memref<1x128x128xf32, #tpu.memory_space<vmem>> -> memref<128x128xf32, #tpu.memory_space<vmem>>
      %dma_start3A_224 = arith.constant 4736 : i32
      %dma_start3A_225 = tpu.memref_slice %arg5[%run_scoped3A_103, %dma_start3A_224] : memref<2x4992xi32, #tpu.memory_space<vmem>> -> memref<1x128xi32, #tpu.memory_space<vmem>>
      %dma_start3A_226 = tpu.memref_squeeze %dma_start3A_225 : memref<1x128xi32, #tpu.memory_space<vmem>> -> memref<128xi32, #tpu.memory_space<vmem>>
      %dma_start3A_227 = arith.constant 0 : i32
      %dma_start3A_228 = arith.constant 0 : i32
      %dma_start3A_229 = tpu.memref_slice %arg8[%dma_start3A_227, %dma_start3A_228] : memref<10240x128xf32, #tpu.memory_space<vmem_shared>> -> memref<10240x128xf32, #tpu.memory_space<vmem_shared>>
      tpu.enqueue_indirect_dma source(%dma_start3A_223 : memref<128x128xf32, #tpu.memory_space<vmem>>) target(%dma_start3A_229 : memref<10240x128xf32, #tpu.memory_space<vmem_shared>>) offsets(%dma_start3A_226 : memref<128xi32, #tpu.memory_space<vmem>>) semaphore(%run_scoped3A_219 : memref<!tpu.dma_semaphore, #tpu.memory_space<semaphore_mem>>) {add = true}
      %dma_wait3A_230 = arith.constant 0 : i32
      %dma_wait3A_231 = arith.constant 0 : i32
      %dma_wait3A_232 = tpu.memref_slice %arg7[%run_scoped3A_102, %dma_wait3A_230, %dma_wait3A_231] : memref<2x128x128xf32, #tpu.memory_space<vmem>> -> memref<1x128x128xf32, #tpu.memory_space<vmem>>
      %dma_wait3A_233 = tpu.memref_squeeze %dma_wait3A_232 : memref<1x128x128xf32, #tpu.memory_space<vmem>> -> memref<128x128xf32, #tpu.memory_space<vmem>>
      %dma_wait3A_234 = arith.constant 4736 : i32
      %dma_wait3A_235 = tpu.memref_slice %arg5[%run_scoped3A_103, %dma_wait3A_234] : memref<2x4992xi32, #tpu.memory_space<vmem>> -> memref<1x128xi32, #tpu.memory_space<vmem>>
      %dma_wait3A_236 = tpu.memref_squeeze %dma_wait3A_235 : memref<1x128xi32, #tpu.memory_space<vmem>> -> memref<128xi32, #tpu.memory_space<vmem>>
      %dma_wait3A_237 = arith.constant 0 : i32
      %dma_wait3A_238 = arith.constant 0 : i32
      %dma_wait3A_239 = tpu.memref_slice %arg8[%dma_wait3A_237, %dma_wait3A_238] : memref<10240x128xf32, #tpu.memory_space<vmem_shared>> -> memref<10240x128xf32, #tpu.memory_space<vmem_shared>>
      tpu.wait_indirect_dma semaphore(%run_scoped3A_219 : memref<!tpu.dma_semaphore, #tpu.memory_space<semaphore_mem>>) src(%dma_wait3A_233 : memref<128x128xf32, #tpu.memory_space<vmem>>) dst(%dma_wait3A_239 : memref<10240x128xf32, #tpu.memory_space<vmem_shared>>)
      tpu.yield
    }) : () -> ()
    %dma_start3A_104 = arith.constant 0 : i32
    %dma_start3A_105 = arith.constant 0 : i32
    %dma_start3A_106 = arith.constant 0 : i32
    %dma_start3A_107 = arith.constant 0 : i32
    %dma_start3A_108 = tpu.memref_slice %arg7[%dma_start3A_105, %dma_start3A_106, %dma_start3A_107] : memref<2x128x128xf32, #tpu.memory_space<vmem>> -> memref<1x128x128xf32, #tpu.memory_space<vmem>>
    %dma_start3A_109 = tpu.memref_squeeze %dma_start3A_108 : memref<1x128x128xf32, #tpu.memory_space<vmem>> -> memref<128x128xf32, #tpu.memory_space<vmem>>
    %dma_start3A_110 = arith.constant 4864 : i32
    %dma_start3A_111 = tpu.memref_slice %arg5[%dma_start3A_104, %dma_start3A_110] : memref<2x4992xi32, #tpu.memory_space<vmem>> -> memref<1x128xi32, #tpu.memory_space<vmem>>
    %dma_start3A_112 = tpu.memref_squeeze %dma_start3A_111 : memref<1x128xi32, #tpu.memory_space<vmem>> -> memref<128xi32, #tpu.memory_space<vmem>>
    %dma_start3A_113 = arith.constant 0 : i32
    %dma_start3A_114 = arith.constant 0 : i32
    %dma_start3A_115 = tpu.memref_slice %arg2[%dma_start3A_113, %dma_start3A_114] : memref<10000x128xf32, #tpu.memory_space<hbm>> -> memref<10000x128xf32, #tpu.memory_space<hbm>>
    tpu.enqueue_indirect_dma source(%dma_start3A_115 : memref<10000x128xf32, #tpu.memory_space<hbm>>) target(%dma_start3A_109 : memref<128x128xf32, #tpu.memory_space<vmem>>) offsets(%dma_start3A_112 : memref<128xi32, #tpu.memory_space<vmem>>) semaphore(%arg9 : memref<!tpu.dma_semaphore, #tpu.memory_space<semaphore_mem>>)
    %dma_wait3A_116 = arith.constant 0 : i32
    %dma_wait3A_117 = arith.constant 0 : i32
    %dma_wait3A_118 = arith.constant 0 : i32
    %dma_wait3A_119 = arith.constant 0 : i32
    %dma_wait3A_120 = tpu.memref_slice %arg7[%dma_wait3A_117, %dma_wait3A_118, %dma_wait3A_119] : memref<2x128x128xf32, #tpu.memory_space<vmem>> -> memref<1x128x128xf32, #tpu.memory_space<vmem>>
    %dma_wait3A_121 = tpu.memref_squeeze %dma_wait3A_120 : memref<1x128x128xf32, #tpu.memory_space<vmem>> -> memref<128x128xf32, #tpu.memory_space<vmem>>
    %dma_wait3A_122 = arith.constant 4864 : i32
    %dma_wait3A_123 = tpu.memref_slice %arg5[%dma_wait3A_116, %dma_wait3A_122] : memref<2x4992xi32, #tpu.memory_space<vmem>> -> memref<1x128xi32, #tpu.memory_space<vmem>>
    %dma_wait3A_124 = tpu.memref_squeeze %dma_wait3A_123 : memref<1x128xi32, #tpu.memory_space<vmem>> -> memref<128xi32, #tpu.memory_space<vmem>>
    %dma_wait3A_125 = arith.constant 0 : i32
    %dma_wait3A_126 = arith.constant 0 : i32
    %dma_wait3A_127 = tpu.memref_slice %arg2[%dma_wait3A_125, %dma_wait3A_126] : memref<10000x128xf32, #tpu.memory_space<hbm>> -> memref<10000x128xf32, #tpu.memory_space<hbm>>
    tpu.wait_indirect_dma semaphore(%arg9 : memref<!tpu.dma_semaphore, #tpu.memory_space<semaphore_mem>>) src(%dma_wait3A_127 : memref<10000x128xf32, #tpu.memory_space<hbm>>) dst(%dma_wait3A_121 : memref<128x128xf32, #tpu.memory_space<vmem>>)
    %run_scoped3A_128 = arith.constant 0 : i32
    %run_scoped3A_129 = arith.constant 1 : i32
    "tpu.region"() ({
      %run_scoped3A_219 = tpu.sem_alloc : memref<!tpu.dma_semaphore, #tpu.memory_space<semaphore_mem>>
      %dma_start3A_220 = arith.constant 0 : i32
      %dma_start3A_221 = arith.constant 0 : i32
      %dma_start3A_222 = tpu.memref_slice %arg7[%run_scoped3A_128, %dma_start3A_220, %dma_start3A_221] : memref<2x128x128xf32, #tpu.memory_space<vmem>> -> memref<1x128x128xf32, #tpu.memory_space<vmem>>
      %dma_start3A_223 = tpu.memref_squeeze %dma_start3A_222 : memref<1x128x128xf32, #tpu.memory_space<vmem>> -> memref<128x128xf32, #tpu.memory_space<vmem>>
      %dma_start3A_224 = arith.constant 4864 : i32
      %dma_start3A_225 = tpu.memref_slice %arg5[%run_scoped3A_129, %dma_start3A_224] : memref<2x4992xi32, #tpu.memory_space<vmem>> -> memref<1x128xi32, #tpu.memory_space<vmem>>
      %dma_start3A_226 = tpu.memref_squeeze %dma_start3A_225 : memref<1x128xi32, #tpu.memory_space<vmem>> -> memref<128xi32, #tpu.memory_space<vmem>>
      %dma_start3A_227 = arith.constant 0 : i32
      %dma_start3A_228 = arith.constant 0 : i32
      %dma_start3A_229 = tpu.memref_slice %arg8[%dma_start3A_227, %dma_start3A_228] : memref<10240x128xf32, #tpu.memory_space<vmem_shared>> -> memref<10240x128xf32, #tpu.memory_space<vmem_shared>>
      tpu.enqueue_indirect_dma source(%dma_start3A_223 : memref<128x128xf32, #tpu.memory_space<vmem>>) target(%dma_start3A_229 : memref<10240x128xf32, #tpu.memory_space<vmem_shared>>) offsets(%dma_start3A_226 : memref<128xi32, #tpu.memory_space<vmem>>) semaphore(%run_scoped3A_219 : memref<!tpu.dma_semaphore, #tpu.memory_space<semaphore_mem>>) {add = true}
      %dma_wait3A_230 = arith.constant 0 : i32
      %dma_wait3A_231 = arith.constant 0 : i32
      %dma_wait3A_232 = tpu.memref_slice %arg7[%run_scoped3A_128, %dma_wait3A_230, %dma_wait3A_231] : memref<2x128x128xf32, #tpu.memory_space<vmem>> -> memref<1x128x128xf32, #tpu.memory_space<vmem>>
      %dma_wait3A_233 = tpu.memref_squeeze %dma_wait3A_232 : memref<1x128x128xf32, #tpu.memory_space<vmem>> -> memref<128x128xf32, #tpu.memory_space<vmem>>
      %dma_wait3A_234 = arith.constant 4864 : i32
      %dma_wait3A_235 = tpu.memref_slice %arg5[%run_scoped3A_129, %dma_wait3A_234] : memref<2x4992xi32, #tpu.memory_space<vmem>> -> memref<1x128xi32, #tpu.memory_space<vmem>>
      %dma_wait3A_236 = tpu.memref_squeeze %dma_wait3A_235 : memref<1x128xi32, #tpu.memory_space<vmem>> -> memref<128xi32, #tpu.memory_space<vmem>>
      %dma_wait3A_237 = arith.constant 0 : i32
      %dma_wait3A_238 = arith.constant 0 : i32
      %dma_wait3A_239 = tpu.memref_slice %arg8[%dma_wait3A_237, %dma_wait3A_238] : memref<10240x128xf32, #tpu.memory_space<vmem_shared>> -> memref<10240x128xf32, #tpu.memory_space<vmem_shared>>
      tpu.wait_indirect_dma semaphore(%run_scoped3A_219 : memref<!tpu.dma_semaphore, #tpu.memory_space<semaphore_mem>>) src(%dma_wait3A_233 : memref<128x128xf32, #tpu.memory_space<vmem>>) dst(%dma_wait3A_239 : memref<10240x128xf32, #tpu.memory_space<vmem_shared>>)
      tpu.yield
    }) : () -> ()
    %add3A_130 = arith.constant 4992 : i32
    %add3A_131 = arith.addi %mul3A_4, %add3A_130 : i32
    "tpu.region"() ({
      %run_scoped3A_219 = tpu.sem_alloc : memref<!tpu.dma_semaphore, #tpu.memory_space<semaphore_mem>>
      %dma_start3A_220 = arith.constant 0 : i32
      %dma_start3A_221 = tpu.memref_slice %arg3[%dma_start3A_220, %add3A_131] : memref<2x320000xi32, #tpu.memory_space<hbm>> -> memref<2x4992xi32, #tpu.memory_space<hbm>>
      %dma_start3A_222 = arith.constant 0 : i32
      %dma_start3A_223 = tpu.memref_slice %arg3[%dma_start3A_222, %add3A_131] : memref<2x320000xi32, #tpu.memory_space<hbm>> -> memref<2x4992xi32, #tpu.memory_space<hbm>>
      tpu.enqueue_dma source(%dma_start3A_223 : memref<2x4992xi32, #tpu.memory_space<hbm>>) target(%arg5 : memref<2x4992xi32, #tpu.memory_space<vmem>>) target_semaphore(%run_scoped3A_219 : memref<!tpu.dma_semaphore, #tpu.memory_space<semaphore_mem>>)
      %dma_wait3A_224 = arith.constant 0 : i32
      %dma_wait3A_225 = tpu.memref_slice %arg3[%dma_wait3A_224, %add3A_131] : memref<2x320000xi32, #tpu.memory_space<hbm>> -> memref<2x4992xi32, #tpu.memory_space<hbm>>
      %dma_wait3A_226 = arith.constant 0 : i32
      %dma_wait3A_227 = tpu.memref_slice %arg3[%dma_wait3A_226, %add3A_131] : memref<2x320000xi32, #tpu.memory_space<hbm>> -> memref<2x4992xi32, #tpu.memory_space<hbm>>
      tpu.wait_dma2 semaphore(%run_scoped3A_219 : memref<!tpu.dma_semaphore, #tpu.memory_space<semaphore_mem>>) src(%dma_wait3A_227 : memref<2x4992xi32, #tpu.memory_space<hbm>>) dst(%arg5 : memref<2x4992xi32, #tpu.memory_space<vmem>>)
      tpu.yield
    }) : () -> ()
    %dma_start3A_132 = arith.constant 0 : i32
    %dma_start3A_133 = arith.constant 0 : i32
    %dma_start3A_134 = arith.constant 0 : i32
    %dma_start3A_135 = arith.constant 0 : i32
    %dma_start3A_136 = tpu.memref_slice %arg7[%dma_start3A_133, %dma_start3A_134, %dma_start3A_135] : memref<2x128x128xf32, #tpu.memory_space<vmem>> -> memref<1x128x128xf32, #tpu.memory_space<vmem>>
    %dma_start3A_137 = tpu.memref_squeeze %dma_start3A_136 : memref<1x128x128xf32, #tpu.memory_space<vmem>> -> memref<128x128xf32, #tpu.memory_space<vmem>>
    %dma_start3A_138 = arith.constant 0 : i32
    %dma_start3A_139 = tpu.memref_slice %arg5[%dma_start3A_132, %dma_start3A_138] : memref<2x4992xi32, #tpu.memory_space<vmem>> -> memref<1x128xi32, #tpu.memory_space<vmem>>
    %dma_start3A_140 = tpu.memref_squeeze %dma_start3A_139 : memref<1x128xi32, #tpu.memory_space<vmem>> -> memref<128xi32, #tpu.memory_space<vmem>>
    %dma_start3A_141 = arith.constant 0 : i32
    %dma_start3A_142 = arith.constant 0 : i32
    %dma_start3A_143 = tpu.memref_slice %arg2[%dma_start3A_141, %dma_start3A_142] : memref<10000x128xf32, #tpu.memory_space<hbm>> -> memref<10000x128xf32, #tpu.memory_space<hbm>>
    tpu.enqueue_indirect_dma source(%dma_start3A_143 : memref<10000x128xf32, #tpu.memory_space<hbm>>) target(%dma_start3A_137 : memref<128x128xf32, #tpu.memory_space<vmem>>) offsets(%dma_start3A_140 : memref<128xi32, #tpu.memory_space<vmem>>) semaphore(%arg9 : memref<!tpu.dma_semaphore, #tpu.memory_space<semaphore_mem>>)
    %dma_start3A_144 = arith.constant 0 : i32
    %dma_start3A_145 = arith.constant 1 : i32
    %dma_start3A_146 = arith.constant 0 : i32
    %dma_start3A_147 = arith.constant 0 : i32
    %dma_start3A_148 = tpu.memref_slice %arg7[%dma_start3A_145, %dma_start3A_146, %dma_start3A_147] : memref<2x128x128xf32, #tpu.memory_space<vmem>> -> memref<1x128x128xf32, #tpu.memory_space<vmem>>
    %dma_start3A_149 = tpu.memref_squeeze %dma_start3A_148 : memref<1x128x128xf32, #tpu.memory_space<vmem>> -> memref<128x128xf32, #tpu.memory_space<vmem>>
    %dma_start3A_150 = arith.constant 128 : i32
    %dma_start3A_151 = tpu.memref_slice %arg5[%dma_start3A_144, %dma_start3A_150] : memref<2x4992xi32, #tpu.memory_space<vmem>> -> memref<1x128xi32, #tpu.memory_space<vmem>>
    %dma_start3A_152 = tpu.memref_squeeze %dma_start3A_151 : memref<1x128xi32, #tpu.memory_space<vmem>> -> memref<128xi32, #tpu.memory_space<vmem>>
    %dma_start3A_153 = arith.constant 0 : i32
    %dma_start3A_154 = arith.constant 0 : i32
    %dma_start3A_155 = tpu.memref_slice %arg2[%dma_start3A_153, %dma_start3A_154] : memref<10000x128xf32, #tpu.memory_space<hbm>> -> memref<10000x128xf32, #tpu.memory_space<hbm>>
    tpu.enqueue_indirect_dma source(%dma_start3A_155 : memref<10000x128xf32, #tpu.memory_space<hbm>>) target(%dma_start3A_149 : memref<128x128xf32, #tpu.memory_space<vmem>>) offsets(%dma_start3A_152 : memref<128xi32, #tpu.memory_space<vmem>>) semaphore(%arg10 : memref<!tpu.dma_semaphore, #tpu.memory_space<semaphore_mem>>)
    %scan3A_156 = arith.constant 0 : i32
    %scan3A_157 = arith.constant 0 : i32
    %scan3A_158 = arith.constant 18 : i32
    %scan3A_159 = arith.addi %scan3A_157, %scan3A_158 : i32
    %scan3A_160 = arith.constant 1 : i32
    scf.for %scan3A_219 = %scan3A_157 to %scan3A_159 step %scan3A_160  : i32 {
      %mul3A_220 = arith.constant 2 : i32
      %mul3A_221 = arith.muli %mul3A_220, %scan3A_219 : i32
      %mul3A_222 = arith.constant 128 : i32
      %mul3A_223 = arith.muli %mul3A_221, %mul3A_222 : i32
      %dma_wait3A_224 = arith.constant 0 : i32
      %dma_wait3A_225 = arith.constant 0 : i32
      %dma_wait3A_226 = arith.constant 0 : i32
      %dma_wait3A_227 = arith.constant 0 : i32
      %dma_wait3A_228 = tpu.memref_slice %arg7[%dma_wait3A_225, %dma_wait3A_226, %dma_wait3A_227] : memref<2x128x128xf32, #tpu.memory_space<vmem>> -> memref<1x128x128xf32, #tpu.memory_space<vmem>>
      %dma_wait3A_229 = tpu.memref_squeeze %dma_wait3A_228 : memref<1x128x128xf32, #tpu.memory_space<vmem>> -> memref<128x128xf32, #tpu.memory_space<vmem>>
      %dma_wait3A_230 = tpu.memref_slice %arg5[%dma_wait3A_224, %mul3A_223] : memref<2x4992xi32, #tpu.memory_space<vmem>> -> memref<1x128xi32, #tpu.memory_space<vmem>>
      %dma_wait3A_231 = tpu.memref_squeeze %dma_wait3A_230 : memref<1x128xi32, #tpu.memory_space<vmem>> -> memref<128xi32, #tpu.memory_space<vmem>>
      %dma_wait3A_232 = arith.constant 0 : i32
      %dma_wait3A_233 = arith.constant 0 : i32
      %dma_wait3A_234 = tpu.memref_slice %arg2[%dma_wait3A_232, %dma_wait3A_233] : memref<10000x128xf32, #tpu.memory_space<hbm>> -> memref<10000x128xf32, #tpu.memory_space<hbm>>
      tpu.wait_indirect_dma semaphore(%arg9 : memref<!tpu.dma_semaphore, #tpu.memory_space<semaphore_mem>>) src(%dma_wait3A_234 : memref<10000x128xf32, #tpu.memory_space<hbm>>) dst(%dma_wait3A_229 : memref<128x128xf32, #tpu.memory_space<vmem>>)
      %mul3A_235 = arith.constant 128 : i32
      %mul3A_236 = arith.muli %mul3A_221, %mul3A_235 : i32
      %run_scoped3A_237 = arith.constant 0 : i32
      %run_scoped3A_238 = arith.constant 1 : i32
      "tpu.region"() ({
        %run_scoped3A_282 = tpu.sem_alloc : memref<!tpu.dma_semaphore, #tpu.memory_space<semaphore_mem>>
        %dma_start3A_283 = arith.constant 0 : i32
        %dma_start3A_284 = arith.constant 0 : i32
        %dma_start3A_285 = tpu.memref_slice %arg7[%run_scoped3A_237, %dma_start3A_283, %dma_start3A_284] : memref<2x128x128xf32, #tpu.memory_space<vmem>> -> memref<1x128x128xf32, #tpu.memory_space<vmem>>
        %dma_start3A_286 = tpu.memref_squeeze %dma_start3A_285 : memref<1x128x128xf32, #tpu.memory_space<vmem>> -> memref<128x128xf32, #tpu.memory_space<vmem>>
        %dma_start3A_287 = tpu.memref_slice %arg5[%run_scoped3A_238, %mul3A_236] : memref<2x4992xi32, #tpu.memory_space<vmem>> -> memref<1x128xi32, #tpu.memory_space<vmem>>
        %dma_start3A_288 = tpu.memref_squeeze %dma_start3A_287 : memref<1x128xi32, #tpu.memory_space<vmem>> -> memref<128xi32, #tpu.memory_space<vmem>>
        %dma_start3A_289 = arith.constant 0 : i32
        %dma_start3A_290 = arith.constant 0 : i32
        %dma_start3A_291 = tpu.memref_slice %arg8[%dma_start3A_289, %dma_start3A_290] : memref<10240x128xf32, #tpu.memory_space<vmem_shared>> -> memref<10240x128xf32, #tpu.memory_space<vmem_shared>>
        tpu.enqueue_indirect_dma source(%dma_start3A_286 : memref<128x128xf32, #tpu.memory_space<vmem>>) target(%dma_start3A_291 : memref<10240x128xf32, #tpu.memory_space<vmem_shared>>) offsets(%dma_start3A_288 : memref<128xi32, #tpu.memory_space<vmem>>) semaphore(%run_scoped3A_282 : memref<!tpu.dma_semaphore, #tpu.memory_space<semaphore_mem>>) {add = true}
        %dma_wait3A_292 = arith.constant 0 : i32
        %dma_wait3A_293 = arith.constant 0 : i32
        %dma_wait3A_294 = tpu.memref_slice %arg7[%run_scoped3A_237, %dma_wait3A_292, %dma_wait3A_293] : memref<2x128x128xf32, #tpu.memory_space<vmem>> -> memref<1x128x128xf32, #tpu.memory_space<vmem>>
        %dma_wait3A_295 = tpu.memref_squeeze %dma_wait3A_294 : memref<1x128x128xf32, #tpu.memory_space<vmem>> -> memref<128x128xf32, #tpu.memory_space<vmem>>
        %dma_wait3A_296 = tpu.memref_slice %arg5[%run_scoped3A_238, %mul3A_236] : memref<2x4992xi32, #tpu.memory_space<vmem>> -> memref<1x128xi32, #tpu.memory_space<vmem>>
        %dma_wait3A_297 = tpu.memref_squeeze %dma_wait3A_296 : memref<1x128xi32, #tpu.memory_space<vmem>> -> memref<128xi32, #tpu.memory_space<vmem>>
        %dma_wait3A_298 = arith.constant 0 : i32
        %dma_wait3A_299 = arith.constant 0 : i32
        %dma_wait3A_300 = tpu.memref_slice %arg8[%dma_wait3A_298, %dma_wait3A_299] : memref<10240x128xf32, #tpu.memory_space<vmem_shared>> -> memref<10240x128xf32, #tpu.memory_space<vmem_shared>>
        tpu.wait_indirect_dma semaphore(%run_scoped3A_282 : memref<!tpu.dma_semaphore, #tpu.memory_space<semaphore_mem>>) src(%dma_wait3A_295 : memref<128x128xf32, #tpu.memory_space<vmem>>) dst(%dma_wait3A_300 : memref<10240x128xf32, #tpu.memory_space<vmem_shared>>)
        tpu.yield
      }) : () -> ()
      %add3A_239 = arith.constant 2 : i32
      %add3A_240 = arith.addi %mul3A_221, %add3A_239 : i32
      %mul3A_241 = arith.constant 128 : i32
      %mul3A_242 = arith.muli %add3A_240, %mul3A_241 : i32
      %dma_start3A_243 = arith.constant 0 : i32
      %dma_start3A_244 = arith.constant 0 : i32
      %dma_start3A_245 = arith.constant 0 : i32
      %dma_start3A_246 = arith.constant 0 : i32
      %dma_start3A_247 = tpu.memref_slice %arg7[%dma_start3A_244, %dma_start3A_245, %dma_start3A_246] : memref<2x128x128xf32, #tpu.memory_space<vmem>> -> memref<1x128x128xf32, #tpu.memory_space<vmem>>
      %dma_start3A_248 = tpu.memref_squeeze %dma_start3A_247 : memref<1x128x128xf32, #tpu.memory_space<vmem>> -> memref<128x128xf32, #tpu.memory_space<vmem>>
      %dma_start3A_249 = tpu.memref_slice %arg5[%dma_start3A_243, %mul3A_242] : memref<2x4992xi32, #tpu.memory_space<vmem>> -> memref<1x128xi32, #tpu.memory_space<vmem>>
      %dma_start3A_250 = tpu.memref_squeeze %dma_start3A_249 : memref<1x128xi32, #tpu.memory_space<vmem>> -> memref<128xi32, #tpu.memory_space<vmem>>
      %dma_start3A_251 = arith.constant 0 : i32
      %dma_start3A_252 = arith.constant 0 : i32
      %dma_start3A_253 = tpu.memref_slice %arg2[%dma_start3A_251, %dma_start3A_252] : memref<10000x128xf32, #tpu.memory_space<hbm>> -> memref<10000x128xf32, #tpu.memory_space<hbm>>
      tpu.enqueue_indirect_dma source(%dma_start3A_253 : memref<10000x128xf32, #tpu.memory_space<hbm>>) target(%dma_start3A_248 : memref<128x128xf32, #tpu.memory_space<vmem>>) offsets(%dma_start3A_250 : memref<128xi32, #tpu.memory_space<vmem>>) semaphore(%arg9 : memref<!tpu.dma_semaphore, #tpu.memory_space<semaphore_mem>>)
      %add3A_254 = arith.constant 1 : i32
      %add3A_255 = arith.addi %mul3A_221, %add3A_254 : i32
      %mul3A_256 = arith.constant 128 : i32
      %mul3A_257 = arith.muli %add3A_255, %mul3A_256 : i32
      %dma_wait3A_258 = arith.constant 0 : i32
      %dma_wait3A_259 = arith.constant 1 : i32
      %dma_wait3A_260 = arith.constant 0 : i32
      %dma_wait3A_261 = arith.constant 0 : i32
      %dma_wait3A_262 = tpu.memref_slice %arg7[%dma_wait3A_259, %dma_wait3A_260, %dma_wait3A_261] : memref<2x128x128xf32, #tpu.memory_space<vmem>> -> memref<1x128x128xf32, #tpu.memory_space<vmem>>
      %dma_wait3A_263 = tpu.memref_squeeze %dma_wait3A_262 : memref<1x128x128xf32, #tpu.memory_space<vmem>> -> memref<128x128xf32, #tpu.memory_space<vmem>>
      %dma_wait3A_264 = tpu.memref_slice %arg5[%dma_wait3A_258, %mul3A_257] : memref<2x4992xi32, #tpu.memory_space<vmem>> -> memref<1x128xi32, #tpu.memory_space<vmem>>
      %dma_wait3A_265 = tpu.memref_squeeze %dma_wait3A_264 : memref<1x128xi32, #tpu.memory_space<vmem>> -> memref<128xi32, #tpu.memory_space<vmem>>
      %dma_wait3A_266 = arith.constant 0 : i32
      %dma_wait3A_267 = arith.constant 0 : i32
      %dma_wait3A_268 = tpu.memref_slice %arg2[%dma_wait3A_266, %dma_wait3A_267] : memref<10000x128xf32, #tpu.memory_space<hbm>> -> memref<10000x128xf32, #tpu.memory_space<hbm>>
      tpu.wait_indirect_dma semaphore(%arg10 : memref<!tpu.dma_semaphore, #tpu.memory_space<semaphore_mem>>) src(%dma_wait3A_268 : memref<10000x128xf32, #tpu.memory_space<hbm>>) dst(%dma_wait3A_263 : memref<128x128xf32, #tpu.memory_space<vmem>>)
      %add3A_269 = arith.constant 1 : i32
      %add3A_270 = arith.addi %mul3A_221, %add3A_269 : i32
      %mul3A_271 = arith.constant 128 : i32
      %mul3A_272 = arith.muli %add3A_270, %mul3A_271 : i32
      %run_scoped3A_273 = arith.constant 1 : i32
      %run_scoped3A_274 = arith.constant 1 : i32
      "tpu.region"() ({
        %run_scoped3A_282 = tpu.sem_alloc : memref<!tpu.dma_semaphore, #tpu.memory_space<semaphore_mem>>
        %dma_start3A_283 = arith.constant 0 : i32
        %dma_start3A_284 = arith.constant 0 : i32
        %dma_start3A_285 = tpu.memref_slice %arg7[%run_scoped3A_273, %dma_start3A_283, %dma_start3A_284] : memref<2x128x128xf32, #tpu.memory_space<vmem>> -> memref<1x128x128xf32, #tpu.memory_space<vmem>>
        %dma_start3A_286 = tpu.memref_squeeze %dma_start3A_285 : memref<1x128x128xf32, #tpu.memory_space<vmem>> -> memref<128x128xf32, #tpu.memory_space<vmem>>
        %dma_start3A_287 = tpu.memref_slice %arg5[%run_scoped3A_274, %mul3A_272] : memref<2x4992xi32, #tpu.memory_space<vmem>> -> memref<1x128xi32, #tpu.memory_space<vmem>>
        %dma_start3A_288 = tpu.memref_squeeze %dma_start3A_287 : memref<1x128xi32, #tpu.memory_space<vmem>> -> memref<128xi32, #tpu.memory_space<vmem>>
        %dma_start3A_289 = arith.constant 0 : i32
        %dma_start3A_290 = arith.constant 0 : i32
        %dma_start3A_291 = tpu.memref_slice %arg8[%dma_start3A_289, %dma_start3A_290] : memref<10240x128xf32, #tpu.memory_space<vmem_shared>> -> memref<10240x128xf32, #tpu.memory_space<vmem_shared>>
        tpu.enqueue_indirect_dma source(%dma_start3A_286 : memref<128x128xf32, #tpu.memory_space<vmem>>) target(%dma_start3A_291 : memref<10240x128xf32, #tpu.memory_space<vmem_shared>>) offsets(%dma_start3A_288 : memref<128xi32, #tpu.memory_space<vmem>>) semaphore(%run_scoped3A_282 : memref<!tpu.dma_semaphore, #tpu.memory_space<semaphore_mem>>) {add = true}
        %dma_wait3A_292 = arith.constant 0 : i32
        %dma_wait3A_293 = arith.constant 0 : i32
        %dma_wait3A_294 = tpu.memref_slice %arg7[%run_scoped3A_273, %dma_wait3A_292, %dma_wait3A_293] : memref<2x128x128xf32, #tpu.memory_space<vmem>> -> memref<1x128x128xf32, #tpu.memory_space<vmem>>
        %dma_wait3A_295 = tpu.memref_squeeze %dma_wait3A_294 : memref<1x128x128xf32, #tpu.memory_space<vmem>> -> memref<128x128xf32, #tpu.memory_space<vmem>>
        %dma_wait3A_296 = tpu.memref_slice %arg5[%run_scoped3A_274, %mul3A_272] : memref<2x4992xi32, #tpu.memory_space<vmem>> -> memref<1x128xi32, #tpu.memory_space<vmem>>
        %dma_wait3A_297 = tpu.memref_squeeze %dma_wait3A_296 : memref<1x128xi32, #tpu.memory_space<vmem>> -> memref<128xi32, #tpu.memory_space<vmem>>
        %dma_wait3A_298 = arith.constant 0 : i32
        %dma_wait3A_299 = arith.constant 0 : i32
        %dma_wait3A_300 = tpu.memref_slice %arg8[%dma_wait3A_298, %dma_wait3A_299] : memref<10240x128xf32, #tpu.memory_space<vmem_shared>> -> memref<10240x128xf32, #tpu.memory_space<vmem_shared>>
        tpu.wait_indirect_dma semaphore(%run_scoped3A_282 : memref<!tpu.dma_semaphore, #tpu.memory_space<semaphore_mem>>) src(%dma_wait3A_295 : memref<128x128xf32, #tpu.memory_space<vmem>>) dst(%dma_wait3A_300 : memref<10240x128xf32, #tpu.memory_space<vmem_shared>>)
        tpu.yield
      }) : () -> ()
      %add3A_275 = arith.constant 3 : i32
      %add3A_276 = arith.addi %mul3A_221, %add3A_275 : i32
      %lt3A_277 = arith.constant 39 : i32
      %lt3A_278 = arith.cmpi slt, %add3A_276, %lt3A_277 : i32
      %convert_element_type3A_279 = arith.extui %lt3A_278 : i1 to i32
      %cond3A_280 = arith.constant 0 : i32
      %cond3A_281 = arith.cmpi ne, %convert_element_type3A_279, %cond3A_280 : i32
      scf.if %cond3A_281 {
        %add3A_282 = arith.constant 3 : i32
        %add3A_283 = arith.addi %mul3A_221, %add3A_282 : i32
        %mul3A_284 = arith.constant 128 : i32
        %mul3A_285 = arith.muli %add3A_283, %mul3A_284 : i32
        %dma_start3A_286 = arith.constant 0 : i32
        %dma_start3A_287 = arith.constant 1 : i32
        %dma_start3A_288 = arith.constant 0 : i32
        %dma_start3A_289 = arith.constant 0 : i32
        %dma_start3A_290 = tpu.memref_slice %arg7[%dma_start3A_287, %dma_start3A_288, %dma_start3A_289] : memref<2x128x128xf32, #tpu.memory_space<vmem>> -> memref<1x128x128xf32, #tpu.memory_space<vmem>>
        %dma_start3A_291 = tpu.memref_squeeze %dma_start3A_290 : memref<1x128x128xf32, #tpu.memory_space<vmem>> -> memref<128x128xf32, #tpu.memory_space<vmem>>
        %dma_start3A_292 = tpu.memref_slice %arg5[%dma_start3A_286, %mul3A_285] : memref<2x4992xi32, #tpu.memory_space<vmem>> -> memref<1x128xi32, #tpu.memory_space<vmem>>
        %dma_start3A_293 = tpu.memref_squeeze %dma_start3A_292 : memref<1x128xi32, #tpu.memory_space<vmem>> -> memref<128xi32, #tpu.memory_space<vmem>>
        %dma_start3A_294 = arith.constant 0 : i32
        %dma_start3A_295 = arith.constant 0 : i32
        %dma_start3A_296 = tpu.memref_slice %arg2[%dma_start3A_294, %dma_start3A_295] : memref<10000x128xf32, #tpu.memory_space<hbm>> -> memref<10000x128xf32, #tpu.memory_space<hbm>>
        tpu.enqueue_indirect_dma source(%dma_start3A_296 : memref<10000x128xf32, #tpu.memory_space<hbm>>) target(%dma_start3A_291 : memref<128x128xf32, #tpu.memory_space<vmem>>) offsets(%dma_start3A_293 : memref<128xi32, #tpu.memory_space<vmem>>) semaphore(%arg10 : memref<!tpu.dma_semaphore, #tpu.memory_space<semaphore_mem>>)
      } else {
      }
    }
    %scan3A_161 = arith.constant 18 : i32
    %dma_wait3A_162 = arith.constant 0 : i32
    %dma_wait3A_163 = arith.constant 0 : i32
    %dma_wait3A_164 = arith.constant 0 : i32
    %dma_wait3A_165 = arith.constant 0 : i32
    %dma_wait3A_166 = tpu.memref_slice %arg7[%dma_wait3A_163, %dma_wait3A_164, %dma_wait3A_165] : memref<2x128x128xf32, #tpu.memory_space<vmem>> -> memref<1x128x128xf32, #tpu.memory_space<vmem>>
    %dma_wait3A_167 = tpu.memref_squeeze %dma_wait3A_166 : memref<1x128x128xf32, #tpu.memory_space<vmem>> -> memref<128x128xf32, #tpu.memory_space<vmem>>
    %dma_wait3A_168 = arith.constant 4608 : i32
    %dma_wait3A_169 = tpu.memref_slice %arg5[%dma_wait3A_162, %dma_wait3A_168] : memref<2x4992xi32, #tpu.memory_space<vmem>> -> memref<1x128xi32, #tpu.memory_space<vmem>>
    %dma_wait3A_170 = tpu.memref_squeeze %dma_wait3A_169 : memref<1x128xi32, #tpu.memory_space<vmem>> -> memref<128xi32, #tpu.memory_space<vmem>>
    %dma_wait3A_171 = arith.constant 0 : i32
    %dma_wait3A_172 = arith.constant 0 : i32
    %dma_wait3A_173 = tpu.memref_slice %arg2[%dma_wait3A_171, %dma_wait3A_172] : memref<10000x128xf32, #tpu.memory_space<hbm>> -> memref<10000x128xf32, #tpu.memory_space<hbm>>
    tpu.wait_indirect_dma semaphore(%arg9 : memref<!tpu.dma_semaphore, #tpu.memory_space<semaphore_mem>>) src(%dma_wait3A_173 : memref<10000x128xf32, #tpu.memory_space<hbm>>) dst(%dma_wait3A_167 : memref<128x128xf32, #tpu.memory_space<vmem>>)
    %run_scoped3A_174 = arith.constant 0 : i32
    %run_scoped3A_175 = arith.constant 1 : i32
    "tpu.region"() ({
      %run_scoped3A_219 = tpu.sem_alloc : memref<!tpu.dma_semaphore, #tpu.memory_space<semaphore_mem>>
      %dma_start3A_220 = arith.constant 0 : i32
      %dma_start3A_221 = arith.constant 0 : i32
      %dma_start3A_222 = tpu.memref_slice %arg7[%run_scoped3A_174, %dma_start3A_220, %dma_start3A_221] : memref<2x128x128xf32, #tpu.memory_space<vmem>> -> memref<1x128x128xf32, #tpu.memory_space<vmem>>
      %dma_start3A_223 = tpu.memref_squeeze %dma_start3A_222 : memref<1x128x128xf32, #tpu.memory_space<vmem>> -> memref<128x128xf32, #tpu.memory_space<vmem>>
      %dma_start3A_224 = arith.constant 4608 : i32
      %dma_start3A_225 = tpu.memref_slice %arg5[%run_scoped3A_175, %dma_start3A_224] : memref<2x4992xi32, #tpu.memory_space<vmem>> -> memref<1x128xi32, #tpu.memory_space<vmem>>
      %dma_start3A_226 = tpu.memref_squeeze %dma_start3A_225 : memref<1x128xi32, #tpu.memory_space<vmem>> -> memref<128xi32, #tpu.memory_space<vmem>>
      %dma_start3A_227 = arith.constant 0 : i32
      %dma_start3A_228 = arith.constant 0 : i32
      %dma_start3A_229 = tpu.memref_slice %arg8[%dma_start3A_227, %dma_start3A_228] : memref<10240x128xf32, #tpu.memory_space<vmem_shared>> -> memref<10240x128xf32, #tpu.memory_space<vmem_shared>>
      tpu.enqueue_indirect_dma source(%dma_start3A_223 : memref<128x128xf32, #tpu.memory_space<vmem>>) target(%dma_start3A_229 : memref<10240x128xf32, #tpu.memory_space<vmem_shared>>) offsets(%dma_start3A_226 : memref<128xi32, #tpu.memory_space<vmem>>) semaphore(%run_scoped3A_219 : memref<!tpu.dma_semaphore, #tpu.memory_space<semaphore_mem>>) {add = true}
      %dma_wait3A_230 = arith.constant 0 : i32
      %dma_wait3A_231 = arith.constant 0 : i32
      %dma_wait3A_232 = tpu.memref_slice %arg7[%run_scoped3A_174, %dma_wait3A_230, %dma_wait3A_231] : memref<2x128x128xf32, #tpu.memory_space<vmem>> -> memref<1x128x128xf32, #tpu.memory_space<vmem>>
      %dma_wait3A_233 = tpu.memref_squeeze %dma_wait3A_232 : memref<1x128x128xf32, #tpu.memory_space<vmem>> -> memref<128x128xf32, #tpu.memory_space<vmem>>
      %dma_wait3A_234 = arith.constant 4608 : i32
      %dma_wait3A_235 = tpu.memref_slice %arg5[%run_scoped3A_175, %dma_wait3A_234] : memref<2x4992xi32, #tpu.memory_space<vmem>> -> memref<1x128xi32, #tpu.memory_space<vmem>>
      %dma_wait3A_236 = tpu.memref_squeeze %dma_wait3A_235 : memref<1x128xi32, #tpu.memory_space<vmem>> -> memref<128xi32, #tpu.memory_space<vmem>>
      %dma_wait3A_237 = arith.constant 0 : i32
      %dma_wait3A_238 = arith.constant 0 : i32
      %dma_wait3A_239 = tpu.memref_slice %arg8[%dma_wait3A_237, %dma_wait3A_238] : memref<10240x128xf32, #tpu.memory_space<vmem_shared>> -> memref<10240x128xf32, #tpu.memory_space<vmem_shared>>
      tpu.wait_indirect_dma semaphore(%run_scoped3A_219 : memref<!tpu.dma_semaphore, #tpu.memory_space<semaphore_mem>>) src(%dma_wait3A_233 : memref<128x128xf32, #tpu.memory_space<vmem>>) dst(%dma_wait3A_239 : memref<10240x128xf32, #tpu.memory_space<vmem_shared>>)
      tpu.yield
    }) : () -> ()
    %dma_wait3A_176 = arith.constant 0 : i32
    %dma_wait3A_177 = arith.constant 1 : i32
    %dma_wait3A_178 = arith.constant 0 : i32
    %dma_wait3A_179 = arith.constant 0 : i32
    %dma_wait3A_180 = tpu.memref_slice %arg7[%dma_wait3A_177, %dma_wait3A_178, %dma_wait3A_179] : memref<2x128x128xf32, #tpu.memory_space<vmem>> -> memref<1x128x128xf32, #tpu.memory_space<vmem>>
    %dma_wait3A_181 = tpu.memref_squeeze %dma_wait3A_180 : memref<1x128x128xf32, #tpu.memory_space<vmem>> -> memref<128x128xf32, #tpu.memory_space<vmem>>
    %dma_wait3A_182 = arith.constant 4736 : i32
    %dma_wait3A_183 = tpu.memref_slice %arg5[%dma_wait3A_176, %dma_wait3A_182] : memref<2x4992xi32, #tpu.memory_space<vmem>> -> memref<1x128xi32, #tpu.memory_space<vmem>>
    %dma_wait3A_184 = tpu.memref_squeeze %dma_wait3A_183 : memref<1x128xi32, #tpu.memory_space<vmem>> -> memref<128xi32, #tpu.memory_space<vmem>>
    %dma_wait3A_185 = arith.constant 0 : i32
    %dma_wait3A_186 = arith.constant 0 : i32
    %dma_wait3A_187 = tpu.memref_slice %arg2[%dma_wait3A_185, %dma_wait3A_186] : memref<10000x128xf32, #tpu.memory_space<hbm>> -> memref<10000x128xf32, #tpu.memory_space<hbm>>
    tpu.wait_indirect_dma semaphore(%arg10 : memref<!tpu.dma_semaphore, #tpu.memory_space<semaphore_mem>>) src(%dma_wait3A_187 : memref<10000x128xf32, #tpu.memory_space<hbm>>) dst(%dma_wait3A_181 : memref<128x128xf32, #tpu.memory_space<vmem>>)
    %run_scoped3A_188 = arith.constant 1 : i32
    %run_scoped3A_189 = arith.constant 1 : i32
    "tpu.region"() ({
      %run_scoped3A_219 = tpu.sem_alloc : memref<!tpu.dma_semaphore, #tpu.memory_space<semaphore_mem>>
      %dma_start3A_220 = arith.constant 0 : i32
      %dma_start3A_221 = arith.constant 0 : i32
      %dma_start3A_222 = tpu.memref_slice %arg7[%run_scoped3A_188, %dma_start3A_220, %dma_start3A_221] : memref<2x128x128xf32, #tpu.memory_space<vmem>> -> memref<1x128x128xf32, #tpu.memory_space<vmem>>
      %dma_start3A_223 = tpu.memref_squeeze %dma_start3A_222 : memref<1x128x128xf32, #tpu.memory_space<vmem>> -> memref<128x128xf32, #tpu.memory_space<vmem>>
      %dma_start3A_224 = arith.constant 4736 : i32
      %dma_start3A_225 = tpu.memref_slice %arg5[%run_scoped3A_189, %dma_start3A_224] : memref<2x4992xi32, #tpu.memory_space<vmem>> -> memref<1x128xi32, #tpu.memory_space<vmem>>
      %dma_start3A_226 = tpu.memref_squeeze %dma_start3A_225 : memref<1x128xi32, #tpu.memory_space<vmem>> -> memref<128xi32, #tpu.memory_space<vmem>>
      %dma_start3A_227 = arith.constant 0 : i32
      %dma_start3A_228 = arith.constant 0 : i32
      %dma_start3A_229 = tpu.memref_slice %arg8[%dma_start3A_227, %dma_start3A_228] : memref<10240x128xf32, #tpu.memory_space<vmem_shared>> -> memref<10240x128xf32, #tpu.memory_space<vmem_shared>>
      tpu.enqueue_indirect_dma source(%dma_start3A_223 : memref<128x128xf32, #tpu.memory_space<vmem>>) target(%dma_start3A_229 : memref<10240x128xf32, #tpu.memory_space<vmem_shared>>) offsets(%dma_start3A_226 : memref<128xi32, #tpu.memory_space<vmem>>) semaphore(%run_scoped3A_219 : memref<!tpu.dma_semaphore, #tpu.memory_space<semaphore_mem>>) {add = true}
      %dma_wait3A_230 = arith.constant 0 : i32
      %dma_wait3A_231 = arith.constant 0 : i32
      %dma_wait3A_232 = tpu.memref_slice %arg7[%run_scoped3A_188, %dma_wait3A_230, %dma_wait3A_231] : memref<2x128x128xf32, #tpu.memory_space<vmem>> -> memref<1x128x128xf32, #tpu.memory_space<vmem>>
      %dma_wait3A_233 = tpu.memref_squeeze %dma_wait3A_232 : memref<1x128x128xf32, #tpu.memory_space<vmem>> -> memref<128x128xf32, #tpu.memory_space<vmem>>
      %dma_wait3A_234 = arith.constant 4736 : i32
      %dma_wait3A_235 = tpu.memref_slice %arg5[%run_scoped3A_189, %dma_wait3A_234] : memref<2x4992xi32, #tpu.memory_space<vmem>> -> memref<1x128xi32, #tpu.memory_space<vmem>>
      %dma_wait3A_236 = tpu.memref_squeeze %dma_wait3A_235 : memref<1x128xi32, #tpu.memory_space<vmem>> -> memref<128xi32, #tpu.memory_space<vmem>>
      %dma_wait3A_237 = arith.constant 0 : i32
      %dma_wait3A_238 = arith.constant 0 : i32
      %dma_wait3A_239 = tpu.memref_slice %arg8[%dma_wait3A_237, %dma_wait3A_238] : memref<10240x128xf32, #tpu.memory_space<vmem_shared>> -> memref<10240x128xf32, #tpu.memory_space<vmem_shared>>
      tpu.wait_indirect_dma semaphore(%run_scoped3A_219 : memref<!tpu.dma_semaphore, #tpu.memory_space<semaphore_mem>>) src(%dma_wait3A_233 : memref<128x128xf32, #tpu.memory_space<vmem>>) dst(%dma_wait3A_239 : memref<10240x128xf32, #tpu.memory_space<vmem_shared>>)
      tpu.yield
    }) : () -> ()
    %dma_start3A_190 = arith.constant 0 : i32
    %dma_start3A_191 = arith.constant 0 : i32
    %dma_start3A_192 = arith.constant 0 : i32
    %dma_start3A_193 = arith.constant 0 : i32
    %dma_start3A_194 = tpu.memref_slice %arg7[%dma_start3A_191, %dma_start3A_192, %dma_start3A_193] : memref<2x128x128xf32, #tpu.memory_space<vmem>> -> memref<1x128x128xf32, #tpu.memory_space<vmem>>
    %dma_start3A_195 = tpu.memref_squeeze %dma_start3A_194 : memref<1x128x128xf32, #tpu.memory_space<vmem>> -> memref<128x128xf32, #tpu.memory_space<vmem>>
    %dma_start3A_196 = arith.constant 4864 : i32
    %dma_start3A_197 = tpu.memref_slice %arg5[%dma_start3A_190, %dma_start3A_196] : memref<2x4992xi32, #tpu.memory_space<vmem>> -> memref<1x128xi32, #tpu.memory_space<vmem>>
    %dma_start3A_198 = tpu.memref_squeeze %dma_start3A_197 : memref<1x128xi32, #tpu.memory_space<vmem>> -> memref<128xi32, #tpu.memory_space<vmem>>
    %dma_start3A_199 = arith.constant 0 : i32
    %dma_start3A_200 = arith.constant 0 : i32
    %dma_start3A_201 = tpu.memref_slice %arg2[%dma_start3A_199, %dma_start3A_200] : memref<10000x128xf32, #tpu.memory_space<hbm>> -> memref<10000x128xf32, #tpu.memory_space<hbm>>
    tpu.enqueue_indirect_dma source(%dma_start3A_201 : memref<10000x128xf32, #tpu.memory_space<hbm>>) target(%dma_start3A_195 : memref<128x128xf32, #tpu.memory_space<vmem>>) offsets(%dma_start3A_198 : memref<128xi32, #tpu.memory_space<vmem>>) semaphore(%arg9 : memref<!tpu.dma_semaphore, #tpu.memory_space<semaphore_mem>>)
    %dma_wait3A_202 = arith.constant 0 : i32
    %dma_wait3A_203 = arith.constant 0 : i32
    %dma_wait3A_204 = arith.constant 0 : i32
    %dma_wait3A_205 = arith.constant 0 : i32
    %dma_wait3A_206 = tpu.memref_slice %arg7[%dma_wait3A_203, %dma_wait3A_204, %dma_wait3A_205] : memref<2x128x128xf32, #tpu.memory_space<vmem>> -> memref<1x128x128xf32, #tpu.memory_space<vmem>>
    %dma_wait3A_207 = tpu.memref_squeeze %dma_wait3A_206 : memref<1x128x128xf32, #tpu.memory_space<vmem>> -> memref<128x128xf32, #tpu.memory_space<vmem>>
    %dma_wait3A_208 = arith.constant 4864 : i32
    %dma_wait3A_209 = tpu.memref_slice %arg5[%dma_wait3A_202, %dma_wait3A_208] : memref<2x4992xi32, #tpu.memory_space<vmem>> -> memref<1x128xi32, #tpu.memory_space<vmem>>
    %dma_wait3A_210 = tpu.memref_squeeze %dma_wait3A_209 : memref<1x128xi32, #tpu.memory_space<vmem>> -> memref<128xi32, #tpu.memory_space<vmem>>
    %dma_wait3A_211 = arith.constant 0 : i32
    %dma_wait3A_212 = arith.constant 0 : i32
    %dma_wait3A_213 = tpu.memref_slice %arg2[%dma_wait3A_211, %dma_wait3A_212] : memref<10000x128xf32, #tpu.memory_space<hbm>> -> memref<10000x128xf32, #tpu.memory_space<hbm>>
    tpu.wait_indirect_dma semaphore(%arg9 : memref<!tpu.dma_semaphore, #tpu.memory_space<semaphore_mem>>) src(%dma_wait3A_213 : memref<10000x128xf32, #tpu.memory_space<hbm>>) dst(%dma_wait3A_207 : memref<128x128xf32, #tpu.memory_space<vmem>>)
    %run_scoped3A_214 = arith.constant 0 : i32
    %run_scoped3A_215 = arith.constant 1 : i32
    "tpu.region"() ({
      %run_scoped3A_219 = tpu.sem_alloc : memref<!tpu.dma_semaphore, #tpu.memory_space<semaphore_mem>>
      %dma_start3A_220 = arith.constant 0 : i32
      %dma_start3A_221 = arith.constant 0 : i32
      %dma_start3A_222 = tpu.memref_slice %arg7[%run_scoped3A_214, %dma_start3A_220, %dma_start3A_221] : memref<2x128x128xf32, #tpu.memory_space<vmem>> -> memref<1x128x128xf32, #tpu.memory_space<vmem>>
      %dma_start3A_223 = tpu.memref_squeeze %dma_start3A_222 : memref<1x128x128xf32, #tpu.memory_space<vmem>> -> memref<128x128xf32, #tpu.memory_space<vmem>>
      %dma_start3A_224 = arith.constant 4864 : i32
      %dma_start3A_225 = tpu.memref_slice %arg5[%run_scoped3A_215, %dma_start3A_224] : memref<2x4992xi32, #tpu.memory_space<vmem>> -> memref<1x128xi32, #tpu.memory_space<vmem>>
      %dma_start3A_226 = tpu.memref_squeeze %dma_start3A_225 : memref<1x128xi32, #tpu.memory_space<vmem>> -> memref<128xi32, #tpu.memory_space<vmem>>
      %dma_start3A_227 = arith.constant 0 : i32
      %dma_start3A_228 = arith.constant 0 : i32
      %dma_start3A_229 = tpu.memref_slice %arg8[%dma_start3A_227, %dma_start3A_228] : memref<10240x128xf32, #tpu.memory_space<vmem_shared>> -> memref<10240x128xf32, #tpu.memory_space<vmem_shared>>
      tpu.enqueue_indirect_dma source(%dma_start3A_223 : memref<128x128xf32, #tpu.memory_space<vmem>>) target(%dma_start3A_229 : memref<10240x128xf32, #tpu.memory_space<vmem_shared>>) offsets(%dma_start3A_226 : memref<128xi32, #tpu.memory_space<vmem>>) semaphore(%run_scoped3A_219 : memref<!tpu.dma_semaphore, #tpu.memory_space<semaphore_mem>>) {add = true}
      %dma_wait3A_230 = arith.constant 0 : i32
      %dma_wait3A_231 = arith.constant 0 : i32
      %dma_wait3A_232 = tpu.memref_slice %arg7[%run_scoped3A_214, %dma_wait3A_230, %dma_wait3A_231] : memref<2x128x128xf32, #tpu.memory_space<vmem>> -> memref<1x128x128xf32, #tpu.memory_space<vmem>>
      %dma_wait3A_233 = tpu.memref_squeeze %dma_wait3A_232 : memref<1x128x128xf32, #tpu.memory_space<vmem>> -> memref<128x128xf32, #tpu.memory_space<vmem>>
      %dma_wait3A_234 = arith.constant 4864 : i32
      %dma_wait3A_235 = tpu.memref_slice %arg5[%run_scoped3A_215, %dma_wait3A_234] : memref<2x4992xi32, #tpu.memory_space<vmem>> -> memref<1x128xi32, #tpu.memory_space<vmem>>
      %dma_wait3A_236 = tpu.memref_squeeze %dma_wait3A_235 : memref<1x128xi32, #tpu.memory_space<vmem>> -> memref<128xi32, #tpu.memory_space<vmem>>
      %dma_wait3A_237 = arith.constant 0 : i32
      %dma_wait3A_238 = arith.constant 0 : i32
      %dma_wait3A_239 = tpu.memref_slice %arg8[%dma_wait3A_237, %dma_wait3A_238] : memref<10240x128xf32, #tpu.memory_space<vmem_shared>> -> memref<10240x128xf32, #tpu.memory_space<vmem_shared>>
      tpu.wait_indirect_dma semaphore(%run_scoped3A_219 : memref<!tpu.dma_semaphore, #tpu.memory_space<semaphore_mem>>) src(%dma_wait3A_233 : memref<128x128xf32, #tpu.memory_space<vmem>>) dst(%dma_wait3A_239 : memref<10240x128xf32, #tpu.memory_space<vmem_shared>>)
      tpu.yield
    }) : () -> ()
    %lt3A = arith.constant 4 : i32
    %lt3A_216 = arith.cmpi slt, %add3A, %lt3A : i32
    %convert_element_type3A = arith.extui %lt3A_216 : i1 to i32
    %cond3A = arith.constant 0 : i32
    %cond3A_217 = arith.cmpi ne, %convert_element_type3A, %cond3A : i32
    scf.if %cond3A_217 {
      %dma_start3A_219 = arith.constant 0 : i32
      %dma_start3A_220 = arith.constant 0 : i32
      %dma_start3A_221 = arith.constant 0 : i32
      %dma_start3A_222 = arith.constant 0 : i32
      %dma_start3A_223 = tpu.memref_slice %arg7[%dma_start3A_220, %dma_start3A_221, %dma_start3A_222] : memref<2x128x128xf32, #tpu.memory_space<vmem>> -> memref<1x128x128xf32, #tpu.memory_space<vmem>>
      %dma_start3A_224 = tpu.memref_squeeze %dma_start3A_223 : memref<1x128x128xf32, #tpu.memory_space<vmem>> -> memref<128x128xf32, #tpu.memory_space<vmem>>
      %dma_start3A_225 = arith.constant 0 : i32
      %dma_start3A_226 = tpu.memref_slice %arg6[%dma_start3A_219, %dma_start3A_225] : memref<2x128xi32, #tpu.memory_space<vmem>> -> memref<1x128xi32, #tpu.memory_space<vmem>>
      %dma_start3A_227 = tpu.memref_squeeze %dma_start3A_226 : memref<1x128xi32, #tpu.memory_space<vmem>> -> memref<128xi32, #tpu.memory_space<vmem>>
      %dma_start3A_228 = arith.constant 0 : i32
      %dma_start3A_229 = arith.constant 0 : i32
      %dma_start3A_230 = tpu.memref_slice %arg2[%dma_start3A_228, %dma_start3A_229] : memref<10000x128xf32, #tpu.memory_space<hbm>> -> memref<10000x128xf32, #tpu.memory_space<hbm>>
      tpu.enqueue_indirect_dma source(%dma_start3A_230 : memref<10000x128xf32, #tpu.memory_space<hbm>>) target(%dma_start3A_224 : memref<128x128xf32, #tpu.memory_space<vmem>>) offsets(%dma_start3A_227 : memref<128xi32, #tpu.memory_space<vmem>>) semaphore(%arg9 : memref<!tpu.dma_semaphore, #tpu.memory_space<semaphore_mem>>)
      %dma_wait3A_231 = arith.constant 0 : i32
      %dma_wait3A_232 = arith.constant 0 : i32
      %dma_wait3A_233 = arith.constant 0 : i32
      %dma_wait3A_234 = arith.constant 0 : i32
      %dma_wait3A_235 = tpu.memref_slice %arg7[%dma_wait3A_232, %dma_wait3A_233, %dma_wait3A_234] : memref<2x128x128xf32, #tpu.memory_space<vmem>> -> memref<1x128x128xf32, #tpu.memory_space<vmem>>
      %dma_wait3A_236 = tpu.memref_squeeze %dma_wait3A_235 : memref<1x128x128xf32, #tpu.memory_space<vmem>> -> memref<128x128xf32, #tpu.memory_space<vmem>>
      %dma_wait3A_237 = arith.constant 0 : i32
      %dma_wait3A_238 = tpu.memref_slice %arg6[%dma_wait3A_231, %dma_wait3A_237] : memref<2x128xi32, #tpu.memory_space<vmem>> -> memref<1x128xi32, #tpu.memory_space<vmem>>
      %dma_wait3A_239 = tpu.memref_squeeze %dma_wait3A_238 : memref<1x128xi32, #tpu.memory_space<vmem>> -> memref<128xi32, #tpu.memory_space<vmem>>
      %dma_wait3A_240 = arith.constant 0 : i32
      %dma_wait3A_241 = arith.constant 0 : i32
      %dma_wait3A_242 = tpu.memref_slice %arg2[%dma_wait3A_240, %dma_wait3A_241] : memref<10000x128xf32, #tpu.memory_space<hbm>> -> memref<10000x128xf32, #tpu.memory_space<hbm>>
      tpu.wait_indirect_dma semaphore(%arg9 : memref<!tpu.dma_semaphore, #tpu.memory_space<semaphore_mem>>) src(%dma_wait3A_242 : memref<10000x128xf32, #tpu.memory_space<hbm>>) dst(%dma_wait3A_236 : memref<128x128xf32, #tpu.memory_space<vmem>>)
      %run_scoped3A_243 = arith.constant 0 : i32
      %run_scoped3A_244 = arith.constant 1 : i32
      "tpu.region"() ({
        %run_scoped3A_245 = tpu.sem_alloc : memref<!tpu.dma_semaphore, #tpu.memory_space<semaphore_mem>>
        %dma_start3A_246 = arith.constant 0 : i32
        %dma_start3A_247 = arith.constant 0 : i32
        %dma_start3A_248 = tpu.memref_slice %arg7[%run_scoped3A_243, %dma_start3A_246, %dma_start3A_247] : memref<2x128x128xf32, #tpu.memory_space<vmem>> -> memref<1x128x128xf32, #tpu.memory_space<vmem>>
        %dma_start3A_249 = tpu.memref_squeeze %dma_start3A_248 : memref<1x128x128xf32, #tpu.memory_space<vmem>> -> memref<128x128xf32, #tpu.memory_space<vmem>>
        %dma_start3A_250 = arith.constant 0 : i32
        %dma_start3A_251 = tpu.memref_slice %arg6[%run_scoped3A_244, %dma_start3A_250] : memref<2x128xi32, #tpu.memory_space<vmem>> -> memref<1x128xi32, #tpu.memory_space<vmem>>
        %dma_start3A_252 = tpu.memref_squeeze %dma_start3A_251 : memref<1x128xi32, #tpu.memory_space<vmem>> -> memref<128xi32, #tpu.memory_space<vmem>>
        %dma_start3A_253 = arith.constant 0 : i32
        %dma_start3A_254 = arith.constant 0 : i32
        %dma_start3A_255 = tpu.memref_slice %arg8[%dma_start3A_253, %dma_start3A_254] : memref<10240x128xf32, #tpu.memory_space<vmem_shared>> -> memref<10240x128xf32, #tpu.memory_space<vmem_shared>>
        tpu.enqueue_indirect_dma source(%dma_start3A_249 : memref<128x128xf32, #tpu.memory_space<vmem>>) target(%dma_start3A_255 : memref<10240x128xf32, #tpu.memory_space<vmem_shared>>) offsets(%dma_start3A_252 : memref<128xi32, #tpu.memory_space<vmem>>) semaphore(%run_scoped3A_245 : memref<!tpu.dma_semaphore, #tpu.memory_space<semaphore_mem>>) {add = true}
        %dma_wait3A_256 = arith.constant 0 : i32
        %dma_wait3A_257 = arith.constant 0 : i32
        %dma_wait3A_258 = tpu.memref_slice %arg7[%run_scoped3A_243, %dma_wait3A_256, %dma_wait3A_257] : memref<2x128x128xf32, #tpu.memory_space<vmem>> -> memref<1x128x128xf32, #tpu.memory_space<vmem>>
        %dma_wait3A_259 = tpu.memref_squeeze %dma_wait3A_258 : memref<1x128x128xf32, #tpu.memory_space<vmem>> -> memref<128x128xf32, #tpu.memory_space<vmem>>
        %dma_wait3A_260 = arith.constant 0 : i32
        %dma_wait3A_261 = tpu.memref_slice %arg6[%run_scoped3A_244, %dma_wait3A_260] : memref<2x128xi32, #tpu.memory_space<vmem>> -> memref<1x128xi32, #tpu.memory_space<vmem>>
        %dma_wait3A_262 = tpu.memref_squeeze %dma_wait3A_261 : memref<1x128xi32, #tpu.memory_space<vmem>> -> memref<128xi32, #tpu.memory_space<vmem>>
        %dma_wait3A_263 = arith.constant 0 : i32
        %dma_wait3A_264 = arith.constant 0 : i32
        %dma_wait3A_265 = tpu.memref_slice %arg8[%dma_wait3A_263, %dma_wait3A_264] : memref<10240x128xf32, #tpu.memory_space<vmem_shared>> -> memref<10240x128xf32, #tpu.memory_space<vmem_shared>>
        tpu.wait_indirect_dma semaphore(%run_scoped3A_245 : memref<!tpu.dma_semaphore, #tpu.memory_space<semaphore_mem>>) src(%dma_wait3A_259 : memref<128x128xf32, #tpu.memory_space<vmem>>) dst(%dma_wait3A_265 : memref<10240x128xf32, #tpu.memory_space<vmem_shared>>)
        tpu.yield
      }) : () -> ()
    } else {
    }
    %barrier3A_218 = arith.constant 0 : index
    tpu.barrier barrier_id(%barrier3A_218)
    "tpu.region"() ({
      %run_scoped3A_219 = tpu.sem_alloc : memref<!tpu.dma_semaphore, #tpu.memory_space<semaphore_mem>>
      %dma_start3A_220 = arith.constant 0 : i32
      %dma_start3A_221 = tpu.memref_slice %arg4[%arg0, %mul3A_24, %dma_start3A_220] : memref<2x10240x128xf32, #tpu.memory_space<hbm>> -> memref<1x640x128xf32, #tpu.memory_space<hbm>>
      %dma_start3A_222 = tpu.memref_squeeze %dma_start3A_221 : memref<1x640x128xf32, #tpu.memory_space<hbm>> -> memref<640x128xf32, #tpu.memory_space<hbm>>
      %dma_start3A_223 = arith.constant 0 : i32
      %dma_start3A_224 = tpu.memref_slice %arg8[%mul3A_24, %dma_start3A_223] : memref<10240x128xf32, #tpu.memory_space<vmem_shared>> -> memref<640x128xf32, #tpu.memory_space<vmem_shared>>
      tpu.enqueue_dma source(%dma_start3A_224 : memref<640x128xf32, #tpu.memory_space<vmem_shared>>) target(%dma_start3A_222 : memref<640x128xf32, #tpu.memory_space<hbm>>) target_semaphore(%run_scoped3A_219 : memref<!tpu.dma_semaphore, #tpu.memory_space<semaphore_mem>>)
      %dma_wait3A_225 = arith.constant 0 : i32
      %dma_wait3A_226 = tpu.memref_slice %arg4[%arg0, %mul3A_24, %dma_wait3A_225] : memref<2x10240x128xf32, #tpu.memory_space<hbm>> -> memref<1x640x128xf32, #tpu.memory_space<hbm>>
      %dma_wait3A_227 = tpu.memref_squeeze %dma_wait3A_226 : memref<1x640x128xf32, #tpu.memory_space<hbm>> -> memref<640x128xf32, #tpu.memory_space<hbm>>
      %dma_wait3A_228 = arith.constant 0 : i32
      %dma_wait3A_229 = tpu.memref_slice %arg8[%mul3A_24, %dma_wait3A_228] : memref<10240x128xf32, #tpu.memory_space<vmem_shared>> -> memref<640x128xf32, #tpu.memory_space<vmem_shared>>
      tpu.wait_dma2 semaphore(%run_scoped3A_219 : memref<!tpu.dma_semaphore, #tpu.memory_space<semaphore_mem>>) src(%dma_wait3A_229 : memref<640x128xf32, #tpu.memory_space<vmem_shared>>) dst(%dma_wait3A_227 : memref<640x128xf32, #tpu.memory_space<hbm>>)
      tpu.yield
    }) : () -> ()
    return
  }
}

#map = affine_map<(d0, d1) -> (0, 0)>
#map1 = affine_map<(d0, d1) -> (0, 0, 0)>
module attributes {stable_mosaic.version = 14 : i64} {
  func.func @agg_kernel(%arg0: i32, %arg1: i32, %arg2: memref<10000x128xf32, #tpu.memory_space<hbm>>, %arg3: memref<2x320000xi32, #tpu.memory_space<hbm>>, %arg4: memref<2x10240x128xf32, #tpu.memory_space<hbm>>, %arg5: memref<2x4992xi32, #tpu.memory_space<vmem>>, %arg6: memref<2x128xi32, #tpu.memory_space<vmem>>, %arg7: memref<2x128x128xf32, #tpu.memory_space<vmem>>, %arg8: memref<10240x128xf32, #tpu.memory_space<vmem_shared>>, %arg9: memref<!tpu.dma_semaphore, #tpu.memory_space<semaphore_mem>>, %arg10: memref<!tpu.dma_semaphore, #tpu.memory_space<semaphore_mem>>) attributes {dimension_semantics = [#tpu.dimension_semantics<core_parallel>, #tpu.dimension_semantics<subcore_parallel>], iteration_bounds = array<i64: 2, 16>, scalar_prefetch = 0 : i64, scratch_operands = 6 : i64, tpu.core_type = #tpu.core_type<sc_vector_subcore>, window_params = [{transform_indices = #map}, {transform_indices = #map}, {transform_indices = #map1}]} {
    %mul3A = arith.constant 2 : i32
    %mul3A_0 = arith.muli %arg1, %mul3A : i32
    %add3A = arith.addi %mul3A_0, %arg0 : i32
    %mul3A_1 = arith.constant 78 : i32
    %mul3A_2 = arith.muli %add3A, %mul3A_1 : i32
    %mul3A_3 = arith.constant 128 : i32
    %mul3A_4 = arith.muli %mul3A_2, %mul3A_3 : i32
    %dma_start3A = arith.constant 0 : i32
    %dma_start3A_5 = tpu.memref_slice %arg3[%dma_start3A, %mul3A_4] : memref<2x320000xi32, #tpu.memory_space<hbm>> -> memref<2x4992xi32, #tpu.memory_space<hbm>>
    %dma_start3A_6 = arith.constant 0 : i32
    %dma_start3A_7 = tpu.memref_slice %arg3[%dma_start3A_6, %mul3A_4] : memref<2x320000xi32, #tpu.memory_space<hbm>> -> memref<2x4992xi32, #tpu.memory_space<hbm>>
    tpu.enqueue_dma source(%dma_start3A_7 : memref<2x4992xi32, #tpu.memory_space<hbm>>) target(%arg5 : memref<2x4992xi32, #tpu.memory_space<vmem>>) target_semaphore(%arg9 : memref<!tpu.dma_semaphore, #tpu.memory_space<semaphore_mem>>)
    %min3A = arith.constant 3 : i32
    %min3A_8 = arith.minsi %add3A, %min3A : i32
    %mul3A_9 = arith.constant 128 : i32
    %mul3A_10 = arith.muli %min3A_8, %mul3A_9 : i32
    %add3A_11 = arith.constant 319488 : i32
    %add3A_12 = arith.addi %add3A_11, %mul3A_10 : i32
    %dma_start3A_13 = arith.constant 0 : i32
    %dma_start3A_14 = tpu.memref_slice %arg3[%dma_start3A_13, %add3A_12] : memref<2x320000xi32, #tpu.memory_space<hbm>> -> memref<2x128xi32, #tpu.memory_space<hbm>>
    %dma_start3A_15 = arith.constant 0 : i32
    %dma_start3A_16 = tpu.memref_slice %arg3[%dma_start3A_15, %add3A_12] : memref<2x320000xi32, #tpu.memory_space<hbm>> -> memref<2x128xi32, #tpu.memory_space<hbm>>
    tpu.enqueue_dma source(%dma_start3A_16 : memref<2x128xi32, #tpu.memory_space<hbm>>) target(%arg6 : memref<2x128xi32, #tpu.memory_space<vmem>>) target_semaphore(%arg10 : memref<!tpu.dma_semaphore, #tpu.memory_space<semaphore_mem>>)
    %broadcast_in_dim3A = arith.constant 0.000000e+00 : f32
    %broadcast_in_dim3A_17 = vector.broadcast %broadcast_in_dim3A : f32 to vector<16xf32>
    %scan3A = arith.constant 0 : i32
    %scan3A_18 = arith.constant 0 : i32
    %scan3A_19 = arith.constant 128 : i32
    %scan3A_20 = arith.addi %scan3A_18, %scan3A_19 : i32
    %scan3A_21 = arith.constant 1 : i32
    scf.for %scan3A_219 = %scan3A_18 to %scan3A_20 step %scan3A_21  : i32 {
      %swap3A = arith.constant 0 : i32
      %swap3A_220 = arith.index_cast %swap3A : i32 to index
      %swap3A_221 = arith.index_cast %scan3A_219 : i32 to index
      %swap3A_222 = arith.constant 0 : index
      %swap3A_223 = tpu.vector_load %arg7[%swap3A_220, %swap3A_221, %swap3A_222] {strides = array<i32>} : memref<2x128x128xf32, #tpu.memory_space<vmem>>, vector<1x1x16xf32>,
      %swap3A_224 = vector.shape_cast %swap3A_223 : vector<1x1x16xf32> to vector<16xf32>
      %swap3A_225 = vector.shape_cast %broadcast_in_dim3A_17 : vector<16xf32> to vector<1x1x16xf32>
      tpu.vector_store %arg7[%swap3A_220, %swap3A_221, %swap3A_222], %swap3A_225 {strides = array<i32>} : memref<2x128x128xf32, #tpu.memory_space<vmem>>, vector<1x1x16xf32>,
      %swap3A_226 = arith.constant 0 : i32
      %swap3A_227 = arith.index_cast %swap3A_226 : i32 to index
      %swap3A_228 = arith.index_cast %scan3A_219 : i32 to index
      %swap3A_229 = arith.constant 16 : index
      %swap3A_230 = tpu.vector_load %arg7[%swap3A_227, %swap3A_228, %swap3A_229] {strides = array<i32>} : memref<2x128x128xf32, #tpu.memory_space<vmem>>, vector<1x1x16xf32>,
      %swap3A_231 = vector.shape_cast %swap3A_230 : vector<1x1x16xf32> to vector<16xf32>
      %swap3A_232 = vector.shape_cast %broadcast_in_dim3A_17 : vector<16xf32> to vector<1x1x16xf32>
      tpu.vector_store %arg7[%swap3A_227, %swap3A_228, %swap3A_229], %swap3A_232 {strides = array<i32>} : memref<2x128x128xf32, #tpu.memory_space<vmem>>, vector<1x1x16xf32>,
      %swap3A_233 = arith.constant 0 : i32
      %swap3A_234 = arith.index_cast %swap3A_233 : i32 to index
      %swap3A_235 = arith.index_cast %scan3A_219 : i32 to index
      %swap3A_236 = arith.constant 32 : index
      %swap3A_237 = tpu.vector_load %arg7[%swap3A_234, %swap3A_235, %swap3A_236] {strides = array<i32>} : memref<2x128x128xf32, #tpu.memory_space<vmem>>, vector<1x1x16xf32>,
      %swap3A_238 = vector.shape_cast %swap3A_237 : vector<1x1x16xf32> to vector<16xf32>
      %swap3A_239 = vector.shape_cast %broadcast_in_dim3A_17 : vector<16xf32> to vector<1x1x16xf32>
      tpu.vector_store %arg7[%swap3A_234, %swap3A_235, %swap3A_236], %swap3A_239 {strides = array<i32>} : memref<2x128x128xf32, #tpu.memory_space<vmem>>, vector<1x1x16xf32>,
      %swap3A_240 = arith.constant 0 : i32
      %swap3A_241 = arith.index_cast %swap3A_240 : i32 to index
      %swap3A_242 = arith.index_cast %scan3A_219 : i32 to index
      %swap3A_243 = arith.constant 48 : index
      %swap3A_244 = tpu.vector_load %arg7[%swap3A_241, %swap3A_242, %swap3A_243] {strides = array<i32>} : memref<2x128x128xf32, #tpu.memory_space<vmem>>, vector<1x1x16xf32>,
      %swap3A_245 = vector.shape_cast %swap3A_244 : vector<1x1x16xf32> to vector<16xf32>
      %swap3A_246 = vector.shape_cast %broadcast_in_dim3A_17 : vector<16xf32> to vector<1x1x16xf32>
      tpu.vector_store %arg7[%swap3A_241, %swap3A_242, %swap3A_243], %swap3A_246 {strides = array<i32>} : memref<2x128x128xf32, #tpu.memory_space<vmem>>, vector<1x1x16xf32>,
      %swap3A_247 = arith.constant 0 : i32
      %swap3A_248 = arith.index_cast %swap3A_247 : i32 to index
      %swap3A_249 = arith.index_cast %scan3A_219 : i32 to index
      %swap3A_250 = arith.constant 64 : index
      %swap3A_251 = tpu.vector_load %arg7[%swap3A_248, %swap3A_249, %swap3A_250] {strides = array<i32>} : memref<2x128x128xf32, #tpu.memory_space<vmem>>, vector<1x1x16xf32>,
      %swap3A_252 = vector.shape_cast %swap3A_251 : vector<1x1x16xf32> to vector<16xf32>
      %swap3A_253 = vector.shape_cast %broadcast_in_dim3A_17 : vector<16xf32> to vector<1x1x16xf32>
      tpu.vector_store %arg7[%swap3A_248, %swap3A_249, %swap3A_250], %swap3A_253 {strides = array<i32>} : memref<2x128x128xf32, #tpu.memory_space<vmem>>, vector<1x1x16xf32>,
      %swap3A_254 = arith.constant 0 : i32
      %swap3A_255 = arith.index_cast %swap3A_254 : i32 to index
      %swap3A_256 = arith.index_cast %scan3A_219 : i32 to index
      %swap3A_257 = arith.constant 80 : index
      %swap3A_258 = tpu.vector_load %arg7[%swap3A_255, %swap3A_256, %swap3A_257] {strides = array<i32>} : memref<2x128x128xf32, #tpu.memory_space<vmem>>, vector<1x1x16xf32>,
      %swap3A_259 = vector.shape_cast %swap3A_258 : vector<1x1x16xf32> to vector<16xf32>
      %swap3A_260 = vector.shape_cast %broadcast_in_dim3A_17 : vector<16xf32> to vector<1x1x16xf32>
      tpu.vector_store %arg7[%swap3A_255, %swap3A_256, %swap3A_257], %swap3A_260 {strides = array<i32>} : memref<2x128x128xf32, #tpu.memory_space<vmem>>, vector<1x1x16xf32>,
      %swap3A_261 = arith.constant 0 : i32
      %swap3A_262 = arith.index_cast %swap3A_261 : i32 to index
      %swap3A_263 = arith.index_cast %scan3A_219 : i32 to index
      %swap3A_264 = arith.constant 96 : index
      %swap3A_265 = tpu.vector_load %arg7[%swap3A_262, %swap3A_263, %swap3A_264] {strides = array<i32>} : memref<2x128x128xf32, #tpu.memory_space<vmem>>, vector<1x1x16xf32>,
      %swap3A_266 = vector.shape_cast %swap3A_265 : vector<1x1x16xf32> to vector<16xf32>
      %swap3A_267 = vector.shape_cast %broadcast_in_dim3A_17 : vector<16xf32> to vector<1x1x16xf32>
      tpu.vector_store %arg7[%swap3A_262, %swap3A_263, %swap3A_264], %swap3A_267 {strides = array<i32>} : memref<2x128x128xf32, #tpu.memory_space<vmem>>, vector<1x1x16xf32>,
      %swap3A_268 = arith.constant 0 : i32
      %swap3A_269 = arith.index_cast %swap3A_268 : i32 to index
      %swap3A_270 = arith.index_cast %scan3A_219 : i32 to index
      %swap3A_271 = arith.constant 112 : index
      %swap3A_272 = tpu.vector_load %arg7[%swap3A_269, %swap3A_270, %swap3A_271] {strides = array<i32>} : memref<2x128x128xf32, #tpu.memory_space<vmem>>, vector<1x1x16xf32>,
      %swap3A_273 = vector.shape_cast %swap3A_272 : vector<1x1x16xf32> to vector<16xf32>
      %swap3A_274 = vector.shape_cast %broadcast_in_dim3A_17 : vector<16xf32> to vector<1x1x16xf32>
      tpu.vector_store %arg7[%swap3A_269, %swap3A_270, %swap3A_271], %swap3A_274 {strides = array<i32>} : memref<2x128x128xf32, #tpu.memory_space<vmem>>, vector<1x1x16xf32>,
    }
    %scan3A_22 = arith.constant 128 : i32
    %mul3A_23 = arith.constant 640 : i32
    %mul3A_24 = arith.muli %arg1, %mul3A_23 : i32
    %add3A_25 = arith.constant 0 : i32
    %add3A_26 = arith.addi %mul3A_24, %add3A_25 : i32
    %run_scoped3A = arith.constant 0 : i32
    "tpu.region"() ({
      %run_scoped3A_219 = tpu.sem_alloc : memref<!tpu.dma_semaphore, #tpu.memory_space<semaphore_mem>>
      %dma_start3A_220 = arith.constant 0 : i32
      %dma_start3A_221 = arith.constant 0 : i32
      %dma_start3A_222 = tpu.memref_slice %arg7[%run_scoped3A, %dma_start3A_220, %dma_start3A_221] : memref<2x128x128xf32, #tpu.memory_space<vmem>> -> memref<1x128x128xf32, #tpu.memory_space<vmem>>
      %dma_start3A_223 = tpu.memref_squeeze %dma_start3A_222 : memref<1x128x128xf32, #tpu.memory_space<vmem>> -> memref<128x128xf32, #tpu.memory_space<vmem>>
      %dma_start3A_224 = arith.constant 0 : i32
      %dma_start3A_225 = tpu.memref_slice %arg8[%add3A_26, %dma_start3A_224] : memref<10240x128xf32, #tpu.memory_space<vmem_shared>> -> memref<128x128xf32, #tpu.memory_space<vmem_shared>>
      %dma_start3A_226 = arith.constant 0 : i32
      %dma_start3A_227 = tpu.memref_slice %arg8[%add3A_26, %dma_start3A_226] : memref<10240x128xf32, #tpu.memory_space<vmem_shared>> -> memref<128x128xf32, #tpu.memory_space<vmem_shared>>
      %dma_start3A_228 = arith.constant 0 : i32
      %dma_start3A_229 = arith.constant 0 : i32
      %dma_start3A_230 = tpu.memref_slice %arg7[%run_scoped3A, %dma_start3A_228, %dma_start3A_229] : memref<2x128x128xf32, #tpu.memory_space<vmem>> -> memref<1x128x128xf32, #tpu.memory_space<vmem>>
      %dma_start3A_231 = tpu.memref_squeeze %dma_start3A_230 : memref<1x128x128xf32, #tpu.memory_space<vmem>> -> memref<128x128xf32, #tpu.memory_space<vmem>>
      tpu.enqueue_dma source(%dma_start3A_231 : memref<128x128xf32, #tpu.memory_space<vmem>>) target(%dma_start3A_227 : memref<128x128xf32, #tpu.memory_space<vmem_shared>>) target_semaphore(%run_scoped3A_219 : memref<!tpu.dma_semaphore, #tpu.memory_space<semaphore_mem>>)
      %dma_wait3A_232 = arith.constant 0 : i32
      %dma_wait3A_233 = arith.constant 0 : i32
      %dma_wait3A_234 = tpu.memref_slice %arg7[%run_scoped3A, %dma_wait3A_232, %dma_wait3A_233] : memref<2x128x128xf32, #tpu.memory_space<vmem>> -> memref<1x128x128xf32, #tpu.memory_space<vmem>>
      %dma_wait3A_235 = tpu.memref_squeeze %dma_wait3A_234 : memref<1x128x128xf32, #tpu.memory_space<vmem>> -> memref<128x128xf32, #tpu.memory_space<vmem>>
      %dma_wait3A_236 = arith.constant 0 : i32
      %dma_wait3A_237 = tpu.memref_slice %arg8[%add3A_26, %dma_wait3A_236] : memref<10240x128xf32, #tpu.memory_space<vmem_shared>> -> memref<128x128xf32, #tpu.memory_space<vmem_shared>>
      %dma_wait3A_238 = arith.constant 0 : i32
      %dma_wait3A_239 = tpu.memref_slice %arg8[%add3A_26, %dma_wait3A_238] : memref<10240x128xf32, #tpu.memory_space<vmem_shared>> -> memref<128x128xf32, #tpu.memory_space<vmem_shared>>
      %dma_wait3A_240 = arith.constant 0 : i32
      %dma_wait3A_241 = arith.constant 0 : i32
      %dma_wait3A_242 = tpu.memref_slice %arg7[%run_scoped3A, %dma_wait3A_240, %dma_wait3A_241] : memref<2x128x128xf32, #tpu.memory_space<vmem>> -> memref<1x128x128xf32, #tpu.memory_space<vmem>>
      %dma_wait3A_243 = tpu.memref_squeeze %dma_wait3A_242 : memref<1x128x128xf32, #tpu.memory_space<vmem>> -> memref<128x128xf32, #tpu.memory_space<vmem>>
      tpu.wait_dma2 semaphore(%run_scoped3A_219 : memref<!tpu.dma_semaphore, #tpu.memory_space<semaphore_mem>>) src(%dma_wait3A_243 : memref<128x128xf32, #tpu.memory_space<vmem>>) dst(%dma_wait3A_239 : memref<128x128xf32, #tpu.memory_space<vmem_shared>>)
      tpu.yield
    }) : () -> ()
    %add3A_27 = arith.constant 128 : i32
    %add3A_28 = arith.addi %mul3A_24, %add3A_27 : i32
    %run_scoped3A_29 = arith.constant 0 : i32
    "tpu.region"() ({
      %run_scoped3A_219 = tpu.sem_alloc : memref<!tpu.dma_semaphore, #tpu.memory_space<semaphore_mem>>
      %dma_start3A_220 = arith.constant 0 : i32
      %dma_start3A_221 = arith.constant 0 : i32
      %dma_start3A_222 = tpu.memref_slice %arg7[%run_scoped3A_29, %dma_start3A_220, %dma_start3A_221] : memref<2x128x128xf32, #tpu.memory_space<vmem>> -> memref<1x128x128xf32, #tpu.memory_space<vmem>>
      %dma_start3A_223 = tpu.memref_squeeze %dma_start3A_222 : memref<1x128x128xf32, #tpu.memory_space<vmem>> -> memref<128x128xf32, #tpu.memory_space<vmem>>
      %dma_start3A_224 = arith.constant 0 : i32
      %dma_start3A_225 = tpu.memref_slice %arg8[%add3A_28, %dma_start3A_224] : memref<10240x128xf32, #tpu.memory_space<vmem_shared>> -> memref<128x128xf32, #tpu.memory_space<vmem_shared>>
      %dma_start3A_226 = arith.constant 0 : i32
      %dma_start3A_227 = tpu.memref_slice %arg8[%add3A_28, %dma_start3A_226] : memref<10240x128xf32, #tpu.memory_space<vmem_shared>> -> memref<128x128xf32, #tpu.memory_space<vmem_shared>>
      %dma_start3A_228 = arith.constant 0 : i32
      %dma_start3A_229 = arith.constant 0 : i32
      %dma_start3A_230 = tpu.memref_slice %arg7[%run_scoped3A_29, %dma_start3A_228, %dma_start3A_229] : memref<2x128x128xf32, #tpu.memory_space<vmem>> -> memref<1x128x128xf32, #tpu.memory_space<vmem>>
      %dma_start3A_231 = tpu.memref_squeeze %dma_start3A_230 : memref<1x128x128xf32, #tpu.memory_space<vmem>> -> memref<128x128xf32, #tpu.memory_space<vmem>>
      tpu.enqueue_dma source(%dma_start3A_231 : memref<128x128xf32, #tpu.memory_space<vmem>>) target(%dma_start3A_227 : memref<128x128xf32, #tpu.memory_space<vmem_shared>>) target_semaphore(%run_scoped3A_219 : memref<!tpu.dma_semaphore, #tpu.memory_space<semaphore_mem>>)
      %dma_wait3A_232 = arith.constant 0 : i32
      %dma_wait3A_233 = arith.constant 0 : i32
      %dma_wait3A_234 = tpu.memref_slice %arg7[%run_scoped3A_29, %dma_wait3A_232, %dma_wait3A_233] : memref<2x128x128xf32, #tpu.memory_space<vmem>> -> memref<1x128x128xf32, #tpu.memory_space<vmem>>
      %dma_wait3A_235 = tpu.memref_squeeze %dma_wait3A_234 : memref<1x128x128xf32, #tpu.memory_space<vmem>> -> memref<128x128xf32, #tpu.memory_space<vmem>>
      %dma_wait3A_236 = arith.constant 0 : i32
      %dma_wait3A_237 = tpu.memref_slice %arg8[%add3A_28, %dma_wait3A_236] : memref<10240x128xf32, #tpu.memory_space<vmem_shared>> -> memref<128x128xf32, #tpu.memory_space<vmem_shared>>
      %dma_wait3A_238 = arith.constant 0 : i32
      %dma_wait3A_239 = tpu.memref_slice %arg8[%add3A_28, %dma_wait3A_238] : memref<10240x128xf32, #tpu.memory_space<vmem_shared>> -> memref<128x128xf32, #tpu.memory_space<vmem_shared>>
      %dma_wait3A_240 = arith.constant 0 : i32
      %dma_wait3A_241 = arith.constant 0 : i32
      %dma_wait3A_242 = tpu.memref_slice %arg7[%run_scoped3A_29, %dma_wait3A_240, %dma_wait3A_241] : memref<2x128x128xf32, #tpu.memory_space<vmem>> -> memref<1x128x128xf32, #tpu.memory_space<vmem>>
      %dma_wait3A_243 = tpu.memref_squeeze %dma_wait3A_242 : memref<1x128x128xf32, #tpu.memory_space<vmem>> -> memref<128x128xf32, #tpu.memory_space<vmem>>
      tpu.wait_dma2 semaphore(%run_scoped3A_219 : memref<!tpu.dma_semaphore, #tpu.memory_space<semaphore_mem>>) src(%dma_wait3A_243 : memref<128x128xf32, #tpu.memory_space<vmem>>) dst(%dma_wait3A_239 : memref<128x128xf32, #tpu.memory_space<vmem_shared>>)
      tpu.yield
    }) : () -> ()
    %add3A_30 = arith.constant 256 : i32
    %add3A_31 = arith.addi %mul3A_24, %add3A_30 : i32
    %run_scoped3A_32 = arith.constant 0 : i32
    "tpu.region"() ({
      %run_scoped3A_219 = tpu.sem_alloc : memref<!tpu.dma_semaphore, #tpu.memory_space<semaphore_mem>>
      %dma_start3A_220 = arith.constant 0 : i32
      %dma_start3A_221 = arith.constant 0 : i32
      %dma_start3A_222 = tpu.memref_slice %arg7[%run_scoped3A_32, %dma_start3A_220, %dma_start3A_221] : memref<2x128x128xf32, #tpu.memory_space<vmem>> -> memref<1x128x128xf32, #tpu.memory_space<vmem>>
      %dma_start3A_223 = tpu.memref_squeeze %dma_start3A_222 : memref<1x128x128xf32, #tpu.memory_space<vmem>> -> memref<128x128xf32, #tpu.memory_space<vmem>>
      %dma_start3A_224 = arith.constant 0 : i32
      %dma_start3A_225 = tpu.memref_slice %arg8[%add3A_31, %dma_start3A_224] : memref<10240x128xf32, #tpu.memory_space<vmem_shared>> -> memref<128x128xf32, #tpu.memory_space<vmem_shared>>
      %dma_start3A_226 = arith.constant 0 : i32
      %dma_start3A_227 = tpu.memref_slice %arg8[%add3A_31, %dma_start3A_226] : memref<10240x128xf32, #tpu.memory_space<vmem_shared>> -> memref<128x128xf32, #tpu.memory_space<vmem_shared>>
      %dma_start3A_228 = arith.constant 0 : i32
      %dma_start3A_229 = arith.constant 0 : i32
      %dma_start3A_230 = tpu.memref_slice %arg7[%run_scoped3A_32, %dma_start3A_228, %dma_start3A_229] : memref<2x128x128xf32, #tpu.memory_space<vmem>> -> memref<1x128x128xf32, #tpu.memory_space<vmem>>
      %dma_start3A_231 = tpu.memref_squeeze %dma_start3A_230 : memref<1x128x128xf32, #tpu.memory_space<vmem>> -> memref<128x128xf32, #tpu.memory_space<vmem>>
      tpu.enqueue_dma source(%dma_start3A_231 : memref<128x128xf32, #tpu.memory_space<vmem>>) target(%dma_start3A_227 : memref<128x128xf32, #tpu.memory_space<vmem_shared>>) target_semaphore(%run_scoped3A_219 : memref<!tpu.dma_semaphore, #tpu.memory_space<semaphore_mem>>)
      %dma_wait3A_232 = arith.constant 0 : i32
      %dma_wait3A_233 = arith.constant 0 : i32
      %dma_wait3A_234 = tpu.memref_slice %arg7[%run_scoped3A_32, %dma_wait3A_232, %dma_wait3A_233] : memref<2x128x128xf32, #tpu.memory_space<vmem>> -> memref<1x128x128xf32, #tpu.memory_space<vmem>>
      %dma_wait3A_235 = tpu.memref_squeeze %dma_wait3A_234 : memref<1x128x128xf32, #tpu.memory_space<vmem>> -> memref<128x128xf32, #tpu.memory_space<vmem>>
      %dma_wait3A_236 = arith.constant 0 : i32
      %dma_wait3A_237 = tpu.memref_slice %arg8[%add3A_31, %dma_wait3A_236] : memref<10240x128xf32, #tpu.memory_space<vmem_shared>> -> memref<128x128xf32, #tpu.memory_space<vmem_shared>>
      %dma_wait3A_238 = arith.constant 0 : i32
      %dma_wait3A_239 = tpu.memref_slice %arg8[%add3A_31, %dma_wait3A_238] : memref<10240x128xf32, #tpu.memory_space<vmem_shared>> -> memref<128x128xf32, #tpu.memory_space<vmem_shared>>
      %dma_wait3A_240 = arith.constant 0 : i32
      %dma_wait3A_241 = arith.constant 0 : i32
      %dma_wait3A_242 = tpu.memref_slice %arg7[%run_scoped3A_32, %dma_wait3A_240, %dma_wait3A_241] : memref<2x128x128xf32, #tpu.memory_space<vmem>> -> memref<1x128x128xf32, #tpu.memory_space<vmem>>
      %dma_wait3A_243 = tpu.memref_squeeze %dma_wait3A_242 : memref<1x128x128xf32, #tpu.memory_space<vmem>> -> memref<128x128xf32, #tpu.memory_space<vmem>>
      tpu.wait_dma2 semaphore(%run_scoped3A_219 : memref<!tpu.dma_semaphore, #tpu.memory_space<semaphore_mem>>) src(%dma_wait3A_243 : memref<128x128xf32, #tpu.memory_space<vmem>>) dst(%dma_wait3A_239 : memref<128x128xf32, #tpu.memory_space<vmem_shared>>)
      tpu.yield
    }) : () -> ()
    %add3A_33 = arith.constant 384 : i32
    %add3A_34 = arith.addi %mul3A_24, %add3A_33 : i32
    %run_scoped3A_35 = arith.constant 0 : i32
    "tpu.region"() ({
      %run_scoped3A_219 = tpu.sem_alloc : memref<!tpu.dma_semaphore, #tpu.memory_space<semaphore_mem>>
      %dma_start3A_220 = arith.constant 0 : i32
      %dma_start3A_221 = arith.constant 0 : i32
      %dma_start3A_222 = tpu.memref_slice %arg7[%run_scoped3A_35, %dma_start3A_220, %dma_start3A_221] : memref<2x128x128xf32, #tpu.memory_space<vmem>> -> memref<1x128x128xf32, #tpu.memory_space<vmem>>
      %dma_start3A_223 = tpu.memref_squeeze %dma_start3A_222 : memref<1x128x128xf32, #tpu.memory_space<vmem>> -> memref<128x128xf32, #tpu.memory_space<vmem>>
      %dma_start3A_224 = arith.constant 0 : i32
      %dma_start3A_225 = tpu.memref_slice %arg8[%add3A_34, %dma_start3A_224] : memref<10240x128xf32, #tpu.memory_space<vmem_shared>> -> memref<128x128xf32, #tpu.memory_space<vmem_shared>>
      %dma_start3A_226 = arith.constant 0 : i32
      %dma_start3A_227 = tpu.memref_slice %arg8[%add3A_34, %dma_start3A_226] : memref<10240x128xf32, #tpu.memory_space<vmem_shared>> -> memref<128x128xf32, #tpu.memory_space<vmem_shared>>
      %dma_start3A_228 = arith.constant 0 : i32
      %dma_start3A_229 = arith.constant 0 : i32
      %dma_start3A_230 = tpu.memref_slice %arg7[%run_scoped3A_35, %dma_start3A_228, %dma_start3A_229] : memref<2x128x128xf32, #tpu.memory_space<vmem>> -> memref<1x128x128xf32, #tpu.memory_space<vmem>>
      %dma_start3A_231 = tpu.memref_squeeze %dma_start3A_230 : memref<1x128x128xf32, #tpu.memory_space<vmem>> -> memref<128x128xf32, #tpu.memory_space<vmem>>
      tpu.enqueue_dma source(%dma_start3A_231 : memref<128x128xf32, #tpu.memory_space<vmem>>) target(%dma_start3A_227 : memref<128x128xf32, #tpu.memory_space<vmem_shared>>) target_semaphore(%run_scoped3A_219 : memref<!tpu.dma_semaphore, #tpu.memory_space<semaphore_mem>>)
      %dma_wait3A_232 = arith.constant 0 : i32
      %dma_wait3A_233 = arith.constant 0 : i32
      %dma_wait3A_234 = tpu.memref_slice %arg7[%run_scoped3A_35, %dma_wait3A_232, %dma_wait3A_233] : memref<2x128x128xf32, #tpu.memory_space<vmem>> -> memref<1x128x128xf32, #tpu.memory_space<vmem>>
      %dma_wait3A_235 = tpu.memref_squeeze %dma_wait3A_234 : memref<1x128x128xf32, #tpu.memory_space<vmem>> -> memref<128x128xf32, #tpu.memory_space<vmem>>
      %dma_wait3A_236 = arith.constant 0 : i32
      %dma_wait3A_237 = tpu.memref_slice %arg8[%add3A_34, %dma_wait3A_236] : memref<10240x128xf32, #tpu.memory_space<vmem_shared>> -> memref<128x128xf32, #tpu.memory_space<vmem_shared>>
      %dma_wait3A_238 = arith.constant 0 : i32
      %dma_wait3A_239 = tpu.memref_slice %arg8[%add3A_34, %dma_wait3A_238] : memref<10240x128xf32, #tpu.memory_space<vmem_shared>> -> memref<128x128xf32, #tpu.memory_space<vmem_shared>>
      %dma_wait3A_240 = arith.constant 0 : i32
      %dma_wait3A_241 = arith.constant 0 : i32
      %dma_wait3A_242 = tpu.memref_slice %arg7[%run_scoped3A_35, %dma_wait3A_240, %dma_wait3A_241] : memref<2x128x128xf32, #tpu.memory_space<vmem>> -> memref<1x128x128xf32, #tpu.memory_space<vmem>>
      %dma_wait3A_243 = tpu.memref_squeeze %dma_wait3A_242 : memref<1x128x128xf32, #tpu.memory_space<vmem>> -> memref<128x128xf32, #tpu.memory_space<vmem>>
      tpu.wait_dma2 semaphore(%run_scoped3A_219 : memref<!tpu.dma_semaphore, #tpu.memory_space<semaphore_mem>>) src(%dma_wait3A_243 : memref<128x128xf32, #tpu.memory_space<vmem>>) dst(%dma_wait3A_239 : memref<128x128xf32, #tpu.memory_space<vmem_shared>>)
      tpu.yield
    }) : () -> ()
    %add3A_36 = arith.constant 512 : i32
    %add3A_37 = arith.addi %mul3A_24, %add3A_36 : i32
    %run_scoped3A_38 = arith.constant 0 : i32
    "tpu.region"() ({
      %run_scoped3A_219 = tpu.sem_alloc : memref<!tpu.dma_semaphore, #tpu.memory_space<semaphore_mem>>
      %dma_start3A_220 = arith.constant 0 : i32
      %dma_start3A_221 = arith.constant 0 : i32
      %dma_start3A_222 = tpu.memref_slice %arg7[%run_scoped3A_38, %dma_start3A_220, %dma_start3A_221] : memref<2x128x128xf32, #tpu.memory_space<vmem>> -> memref<1x128x128xf32, #tpu.memory_space<vmem>>
      %dma_start3A_223 = tpu.memref_squeeze %dma_start3A_222 : memref<1x128x128xf32, #tpu.memory_space<vmem>> -> memref<128x128xf32, #tpu.memory_space<vmem>>
      %dma_start3A_224 = arith.constant 0 : i32
      %dma_start3A_225 = tpu.memref_slice %arg8[%add3A_37, %dma_start3A_224] : memref<10240x128xf32, #tpu.memory_space<vmem_shared>> -> memref<128x128xf32, #tpu.memory_space<vmem_shared>>
      %dma_start3A_226 = arith.constant 0 : i32
      %dma_start3A_227 = tpu.memref_slice %arg8[%add3A_37, %dma_start3A_226] : memref<10240x128xf32, #tpu.memory_space<vmem_shared>> -> memref<128x128xf32, #tpu.memory_space<vmem_shared>>
      %dma_start3A_228 = arith.constant 0 : i32
      %dma_start3A_229 = arith.constant 0 : i32
      %dma_start3A_230 = tpu.memref_slice %arg7[%run_scoped3A_38, %dma_start3A_228, %dma_start3A_229] : memref<2x128x128xf32, #tpu.memory_space<vmem>> -> memref<1x128x128xf32, #tpu.memory_space<vmem>>
      %dma_start3A_231 = tpu.memref_squeeze %dma_start3A_230 : memref<1x128x128xf32, #tpu.memory_space<vmem>> -> memref<128x128xf32, #tpu.memory_space<vmem>>
      tpu.enqueue_dma source(%dma_start3A_231 : memref<128x128xf32, #tpu.memory_space<vmem>>) target(%dma_start3A_227 : memref<128x128xf32, #tpu.memory_space<vmem_shared>>) target_semaphore(%run_scoped3A_219 : memref<!tpu.dma_semaphore, #tpu.memory_space<semaphore_mem>>)
      %dma_wait3A_232 = arith.constant 0 : i32
      %dma_wait3A_233 = arith.constant 0 : i32
      %dma_wait3A_234 = tpu.memref_slice %arg7[%run_scoped3A_38, %dma_wait3A_232, %dma_wait3A_233] : memref<2x128x128xf32, #tpu.memory_space<vmem>> -> memref<1x128x128xf32, #tpu.memory_space<vmem>>
      %dma_wait3A_235 = tpu.memref_squeeze %dma_wait3A_234 : memref<1x128x128xf32, #tpu.memory_space<vmem>> -> memref<128x128xf32, #tpu.memory_space<vmem>>
      %dma_wait3A_236 = arith.constant 0 : i32
      %dma_wait3A_237 = tpu.memref_slice %arg8[%add3A_37, %dma_wait3A_236] : memref<10240x128xf32, #tpu.memory_space<vmem_shared>> -> memref<128x128xf32, #tpu.memory_space<vmem_shared>>
      %dma_wait3A_238 = arith.constant 0 : i32
      %dma_wait3A_239 = tpu.memref_slice %arg8[%add3A_37, %dma_wait3A_238] : memref<10240x128xf32, #tpu.memory_space<vmem_shared>> -> memref<128x128xf32, #tpu.memory_space<vmem_shared>>
      %dma_wait3A_240 = arith.constant 0 : i32
      %dma_wait3A_241 = arith.constant 0 : i32
      %dma_wait3A_242 = tpu.memref_slice %arg7[%run_scoped3A_38, %dma_wait3A_240, %dma_wait3A_241] : memref<2x128x128xf32, #tpu.memory_space<vmem>> -> memref<1x128x128xf32, #tpu.memory_space<vmem>>
      %dma_wait3A_243 = tpu.memref_squeeze %dma_wait3A_242 : memref<1x128x128xf32, #tpu.memory_space<vmem>> -> memref<128x128xf32, #tpu.memory_space<vmem>>
      tpu.wait_dma2 semaphore(%run_scoped3A_219 : memref<!tpu.dma_semaphore, #tpu.memory_space<semaphore_mem>>) src(%dma_wait3A_243 : memref<128x128xf32, #tpu.memory_space<vmem>>) dst(%dma_wait3A_239 : memref<128x128xf32, #tpu.memory_space<vmem_shared>>)
      tpu.yield
    }) : () -> ()
    %dma_wait3A = arith.constant 0 : i32
    %dma_wait3A_39 = tpu.memref_slice %arg3[%dma_wait3A, %add3A_12] : memref<2x320000xi32, #tpu.memory_space<hbm>> -> memref<2x128xi32, #tpu.memory_space<hbm>>
    %dma_wait3A_40 = arith.constant 0 : i32
    %dma_wait3A_41 = tpu.memref_slice %arg3[%dma_wait3A_40, %add3A_12] : memref<2x320000xi32, #tpu.memory_space<hbm>> -> memref<2x128xi32, #tpu.memory_space<hbm>>
    tpu.wait_dma2 semaphore(%arg10 : memref<!tpu.dma_semaphore, #tpu.memory_space<semaphore_mem>>) src(%dma_wait3A_41 : memref<2x128xi32, #tpu.memory_space<hbm>>) dst(%arg6 : memref<2x128xi32, #tpu.memory_space<vmem>>)
    %dma_wait3A_42 = arith.constant 0 : i32
    %dma_wait3A_43 = tpu.memref_slice %arg3[%dma_wait3A_42, %mul3A_4] : memref<2x320000xi32, #tpu.memory_space<hbm>> -> memref<2x4992xi32, #tpu.memory_space<hbm>>
    %dma_wait3A_44 = arith.constant 0 : i32
    %dma_wait3A_45 = tpu.memref_slice %arg3[%dma_wait3A_44, %mul3A_4] : memref<2x320000xi32, #tpu.memory_space<hbm>> -> memref<2x4992xi32, #tpu.memory_space<hbm>>
    tpu.wait_dma2 semaphore(%arg9 : memref<!tpu.dma_semaphore, #tpu.memory_space<semaphore_mem>>) src(%dma_wait3A_45 : memref<2x4992xi32, #tpu.memory_space<hbm>>) dst(%arg5 : memref<2x4992xi32, #tpu.memory_space<vmem>>)
    %dma_start3A_46 = arith.constant 0 : i32
    %dma_start3A_47 = arith.constant 0 : i32
    %dma_start3A_48 = arith.constant 0 : i32
    %dma_start3A_49 = arith.constant 0 : i32
    %dma_start3A_50 = tpu.memref_slice %arg7[%dma_start3A_47, %dma_start3A_48, %dma_start3A_49] : memref<2x128x128xf32, #tpu.memory_space<vmem>> -> memref<1x128x128xf32, #tpu.memory_space<vmem>>
    %dma_start3A_51 = tpu.memref_squeeze %dma_start3A_50 : memref<1x128x128xf32, #tpu.memory_space<vmem>> -> memref<128x128xf32, #tpu.memory_space<vmem>>
    %dma_start3A_52 = arith.constant 0 : i32
    %dma_start3A_53 = tpu.memref_slice %arg5[%dma_start3A_46, %dma_start3A_52] : memref<2x4992xi32, #tpu.memory_space<vmem>> -> memref<1x128xi32, #tpu.memory_space<vmem>>
    %dma_start3A_54 = tpu.memref_squeeze %dma_start3A_53 : memref<1x128xi32, #tpu.memory_space<vmem>> -> memref<128xi32, #tpu.memory_space<vmem>>
    %dma_start3A_55 = arith.constant 0 : i32
    %dma_start3A_56 = arith.constant 0 : i32
    %dma_start3A_57 = tpu.memref_slice %arg2[%dma_start3A_55, %dma_start3A_56] : memref<10000x128xf32, #tpu.memory_space<hbm>> -> memref<10000x128xf32, #tpu.memory_space<hbm>>
    tpu.enqueue_indirect_dma source(%dma_start3A_57 : memref<10000x128xf32, #tpu.memory_space<hbm>>) target(%dma_start3A_51 : memref<128x128xf32, #tpu.memory_space<vmem>>) offsets(%dma_start3A_54 : memref<128xi32, #tpu.memory_space<vmem>>) semaphore(%arg9 : memref<!tpu.dma_semaphore, #tpu.memory_space<semaphore_mem>>)
    %dma_start3A_58 = arith.constant 0 : i32
    %dma_start3A_59 = arith.constant 1 : i32
    %dma_start3A_60 = arith.constant 0 : i32
    %dma_start3A_61 = arith.constant 0 : i32
    %dma_start3A_62 = tpu.memref_slice %arg7[%dma_start3A_59, %dma_start3A_60, %dma_start3A_61] : memref<2x128x128xf32, #tpu.memory_space<vmem>> -> memref<1x128x128xf32, #tpu.memory_space<vmem>>
    %dma_start3A_63 = tpu.memref_squeeze %dma_start3A_62 : memref<1x128x128xf32, #tpu.memory_space<vmem>> -> memref<128x128xf32, #tpu.memory_space<vmem>>
    %dma_start3A_64 = arith.constant 128 : i32
    %dma_start3A_65 = tpu.memref_slice %arg5[%dma_start3A_58, %dma_start3A_64] : memref<2x4992xi32, #tpu.memory_space<vmem>> -> memref<1x128xi32, #tpu.memory_space<vmem>>
    %dma_start3A_66 = tpu.memref_squeeze %dma_start3A_65 : memref<1x128xi32, #tpu.memory_space<vmem>> -> memref<128xi32, #tpu.memory_space<vmem>>
    %dma_start3A_67 = arith.constant 0 : i32
    %dma_start3A_68 = arith.constant 0 : i32
    %dma_start3A_69 = tpu.memref_slice %arg2[%dma_start3A_67, %dma_start3A_68] : memref<10000x128xf32, #tpu.memory_space<hbm>> -> memref<10000x128xf32, #tpu.memory_space<hbm>>
    tpu.enqueue_indirect_dma source(%dma_start3A_69 : memref<10000x128xf32, #tpu.memory_space<hbm>>) target(%dma_start3A_63 : memref<128x128xf32, #tpu.memory_space<vmem>>) offsets(%dma_start3A_66 : memref<128xi32, #tpu.memory_space<vmem>>) semaphore(%arg10 : memref<!tpu.dma_semaphore, #tpu.memory_space<semaphore_mem>>)
    %barrier3A = arith.constant 0 : index
    tpu.barrier barrier_id(%barrier3A)
    %scan3A_70 = arith.constant 0 : i32
    %scan3A_71 = arith.constant 0 : i32
    %scan3A_72 = arith.constant 18 : i32
    %scan3A_73 = arith.addi %scan3A_71, %scan3A_72 : i32
    %scan3A_74 = arith.constant 1 : i32
    scf.for %scan3A_219 = %scan3A_71 to %scan3A_73 step %scan3A_74  : i32 {
      %mul3A_220 = arith.constant 2 : i32
      %mul3A_221 = arith.muli %mul3A_220, %scan3A_219 : i32
      %mul3A_222 = arith.constant 128 : i32
      %mul3A_223 = arith.muli %mul3A_221, %mul3A_222 : i32
      %dma_wait3A_224 = arith.constant 0 : i32
      %dma_wait3A_225 = arith.constant 0 : i32
      %dma_wait3A_226 = arith.constant 0 : i32
      %dma_wait3A_227 = arith.constant 0 : i32
      %dma_wait3A_228 = tpu.memref_slice %arg7[%dma_wait3A_225, %dma_wait3A_226, %dma_wait3A_227] : memref<2x128x128xf32, #tpu.memory_space<vmem>> -> memref<1x128x128xf32, #tpu.memory_space<vmem>>
      %dma_wait3A_229 = tpu.memref_squeeze %dma_wait3A_228 : memref<1x128x128xf32, #tpu.memory_space<vmem>> -> memref<128x128xf32, #tpu.memory_space<vmem>>
      %dma_wait3A_230 = tpu.memref_slice %arg5[%dma_wait3A_224, %mul3A_223] : memref<2x4992xi32, #tpu.memory_space<vmem>> -> memref<1x128xi32, #tpu.memory_space<vmem>>
      %dma_wait3A_231 = tpu.memref_squeeze %dma_wait3A_230 : memref<1x128xi32, #tpu.memory_space<vmem>> -> memref<128xi32, #tpu.memory_space<vmem>>
      %dma_wait3A_232 = arith.constant 0 : i32
      %dma_wait3A_233 = arith.constant 0 : i32
      %dma_wait3A_234 = tpu.memref_slice %arg2[%dma_wait3A_232, %dma_wait3A_233] : memref<10000x128xf32, #tpu.memory_space<hbm>> -> memref<10000x128xf32, #tpu.memory_space<hbm>>
      tpu.wait_indirect_dma semaphore(%arg9 : memref<!tpu.dma_semaphore, #tpu.memory_space<semaphore_mem>>) src(%dma_wait3A_234 : memref<10000x128xf32, #tpu.memory_space<hbm>>) dst(%dma_wait3A_229 : memref<128x128xf32, #tpu.memory_space<vmem>>)
      %mul3A_235 = arith.constant 128 : i32
      %mul3A_236 = arith.muli %mul3A_221, %mul3A_235 : i32
      %run_scoped3A_237 = arith.constant 0 : i32
      %run_scoped3A_238 = arith.constant 1 : i32
      "tpu.region"() ({
        %run_scoped3A_282 = tpu.sem_alloc : memref<!tpu.dma_semaphore, #tpu.memory_space<semaphore_mem>>
        %dma_start3A_283 = arith.constant 0 : i32
        %dma_start3A_284 = arith.constant 0 : i32
        %dma_start3A_285 = tpu.memref_slice %arg7[%run_scoped3A_237, %dma_start3A_283, %dma_start3A_284] : memref<2x128x128xf32, #tpu.memory_space<vmem>> -> memref<1x128x128xf32, #tpu.memory_space<vmem>>
        %dma_start3A_286 = tpu.memref_squeeze %dma_start3A_285 : memref<1x128x128xf32, #tpu.memory_space<vmem>> -> memref<128x128xf32, #tpu.memory_space<vmem>>
        %dma_start3A_287 = tpu.memref_slice %arg5[%run_scoped3A_238, %mul3A_236] : memref<2x4992xi32, #tpu.memory_space<vmem>> -> memref<1x128xi32, #tpu.memory_space<vmem>>
        %dma_start3A_288 = tpu.memref_squeeze %dma_start3A_287 : memref<1x128xi32, #tpu.memory_space<vmem>> -> memref<128xi32, #tpu.memory_space<vmem>>
        %dma_start3A_289 = arith.constant 0 : i32
        %dma_start3A_290 = arith.constant 0 : i32
        %dma_start3A_291 = tpu.memref_slice %arg8[%dma_start3A_289, %dma_start3A_290] : memref<10240x128xf32, #tpu.memory_space<vmem_shared>> -> memref<10240x128xf32, #tpu.memory_space<vmem_shared>>
        tpu.enqueue_indirect_dma source(%dma_start3A_286 : memref<128x128xf32, #tpu.memory_space<vmem>>) target(%dma_start3A_291 : memref<10240x128xf32, #tpu.memory_space<vmem_shared>>) offsets(%dma_start3A_288 : memref<128xi32, #tpu.memory_space<vmem>>) semaphore(%run_scoped3A_282 : memref<!tpu.dma_semaphore, #tpu.memory_space<semaphore_mem>>) {add = true}
        %dma_wait3A_292 = arith.constant 0 : i32
        %dma_wait3A_293 = arith.constant 0 : i32
        %dma_wait3A_294 = tpu.memref_slice %arg7[%run_scoped3A_237, %dma_wait3A_292, %dma_wait3A_293] : memref<2x128x128xf32, #tpu.memory_space<vmem>> -> memref<1x128x128xf32, #tpu.memory_space<vmem>>
        %dma_wait3A_295 = tpu.memref_squeeze %dma_wait3A_294 : memref<1x128x128xf32, #tpu.memory_space<vmem>> -> memref<128x128xf32, #tpu.memory_space<vmem>>
        %dma_wait3A_296 = tpu.memref_slice %arg5[%run_scoped3A_238, %mul3A_236] : memref<2x4992xi32, #tpu.memory_space<vmem>> -> memref<1x128xi32, #tpu.memory_space<vmem>>
        %dma_wait3A_297 = tpu.memref_squeeze %dma_wait3A_296 : memref<1x128xi32, #tpu.memory_space<vmem>> -> memref<128xi32, #tpu.memory_space<vmem>>
        %dma_wait3A_298 = arith.constant 0 : i32
        %dma_wait3A_299 = arith.constant 0 : i32
        %dma_wait3A_300 = tpu.memref_slice %arg8[%dma_wait3A_298, %dma_wait3A_299] : memref<10240x128xf32, #tpu.memory_space<vmem_shared>> -> memref<10240x128xf32, #tpu.memory_space<vmem_shared>>
        tpu.wait_indirect_dma semaphore(%run_scoped3A_282 : memref<!tpu.dma_semaphore, #tpu.memory_space<semaphore_mem>>) src(%dma_wait3A_295 : memref<128x128xf32, #tpu.memory_space<vmem>>) dst(%dma_wait3A_300 : memref<10240x128xf32, #tpu.memory_space<vmem_shared>>)
        tpu.yield
      }) : () -> ()
      %add3A_239 = arith.constant 2 : i32
      %add3A_240 = arith.addi %mul3A_221, %add3A_239 : i32
      %mul3A_241 = arith.constant 128 : i32
      %mul3A_242 = arith.muli %add3A_240, %mul3A_241 : i32
      %dma_start3A_243 = arith.constant 0 : i32
      %dma_start3A_244 = arith.constant 0 : i32
      %dma_start3A_245 = arith.constant 0 : i32
      %dma_start3A_246 = arith.constant 0 : i32
      %dma_start3A_247 = tpu.memref_slice %arg7[%dma_start3A_244, %dma_start3A_245, %dma_start3A_246] : memref<2x128x128xf32, #tpu.memory_space<vmem>> -> memref<1x128x128xf32, #tpu.memory_space<vmem>>
      %dma_start3A_248 = tpu.memref_squeeze %dma_start3A_247 : memref<1x128x128xf32, #tpu.memory_space<vmem>> -> memref<128x128xf32, #tpu.memory_space<vmem>>
      %dma_start3A_249 = tpu.memref_slice %arg5[%dma_start3A_243, %mul3A_242] : memref<2x4992xi32, #tpu.memory_space<vmem>> -> memref<1x128xi32, #tpu.memory_space<vmem>>
      %dma_start3A_250 = tpu.memref_squeeze %dma_start3A_249 : memref<1x128xi32, #tpu.memory_space<vmem>> -> memref<128xi32, #tpu.memory_space<vmem>>
      %dma_start3A_251 = arith.constant 0 : i32
      %dma_start3A_252 = arith.constant 0 : i32
      %dma_start3A_253 = tpu.memref_slice %arg2[%dma_start3A_251, %dma_start3A_252] : memref<10000x128xf32, #tpu.memory_space<hbm>> -> memref<10000x128xf32, #tpu.memory_space<hbm>>
      tpu.enqueue_indirect_dma source(%dma_start3A_253 : memref<10000x128xf32, #tpu.memory_space<hbm>>) target(%dma_start3A_248 : memref<128x128xf32, #tpu.memory_space<vmem>>) offsets(%dma_start3A_250 : memref<128xi32, #tpu.memory_space<vmem>>) semaphore(%arg9 : memref<!tpu.dma_semaphore, #tpu.memory_space<semaphore_mem>>)
      %add3A_254 = arith.constant 1 : i32
      %add3A_255 = arith.addi %mul3A_221, %add3A_254 : i32
      %mul3A_256 = arith.constant 128 : i32
      %mul3A_257 = arith.muli %add3A_255, %mul3A_256 : i32
      %dma_wait3A_258 = arith.constant 0 : i32
      %dma_wait3A_259 = arith.constant 1 : i32
      %dma_wait3A_260 = arith.constant 0 : i32
      %dma_wait3A_261 = arith.constant 0 : i32
      %dma_wait3A_262 = tpu.memref_slice %arg7[%dma_wait3A_259, %dma_wait3A_260, %dma_wait3A_261] : memref<2x128x128xf32, #tpu.memory_space<vmem>> -> memref<1x128x128xf32, #tpu.memory_space<vmem>>
      %dma_wait3A_263 = tpu.memref_squeeze %dma_wait3A_262 : memref<1x128x128xf32, #tpu.memory_space<vmem>> -> memref<128x128xf32, #tpu.memory_space<vmem>>
      %dma_wait3A_264 = tpu.memref_slice %arg5[%dma_wait3A_258, %mul3A_257] : memref<2x4992xi32, #tpu.memory_space<vmem>> -> memref<1x128xi32, #tpu.memory_space<vmem>>
      %dma_wait3A_265 = tpu.memref_squeeze %dma_wait3A_264 : memref<1x128xi32, #tpu.memory_space<vmem>> -> memref<128xi32, #tpu.memory_space<vmem>>
      %dma_wait3A_266 = arith.constant 0 : i32
      %dma_wait3A_267 = arith.constant 0 : i32
      %dma_wait3A_268 = tpu.memref_slice %arg2[%dma_wait3A_266, %dma_wait3A_267] : memref<10000x128xf32, #tpu.memory_space<hbm>> -> memref<10000x128xf32, #tpu.memory_space<hbm>>
      tpu.wait_indirect_dma semaphore(%arg10 : memref<!tpu.dma_semaphore, #tpu.memory_space<semaphore_mem>>) src(%dma_wait3A_268 : memref<10000x128xf32, #tpu.memory_space<hbm>>) dst(%dma_wait3A_263 : memref<128x128xf32, #tpu.memory_space<vmem>>)
      %add3A_269 = arith.constant 1 : i32
      %add3A_270 = arith.addi %mul3A_221, %add3A_269 : i32
      %mul3A_271 = arith.constant 128 : i32
      %mul3A_272 = arith.muli %add3A_270, %mul3A_271 : i32
      %run_scoped3A_273 = arith.constant 1 : i32
      %run_scoped3A_274 = arith.constant 1 : i32
      "tpu.region"() ({
        %run_scoped3A_282 = tpu.sem_alloc : memref<!tpu.dma_semaphore, #tpu.memory_space<semaphore_mem>>
        %dma_start3A_283 = arith.constant 0 : i32
        %dma_start3A_284 = arith.constant 0 : i32
        %dma_start3A_285 = tpu.memref_slice %arg7[%run_scoped3A_273, %dma_start3A_283, %dma_start3A_284] : memref<2x128x128xf32, #tpu.memory_space<vmem>> -> memref<1x128x128xf32, #tpu.memory_space<vmem>>
        %dma_start3A_286 = tpu.memref_squeeze %dma_start3A_285 : memref<1x128x128xf32, #tpu.memory_space<vmem>> -> memref<128x128xf32, #tpu.memory_space<vmem>>
        %dma_start3A_287 = tpu.memref_slice %arg5[%run_scoped3A_274, %mul3A_272] : memref<2x4992xi32, #tpu.memory_space<vmem>> -> memref<1x128xi32, #tpu.memory_space<vmem>>
        %dma_start3A_288 = tpu.memref_squeeze %dma_start3A_287 : memref<1x128xi32, #tpu.memory_space<vmem>> -> memref<128xi32, #tpu.memory_space<vmem>>
        %dma_start3A_289 = arith.constant 0 : i32
        %dma_start3A_290 = arith.constant 0 : i32
        %dma_start3A_291 = tpu.memref_slice %arg8[%dma_start3A_289, %dma_start3A_290] : memref<10240x128xf32, #tpu.memory_space<vmem_shared>> -> memref<10240x128xf32, #tpu.memory_space<vmem_shared>>
        tpu.enqueue_indirect_dma source(%dma_start3A_286 : memref<128x128xf32, #tpu.memory_space<vmem>>) target(%dma_start3A_291 : memref<10240x128xf32, #tpu.memory_space<vmem_shared>>) offsets(%dma_start3A_288 : memref<128xi32, #tpu.memory_space<vmem>>) semaphore(%run_scoped3A_282 : memref<!tpu.dma_semaphore, #tpu.memory_space<semaphore_mem>>) {add = true}
        %dma_wait3A_292 = arith.constant 0 : i32
        %dma_wait3A_293 = arith.constant 0 : i32
        %dma_wait3A_294 = tpu.memref_slice %arg7[%run_scoped3A_273, %dma_wait3A_292, %dma_wait3A_293] : memref<2x128x128xf32, #tpu.memory_space<vmem>> -> memref<1x128x128xf32, #tpu.memory_space<vmem>>
        %dma_wait3A_295 = tpu.memref_squeeze %dma_wait3A_294 : memref<1x128x128xf32, #tpu.memory_space<vmem>> -> memref<128x128xf32, #tpu.memory_space<vmem>>
        %dma_wait3A_296 = tpu.memref_slice %arg5[%run_scoped3A_274, %mul3A_272] : memref<2x4992xi32, #tpu.memory_space<vmem>> -> memref<1x128xi32, #tpu.memory_space<vmem>>
        %dma_wait3A_297 = tpu.memref_squeeze %dma_wait3A_296 : memref<1x128xi32, #tpu.memory_space<vmem>> -> memref<128xi32, #tpu.memory_space<vmem>>
        %dma_wait3A_298 = arith.constant 0 : i32
        %dma_wait3A_299 = arith.constant 0 : i32
        %dma_wait3A_300 = tpu.memref_slice %arg8[%dma_wait3A_298, %dma_wait3A_299] : memref<10240x128xf32, #tpu.memory_space<vmem_shared>> -> memref<10240x128xf32, #tpu.memory_space<vmem_shared>>
        tpu.wait_indirect_dma semaphore(%run_scoped3A_282 : memref<!tpu.dma_semaphore, #tpu.memory_space<semaphore_mem>>) src(%dma_wait3A_295 : memref<128x128xf32, #tpu.memory_space<vmem>>) dst(%dma_wait3A_300 : memref<10240x128xf32, #tpu.memory_space<vmem_shared>>)
        tpu.yield
      }) : () -> ()
      %add3A_275 = arith.constant 3 : i32
      %add3A_276 = arith.addi %mul3A_221, %add3A_275 : i32
      %lt3A_277 = arith.constant 39 : i32
      %lt3A_278 = arith.cmpi slt, %add3A_276, %lt3A_277 : i32
      %convert_element_type3A_279 = arith.extui %lt3A_278 : i1 to i32
      %cond3A_280 = arith.constant 0 : i32
      %cond3A_281 = arith.cmpi ne, %convert_element_type3A_279, %cond3A_280 : i32
      scf.if %cond3A_281 {
        %add3A_282 = arith.constant 3 : i32
        %add3A_283 = arith.addi %mul3A_221, %add3A_282 : i32
        %mul3A_284 = arith.constant 128 : i32
        %mul3A_285 = arith.muli %add3A_283, %mul3A_284 : i32
        %dma_start3A_286 = arith.constant 0 : i32
        %dma_start3A_287 = arith.constant 1 : i32
        %dma_start3A_288 = arith.constant 0 : i32
        %dma_start3A_289 = arith.constant 0 : i32
        %dma_start3A_290 = tpu.memref_slice %arg7[%dma_start3A_287, %dma_start3A_288, %dma_start3A_289] : memref<2x128x128xf32, #tpu.memory_space<vmem>> -> memref<1x128x128xf32, #tpu.memory_space<vmem>>
        %dma_start3A_291 = tpu.memref_squeeze %dma_start3A_290 : memref<1x128x128xf32, #tpu.memory_space<vmem>> -> memref<128x128xf32, #tpu.memory_space<vmem>>
        %dma_start3A_292 = tpu.memref_slice %arg5[%dma_start3A_286, %mul3A_285] : memref<2x4992xi32, #tpu.memory_space<vmem>> -> memref<1x128xi32, #tpu.memory_space<vmem>>
        %dma_start3A_293 = tpu.memref_squeeze %dma_start3A_292 : memref<1x128xi32, #tpu.memory_space<vmem>> -> memref<128xi32, #tpu.memory_space<vmem>>
        %dma_start3A_294 = arith.constant 0 : i32
        %dma_start3A_295 = arith.constant 0 : i32
        %dma_start3A_296 = tpu.memref_slice %arg2[%dma_start3A_294, %dma_start3A_295] : memref<10000x128xf32, #tpu.memory_space<hbm>> -> memref<10000x128xf32, #tpu.memory_space<hbm>>
        tpu.enqueue_indirect_dma source(%dma_start3A_296 : memref<10000x128xf32, #tpu.memory_space<hbm>>) target(%dma_start3A_291 : memref<128x128xf32, #tpu.memory_space<vmem>>) offsets(%dma_start3A_293 : memref<128xi32, #tpu.memory_space<vmem>>) semaphore(%arg10 : memref<!tpu.dma_semaphore, #tpu.memory_space<semaphore_mem>>)
      } else {
      }
    }
    %scan3A_75 = arith.constant 18 : i32
    %dma_wait3A_76 = arith.constant 0 : i32
    %dma_wait3A_77 = arith.constant 0 : i32
    %dma_wait3A_78 = arith.constant 0 : i32
    %dma_wait3A_79 = arith.constant 0 : i32
    %dma_wait3A_80 = tpu.memref_slice %arg7[%dma_wait3A_77, %dma_wait3A_78, %dma_wait3A_79] : memref<2x128x128xf32, #tpu.memory_space<vmem>> -> memref<1x128x128xf32, #tpu.memory_space<vmem>>
    %dma_wait3A_81 = tpu.memref_squeeze %dma_wait3A_80 : memref<1x128x128xf32, #tpu.memory_space<vmem>> -> memref<128x128xf32, #tpu.memory_space<vmem>>
    %dma_wait3A_82 = arith.constant 4608 : i32
    %dma_wait3A_83 = tpu.memref_slice %arg5[%dma_wait3A_76, %dma_wait3A_82] : memref<2x4992xi32, #tpu.memory_space<vmem>> -> memref<1x128xi32, #tpu.memory_space<vmem>>
    %dma_wait3A_84 = tpu.memref_squeeze %dma_wait3A_83 : memref<1x128xi32, #tpu.memory_space<vmem>> -> memref<128xi32, #tpu.memory_space<vmem>>
    %dma_wait3A_85 = arith.constant 0 : i32
    %dma_wait3A_86 = arith.constant 0 : i32
    %dma_wait3A_87 = tpu.memref_slice %arg2[%dma_wait3A_85, %dma_wait3A_86] : memref<10000x128xf32, #tpu.memory_space<hbm>> -> memref<10000x128xf32, #tpu.memory_space<hbm>>
    tpu.wait_indirect_dma semaphore(%arg9 : memref<!tpu.dma_semaphore, #tpu.memory_space<semaphore_mem>>) src(%dma_wait3A_87 : memref<10000x128xf32, #tpu.memory_space<hbm>>) dst(%dma_wait3A_81 : memref<128x128xf32, #tpu.memory_space<vmem>>)
    %run_scoped3A_88 = arith.constant 0 : i32
    %run_scoped3A_89 = arith.constant 1 : i32
    "tpu.region"() ({
      %run_scoped3A_219 = tpu.sem_alloc : memref<!tpu.dma_semaphore, #tpu.memory_space<semaphore_mem>>
      %dma_start3A_220 = arith.constant 0 : i32
      %dma_start3A_221 = arith.constant 0 : i32
      %dma_start3A_222 = tpu.memref_slice %arg7[%run_scoped3A_88, %dma_start3A_220, %dma_start3A_221] : memref<2x128x128xf32, #tpu.memory_space<vmem>> -> memref<1x128x128xf32, #tpu.memory_space<vmem>>
      %dma_start3A_223 = tpu.memref_squeeze %dma_start3A_222 : memref<1x128x128xf32, #tpu.memory_space<vmem>> -> memref<128x128xf32, #tpu.memory_space<vmem>>
      %dma_start3A_224 = arith.constant 4608 : i32
      %dma_start3A_225 = tpu.memref_slice %arg5[%run_scoped3A_89, %dma_start3A_224] : memref<2x4992xi32, #tpu.memory_space<vmem>> -> memref<1x128xi32, #tpu.memory_space<vmem>>
      %dma_start3A_226 = tpu.memref_squeeze %dma_start3A_225 : memref<1x128xi32, #tpu.memory_space<vmem>> -> memref<128xi32, #tpu.memory_space<vmem>>
      %dma_start3A_227 = arith.constant 0 : i32
      %dma_start3A_228 = arith.constant 0 : i32
      %dma_start3A_229 = tpu.memref_slice %arg8[%dma_start3A_227, %dma_start3A_228] : memref<10240x128xf32, #tpu.memory_space<vmem_shared>> -> memref<10240x128xf32, #tpu.memory_space<vmem_shared>>
      tpu.enqueue_indirect_dma source(%dma_start3A_223 : memref<128x128xf32, #tpu.memory_space<vmem>>) target(%dma_start3A_229 : memref<10240x128xf32, #tpu.memory_space<vmem_shared>>) offsets(%dma_start3A_226 : memref<128xi32, #tpu.memory_space<vmem>>) semaphore(%run_scoped3A_219 : memref<!tpu.dma_semaphore, #tpu.memory_space<semaphore_mem>>) {add = true}
      %dma_wait3A_230 = arith.constant 0 : i32
      %dma_wait3A_231 = arith.constant 0 : i32
      %dma_wait3A_232 = tpu.memref_slice %arg7[%run_scoped3A_88, %dma_wait3A_230, %dma_wait3A_231] : memref<2x128x128xf32, #tpu.memory_space<vmem>> -> memref<1x128x128xf32, #tpu.memory_space<vmem>>
      %dma_wait3A_233 = tpu.memref_squeeze %dma_wait3A_232 : memref<1x128x128xf32, #tpu.memory_space<vmem>> -> memref<128x128xf32, #tpu.memory_space<vmem>>
      %dma_wait3A_234 = arith.constant 4608 : i32
      %dma_wait3A_235 = tpu.memref_slice %arg5[%run_scoped3A_89, %dma_wait3A_234] : memref<2x4992xi32, #tpu.memory_space<vmem>> -> memref<1x128xi32, #tpu.memory_space<vmem>>
      %dma_wait3A_236 = tpu.memref_squeeze %dma_wait3A_235 : memref<1x128xi32, #tpu.memory_space<vmem>> -> memref<128xi32, #tpu.memory_space<vmem>>
      %dma_wait3A_237 = arith.constant 0 : i32
      %dma_wait3A_238 = arith.constant 0 : i32
      %dma_wait3A_239 = tpu.memref_slice %arg8[%dma_wait3A_237, %dma_wait3A_238] : memref<10240x128xf32, #tpu.memory_space<vmem_shared>> -> memref<10240x128xf32, #tpu.memory_space<vmem_shared>>
      tpu.wait_indirect_dma semaphore(%run_scoped3A_219 : memref<!tpu.dma_semaphore, #tpu.memory_space<semaphore_mem>>) src(%dma_wait3A_233 : memref<128x128xf32, #tpu.memory_space<vmem>>) dst(%dma_wait3A_239 : memref<10240x128xf32, #tpu.memory_space<vmem_shared>>)
      tpu.yield
    }) : () -> ()
    %dma_wait3A_90 = arith.constant 0 : i32
    %dma_wait3A_91 = arith.constant 1 : i32
    %dma_wait3A_92 = arith.constant 0 : i32
    %dma_wait3A_93 = arith.constant 0 : i32
    %dma_wait3A_94 = tpu.memref_slice %arg7[%dma_wait3A_91, %dma_wait3A_92, %dma_wait3A_93] : memref<2x128x128xf32, #tpu.memory_space<vmem>> -> memref<1x128x128xf32, #tpu.memory_space<vmem>>
    %dma_wait3A_95 = tpu.memref_squeeze %dma_wait3A_94 : memref<1x128x128xf32, #tpu.memory_space<vmem>> -> memref<128x128xf32, #tpu.memory_space<vmem>>
    %dma_wait3A_96 = arith.constant 4736 : i32
    %dma_wait3A_97 = tpu.memref_slice %arg5[%dma_wait3A_90, %dma_wait3A_96] : memref<2x4992xi32, #tpu.memory_space<vmem>> -> memref<1x128xi32, #tpu.memory_space<vmem>>
    %dma_wait3A_98 = tpu.memref_squeeze %dma_wait3A_97 : memref<1x128xi32, #tpu.memory_space<vmem>> -> memref<128xi32, #tpu.memory_space<vmem>>
    %dma_wait3A_99 = arith.constant 0 : i32
    %dma_wait3A_100 = arith.constant 0 : i32
    %dma_wait3A_101 = tpu.memref_slice %arg2[%dma_wait3A_99, %dma_wait3A_100] : memref<10000x128xf32, #tpu.memory_space<hbm>> -> memref<10000x128xf32, #tpu.memory_space<hbm>>
    tpu.wait_indirect_dma semaphore(%arg10 : memref<!tpu.dma_semaphore, #tpu.memory_space<semaphore_mem>>) src(%dma_wait3A_101 : memref<10000x128xf32, #tpu.memory_space<hbm>>) dst(%dma_wait3A_95 : memref<128x128xf32, #tpu.memory_space<vmem>>)
    %run_scoped3A_102 = arith.constant 1 : i32
    %run_scoped3A_103 = arith.constant 1 : i32
    "tpu.region"() ({
      %run_scoped3A_219 = tpu.sem_alloc : memref<!tpu.dma_semaphore, #tpu.memory_space<semaphore_mem>>
      %dma_start3A_220 = arith.constant 0 : i32
      %dma_start3A_221 = arith.constant 0 : i32
      %dma_start3A_222 = tpu.memref_slice %arg7[%run_scoped3A_102, %dma_start3A_220, %dma_start3A_221] : memref<2x128x128xf32, #tpu.memory_space<vmem>> -> memref<1x128x128xf32, #tpu.memory_space<vmem>>
      %dma_start3A_223 = tpu.memref_squeeze %dma_start3A_222 : memref<1x128x128xf32, #tpu.memory_space<vmem>> -> memref<128x128xf32, #tpu.memory_space<vmem>>
      %dma_start3A_224 = arith.constant 4736 : i32
      %dma_start3A_225 = tpu.memref_slice %arg5[%run_scoped3A_103, %dma_start3A_224] : memref<2x4992xi32, #tpu.memory_space<vmem>> -> memref<1x128xi32, #tpu.memory_space<vmem>>
      %dma_start3A_226 = tpu.memref_squeeze %dma_start3A_225 : memref<1x128xi32, #tpu.memory_space<vmem>> -> memref<128xi32, #tpu.memory_space<vmem>>
      %dma_start3A_227 = arith.constant 0 : i32
      %dma_start3A_228 = arith.constant 0 : i32
      %dma_start3A_229 = tpu.memref_slice %arg8[%dma_start3A_227, %dma_start3A_228] : memref<10240x128xf32, #tpu.memory_space<vmem_shared>> -> memref<10240x128xf32, #tpu.memory_space<vmem_shared>>
      tpu.enqueue_indirect_dma source(%dma_start3A_223 : memref<128x128xf32, #tpu.memory_space<vmem>>) target(%dma_start3A_229 : memref<10240x128xf32, #tpu.memory_space<vmem_shared>>) offsets(%dma_start3A_226 : memref<128xi32, #tpu.memory_space<vmem>>) semaphore(%run_scoped3A_219 : memref<!tpu.dma_semaphore, #tpu.memory_space<semaphore_mem>>) {add = true}
      %dma_wait3A_230 = arith.constant 0 : i32
      %dma_wait3A_231 = arith.constant 0 : i32
      %dma_wait3A_232 = tpu.memref_slice %arg7[%run_scoped3A_102, %dma_wait3A_230, %dma_wait3A_231] : memref<2x128x128xf32, #tpu.memory_space<vmem>> -> memref<1x128x128xf32, #tpu.memory_space<vmem>>
      %dma_wait3A_233 = tpu.memref_squeeze %dma_wait3A_232 : memref<1x128x128xf32, #tpu.memory_space<vmem>> -> memref<128x128xf32, #tpu.memory_space<vmem>>
      %dma_wait3A_234 = arith.constant 4736 : i32
      %dma_wait3A_235 = tpu.memref_slice %arg5[%run_scoped3A_103, %dma_wait3A_234] : memref<2x4992xi32, #tpu.memory_space<vmem>> -> memref<1x128xi32, #tpu.memory_space<vmem>>
      %dma_wait3A_236 = tpu.memref_squeeze %dma_wait3A_235 : memref<1x128xi32, #tpu.memory_space<vmem>> -> memref<128xi32, #tpu.memory_space<vmem>>
      %dma_wait3A_237 = arith.constant 0 : i32
      %dma_wait3A_238 = arith.constant 0 : i32
      %dma_wait3A_239 = tpu.memref_slice %arg8[%dma_wait3A_237, %dma_wait3A_238] : memref<10240x128xf32, #tpu.memory_space<vmem_shared>> -> memref<10240x128xf32, #tpu.memory_space<vmem_shared>>
      tpu.wait_indirect_dma semaphore(%run_scoped3A_219 : memref<!tpu.dma_semaphore, #tpu.memory_space<semaphore_mem>>) src(%dma_wait3A_233 : memref<128x128xf32, #tpu.memory_space<vmem>>) dst(%dma_wait3A_239 : memref<10240x128xf32, #tpu.memory_space<vmem_shared>>)
      tpu.yield
    }) : () -> ()
    %dma_start3A_104 = arith.constant 0 : i32
    %dma_start3A_105 = arith.constant 0 : i32
    %dma_start3A_106 = arith.constant 0 : i32
    %dma_start3A_107 = arith.constant 0 : i32
    %dma_start3A_108 = tpu.memref_slice %arg7[%dma_start3A_105, %dma_start3A_106, %dma_start3A_107] : memref<2x128x128xf32, #tpu.memory_space<vmem>> -> memref<1x128x128xf32, #tpu.memory_space<vmem>>
    %dma_start3A_109 = tpu.memref_squeeze %dma_start3A_108 : memref<1x128x128xf32, #tpu.memory_space<vmem>> -> memref<128x128xf32, #tpu.memory_space<vmem>>
    %dma_start3A_110 = arith.constant 4864 : i32
    %dma_start3A_111 = tpu.memref_slice %arg5[%dma_start3A_104, %dma_start3A_110] : memref<2x4992xi32, #tpu.memory_space<vmem>> -> memref<1x128xi32, #tpu.memory_space<vmem>>
    %dma_start3A_112 = tpu.memref_squeeze %dma_start3A_111 : memref<1x128xi32, #tpu.memory_space<vmem>> -> memref<128xi32, #tpu.memory_space<vmem>>
    %dma_start3A_113 = arith.constant 0 : i32
    %dma_start3A_114 = arith.constant 0 : i32
    %dma_start3A_115 = tpu.memref_slice %arg2[%dma_start3A_113, %dma_start3A_114] : memref<10000x128xf32, #tpu.memory_space<hbm>> -> memref<10000x128xf32, #tpu.memory_space<hbm>>
    tpu.enqueue_indirect_dma source(%dma_start3A_115 : memref<10000x128xf32, #tpu.memory_space<hbm>>) target(%dma_start3A_109 : memref<128x128xf32, #tpu.memory_space<vmem>>) offsets(%dma_start3A_112 : memref<128xi32, #tpu.memory_space<vmem>>) semaphore(%arg9 : memref<!tpu.dma_semaphore, #tpu.memory_space<semaphore_mem>>)
    %dma_wait3A_116 = arith.constant 0 : i32
    %dma_wait3A_117 = arith.constant 0 : i32
    %dma_wait3A_118 = arith.constant 0 : i32
    %dma_wait3A_119 = arith.constant 0 : i32
    %dma_wait3A_120 = tpu.memref_slice %arg7[%dma_wait3A_117, %dma_wait3A_118, %dma_wait3A_119] : memref<2x128x128xf32, #tpu.memory_space<vmem>> -> memref<1x128x128xf32, #tpu.memory_space<vmem>>
    %dma_wait3A_121 = tpu.memref_squeeze %dma_wait3A_120 : memref<1x128x128xf32, #tpu.memory_space<vmem>> -> memref<128x128xf32, #tpu.memory_space<vmem>>
    %dma_wait3A_122 = arith.constant 4864 : i32
    %dma_wait3A_123 = tpu.memref_slice %arg5[%dma_wait3A_116, %dma_wait3A_122] : memref<2x4992xi32, #tpu.memory_space<vmem>> -> memref<1x128xi32, #tpu.memory_space<vmem>>
    %dma_wait3A_124 = tpu.memref_squeeze %dma_wait3A_123 : memref<1x128xi32, #tpu.memory_space<vmem>> -> memref<128xi32, #tpu.memory_space<vmem>>
    %dma_wait3A_125 = arith.constant 0 : i32
    %dma_wait3A_126 = arith.constant 0 : i32
    %dma_wait3A_127 = tpu.memref_slice %arg2[%dma_wait3A_125, %dma_wait3A_126] : memref<10000x128xf32, #tpu.memory_space<hbm>> -> memref<10000x128xf32, #tpu.memory_space<hbm>>
    tpu.wait_indirect_dma semaphore(%arg9 : memref<!tpu.dma_semaphore, #tpu.memory_space<semaphore_mem>>) src(%dma_wait3A_127 : memref<10000x128xf32, #tpu.memory_space<hbm>>) dst(%dma_wait3A_121 : memref<128x128xf32, #tpu.memory_space<vmem>>)
    %run_scoped3A_128 = arith.constant 0 : i32
    %run_scoped3A_129 = arith.constant 1 : i32
    "tpu.region"() ({
      %run_scoped3A_219 = tpu.sem_alloc : memref<!tpu.dma_semaphore, #tpu.memory_space<semaphore_mem>>
      %dma_start3A_220 = arith.constant 0 : i32
      %dma_start3A_221 = arith.constant 0 : i32
      %dma_start3A_222 = tpu.memref_slice %arg7[%run_scoped3A_128, %dma_start3A_220, %dma_start3A_221] : memref<2x128x128xf32, #tpu.memory_space<vmem>> -> memref<1x128x128xf32, #tpu.memory_space<vmem>>
      %dma_start3A_223 = tpu.memref_squeeze %dma_start3A_222 : memref<1x128x128xf32, #tpu.memory_space<vmem>> -> memref<128x128xf32, #tpu.memory_space<vmem>>
      %dma_start3A_224 = arith.constant 4864 : i32
      %dma_start3A_225 = tpu.memref_slice %arg5[%run_scoped3A_129, %dma_start3A_224] : memref<2x4992xi32, #tpu.memory_space<vmem>> -> memref<1x128xi32, #tpu.memory_space<vmem>>
      %dma_start3A_226 = tpu.memref_squeeze %dma_start3A_225 : memref<1x128xi32, #tpu.memory_space<vmem>> -> memref<128xi32, #tpu.memory_space<vmem>>
      %dma_start3A_227 = arith.constant 0 : i32
      %dma_start3A_228 = arith.constant 0 : i32
      %dma_start3A_229 = tpu.memref_slice %arg8[%dma_start3A_227, %dma_start3A_228] : memref<10240x128xf32, #tpu.memory_space<vmem_shared>> -> memref<10240x128xf32, #tpu.memory_space<vmem_shared>>
      tpu.enqueue_indirect_dma source(%dma_start3A_223 : memref<128x128xf32, #tpu.memory_space<vmem>>) target(%dma_start3A_229 : memref<10240x128xf32, #tpu.memory_space<vmem_shared>>) offsets(%dma_start3A_226 : memref<128xi32, #tpu.memory_space<vmem>>) semaphore(%run_scoped3A_219 : memref<!tpu.dma_semaphore, #tpu.memory_space<semaphore_mem>>) {add = true}
      %dma_wait3A_230 = arith.constant 0 : i32
      %dma_wait3A_231 = arith.constant 0 : i32
      %dma_wait3A_232 = tpu.memref_slice %arg7[%run_scoped3A_128, %dma_wait3A_230, %dma_wait3A_231] : memref<2x128x128xf32, #tpu.memory_space<vmem>> -> memref<1x128x128xf32, #tpu.memory_space<vmem>>
      %dma_wait3A_233 = tpu.memref_squeeze %dma_wait3A_232 : memref<1x128x128xf32, #tpu.memory_space<vmem>> -> memref<128x128xf32, #tpu.memory_space<vmem>>
      %dma_wait3A_234 = arith.constant 4864 : i32
      %dma_wait3A_235 = tpu.memref_slice %arg5[%run_scoped3A_129, %dma_wait3A_234] : memref<2x4992xi32, #tpu.memory_space<vmem>> -> memref<1x128xi32, #tpu.memory_space<vmem>>
      %dma_wait3A_236 = tpu.memref_squeeze %dma_wait3A_235 : memref<1x128xi32, #tpu.memory_space<vmem>> -> memref<128xi32, #tpu.memory_space<vmem>>
      %dma_wait3A_237 = arith.constant 0 : i32
      %dma_wait3A_238 = arith.constant 0 : i32
      %dma_wait3A_239 = tpu.memref_slice %arg8[%dma_wait3A_237, %dma_wait3A_238] : memref<10240x128xf32, #tpu.memory_space<vmem_shared>> -> memref<10240x128xf32, #tpu.memory_space<vmem_shared>>
      tpu.wait_indirect_dma semaphore(%run_scoped3A_219 : memref<!tpu.dma_semaphore, #tpu.memory_space<semaphore_mem>>) src(%dma_wait3A_233 : memref<128x128xf32, #tpu.memory_space<vmem>>) dst(%dma_wait3A_239 : memref<10240x128xf32, #tpu.memory_space<vmem_shared>>)
      tpu.yield
    }) : () -> ()
    %add3A_130 = arith.constant 4992 : i32
    %add3A_131 = arith.addi %mul3A_4, %add3A_130 : i32
    "tpu.region"() ({
      %run_scoped3A_219 = tpu.sem_alloc : memref<!tpu.dma_semaphore, #tpu.memory_space<semaphore_mem>>
      %dma_start3A_220 = arith.constant 0 : i32
      %dma_start3A_221 = tpu.memref_slice %arg3[%dma_start3A_220, %add3A_131] : memref<2x320000xi32, #tpu.memory_space<hbm>> -> memref<2x4992xi32, #tpu.memory_space<hbm>>
      %dma_start3A_222 = arith.constant 0 : i32
      %dma_start3A_223 = tpu.memref_slice %arg3[%dma_start3A_222, %add3A_131] : memref<2x320000xi32, #tpu.memory_space<hbm>> -> memref<2x4992xi32, #tpu.memory_space<hbm>>
      tpu.enqueue_dma source(%dma_start3A_223 : memref<2x4992xi32, #tpu.memory_space<hbm>>) target(%arg5 : memref<2x4992xi32, #tpu.memory_space<vmem>>) target_semaphore(%run_scoped3A_219 : memref<!tpu.dma_semaphore, #tpu.memory_space<semaphore_mem>>)
      %dma_wait3A_224 = arith.constant 0 : i32
      %dma_wait3A_225 = tpu.memref_slice %arg3[%dma_wait3A_224, %add3A_131] : memref<2x320000xi32, #tpu.memory_space<hbm>> -> memref<2x4992xi32, #tpu.memory_space<hbm>>
      %dma_wait3A_226 = arith.constant 0 : i32
      %dma_wait3A_227 = tpu.memref_slice %arg3[%dma_wait3A_226, %add3A_131] : memref<2x320000xi32, #tpu.memory_space<hbm>> -> memref<2x4992xi32, #tpu.memory_space<hbm>>
      tpu.wait_dma2 semaphore(%run_scoped3A_219 : memref<!tpu.dma_semaphore, #tpu.memory_space<semaphore_mem>>) src(%dma_wait3A_227 : memref<2x4992xi32, #tpu.memory_space<hbm>>) dst(%arg5 : memref<2x4992xi32, #tpu.memory_space<vmem>>)
      tpu.yield
    }) : () -> ()
    %dma_start3A_132 = arith.constant 0 : i32
    %dma_start3A_133 = arith.constant 0 : i32
    %dma_start3A_134 = arith.constant 0 : i32
    %dma_start3A_135 = arith.constant 0 : i32
    %dma_start3A_136 = tpu.memref_slice %arg7[%dma_start3A_133, %dma_start3A_134, %dma_start3A_135] : memref<2x128x128xf32, #tpu.memory_space<vmem>> -> memref<1x128x128xf32, #tpu.memory_space<vmem>>
    %dma_start3A_137 = tpu.memref_squeeze %dma_start3A_136 : memref<1x128x128xf32, #tpu.memory_space<vmem>> -> memref<128x128xf32, #tpu.memory_space<vmem>>
    %dma_start3A_138 = arith.constant 0 : i32
    %dma_start3A_139 = tpu.memref_slice %arg5[%dma_start3A_132, %dma_start3A_138] : memref<2x4992xi32, #tpu.memory_space<vmem>> -> memref<1x128xi32, #tpu.memory_space<vmem>>
    %dma_start3A_140 = tpu.memref_squeeze %dma_start3A_139 : memref<1x128xi32, #tpu.memory_space<vmem>> -> memref<128xi32, #tpu.memory_space<vmem>>
    %dma_start3A_141 = arith.constant 0 : i32
    %dma_start3A_142 = arith.constant 0 : i32
    %dma_start3A_143 = tpu.memref_slice %arg2[%dma_start3A_141, %dma_start3A_142] : memref<10000x128xf32, #tpu.memory_space<hbm>> -> memref<10000x128xf32, #tpu.memory_space<hbm>>
    tpu.enqueue_indirect_dma source(%dma_start3A_143 : memref<10000x128xf32, #tpu.memory_space<hbm>>) target(%dma_start3A_137 : memref<128x128xf32, #tpu.memory_space<vmem>>) offsets(%dma_start3A_140 : memref<128xi32, #tpu.memory_space<vmem>>) semaphore(%arg9 : memref<!tpu.dma_semaphore, #tpu.memory_space<semaphore_mem>>)
    %dma_start3A_144 = arith.constant 0 : i32
    %dma_start3A_145 = arith.constant 1 : i32
    %dma_start3A_146 = arith.constant 0 : i32
    %dma_start3A_147 = arith.constant 0 : i32
    %dma_start3A_148 = tpu.memref_slice %arg7[%dma_start3A_145, %dma_start3A_146, %dma_start3A_147] : memref<2x128x128xf32, #tpu.memory_space<vmem>> -> memref<1x128x128xf32, #tpu.memory_space<vmem>>
    %dma_start3A_149 = tpu.memref_squeeze %dma_start3A_148 : memref<1x128x128xf32, #tpu.memory_space<vmem>> -> memref<128x128xf32, #tpu.memory_space<vmem>>
    %dma_start3A_150 = arith.constant 128 : i32
    %dma_start3A_151 = tpu.memref_slice %arg5[%dma_start3A_144, %dma_start3A_150] : memref<2x4992xi32, #tpu.memory_space<vmem>> -> memref<1x128xi32, #tpu.memory_space<vmem>>
    %dma_start3A_152 = tpu.memref_squeeze %dma_start3A_151 : memref<1x128xi32, #tpu.memory_space<vmem>> -> memref<128xi32, #tpu.memory_space<vmem>>
    %dma_start3A_153 = arith.constant 0 : i32
    %dma_start3A_154 = arith.constant 0 : i32
    %dma_start3A_155 = tpu.memref_slice %arg2[%dma_start3A_153, %dma_start3A_154] : memref<10000x128xf32, #tpu.memory_space<hbm>> -> memref<10000x128xf32, #tpu.memory_space<hbm>>
    tpu.enqueue_indirect_dma source(%dma_start3A_155 : memref<10000x128xf32, #tpu.memory_space<hbm>>) target(%dma_start3A_149 : memref<128x128xf32, #tpu.memory_space<vmem>>) offsets(%dma_start3A_152 : memref<128xi32, #tpu.memory_space<vmem>>) semaphore(%arg10 : memref<!tpu.dma_semaphore, #tpu.memory_space<semaphore_mem>>)
    %scan3A_156 = arith.constant 0 : i32
    %scan3A_157 = arith.constant 0 : i32
    %scan3A_158 = arith.constant 18 : i32
    %scan3A_159 = arith.addi %scan3A_157, %scan3A_158 : i32
    %scan3A_160 = arith.constant 1 : i32
    scf.for %scan3A_219 = %scan3A_157 to %scan3A_159 step %scan3A_160  : i32 {
      %mul3A_220 = arith.constant 2 : i32
      %mul3A_221 = arith.muli %mul3A_220, %scan3A_219 : i32
      %mul3A_222 = arith.constant 128 : i32
      %mul3A_223 = arith.muli %mul3A_221, %mul3A_222 : i32
      %dma_wait3A_224 = arith.constant 0 : i32
      %dma_wait3A_225 = arith.constant 0 : i32
      %dma_wait3A_226 = arith.constant 0 : i32
      %dma_wait3A_227 = arith.constant 0 : i32
      %dma_wait3A_228 = tpu.memref_slice %arg7[%dma_wait3A_225, %dma_wait3A_226, %dma_wait3A_227] : memref<2x128x128xf32, #tpu.memory_space<vmem>> -> memref<1x128x128xf32, #tpu.memory_space<vmem>>
      %dma_wait3A_229 = tpu.memref_squeeze %dma_wait3A_228 : memref<1x128x128xf32, #tpu.memory_space<vmem>> -> memref<128x128xf32, #tpu.memory_space<vmem>>
      %dma_wait3A_230 = tpu.memref_slice %arg5[%dma_wait3A_224, %mul3A_223] : memref<2x4992xi32, #tpu.memory_space<vmem>> -> memref<1x128xi32, #tpu.memory_space<vmem>>
      %dma_wait3A_231 = tpu.memref_squeeze %dma_wait3A_230 : memref<1x128xi32, #tpu.memory_space<vmem>> -> memref<128xi32, #tpu.memory_space<vmem>>
      %dma_wait3A_232 = arith.constant 0 : i32
      %dma_wait3A_233 = arith.constant 0 : i32
      %dma_wait3A_234 = tpu.memref_slice %arg2[%dma_wait3A_232, %dma_wait3A_233] : memref<10000x128xf32, #tpu.memory_space<hbm>> -> memref<10000x128xf32, #tpu.memory_space<hbm>>
      tpu.wait_indirect_dma semaphore(%arg9 : memref<!tpu.dma_semaphore, #tpu.memory_space<semaphore_mem>>) src(%dma_wait3A_234 : memref<10000x128xf32, #tpu.memory_space<hbm>>) dst(%dma_wait3A_229 : memref<128x128xf32, #tpu.memory_space<vmem>>)
      %mul3A_235 = arith.constant 128 : i32
      %mul3A_236 = arith.muli %mul3A_221, %mul3A_235 : i32
      %run_scoped3A_237 = arith.constant 0 : i32
      %run_scoped3A_238 = arith.constant 1 : i32
      "tpu.region"() ({
        %run_scoped3A_282 = tpu.sem_alloc : memref<!tpu.dma_semaphore, #tpu.memory_space<semaphore_mem>>
        %dma_start3A_283 = arith.constant 0 : i32
        %dma_start3A_284 = arith.constant 0 : i32
        %dma_start3A_285 = tpu.memref_slice %arg7[%run_scoped3A_237, %dma_start3A_283, %dma_start3A_284] : memref<2x128x128xf32, #tpu.memory_space<vmem>> -> memref<1x128x128xf32, #tpu.memory_space<vmem>>
        %dma_start3A_286 = tpu.memref_squeeze %dma_start3A_285 : memref<1x128x128xf32, #tpu.memory_space<vmem>> -> memref<128x128xf32, #tpu.memory_space<vmem>>
        %dma_start3A_287 = tpu.memref_slice %arg5[%run_scoped3A_238, %mul3A_236] : memref<2x4992xi32, #tpu.memory_space<vmem>> -> memref<1x128xi32, #tpu.memory_space<vmem>>
        %dma_start3A_288 = tpu.memref_squeeze %dma_start3A_287 : memref<1x128xi32, #tpu.memory_space<vmem>> -> memref<128xi32, #tpu.memory_space<vmem>>
        %dma_start3A_289 = arith.constant 0 : i32
        %dma_start3A_290 = arith.constant 0 : i32
        %dma_start3A_291 = tpu.memref_slice %arg8[%dma_start3A_289, %dma_start3A_290] : memref<10240x128xf32, #tpu.memory_space<vmem_shared>> -> memref<10240x128xf32, #tpu.memory_space<vmem_shared>>
        tpu.enqueue_indirect_dma source(%dma_start3A_286 : memref<128x128xf32, #tpu.memory_space<vmem>>) target(%dma_start3A_291 : memref<10240x128xf32, #tpu.memory_space<vmem_shared>>) offsets(%dma_start3A_288 : memref<128xi32, #tpu.memory_space<vmem>>) semaphore(%run_scoped3A_282 : memref<!tpu.dma_semaphore, #tpu.memory_space<semaphore_mem>>) {add = true}
        %dma_wait3A_292 = arith.constant 0 : i32
        %dma_wait3A_293 = arith.constant 0 : i32
        %dma_wait3A_294 = tpu.memref_slice %arg7[%run_scoped3A_237, %dma_wait3A_292, %dma_wait3A_293] : memref<2x128x128xf32, #tpu.memory_space<vmem>> -> memref<1x128x128xf32, #tpu.memory_space<vmem>>
        %dma_wait3A_295 = tpu.memref_squeeze %dma_wait3A_294 : memref<1x128x128xf32, #tpu.memory_space<vmem>> -> memref<128x128xf32, #tpu.memory_space<vmem>>
        %dma_wait3A_296 = tpu.memref_slice %arg5[%run_scoped3A_238, %mul3A_236] : memref<2x4992xi32, #tpu.memory_space<vmem>> -> memref<1x128xi32, #tpu.memory_space<vmem>>
        %dma_wait3A_297 = tpu.memref_squeeze %dma_wait3A_296 : memref<1x128xi32, #tpu.memory_space<vmem>> -> memref<128xi32, #tpu.memory_space<vmem>>
        %dma_wait3A_298 = arith.constant 0 : i32
        %dma_wait3A_299 = arith.constant 0 : i32
        %dma_wait3A_300 = tpu.memref_slice %arg8[%dma_wait3A_298, %dma_wait3A_299] : memref<10240x128xf32, #tpu.memory_space<vmem_shared>> -> memref<10240x128xf32, #tpu.memory_space<vmem_shared>>
        tpu.wait_indirect_dma semaphore(%run_scoped3A_282 : memref<!tpu.dma_semaphore, #tpu.memory_space<semaphore_mem>>) src(%dma_wait3A_295 : memref<128x128xf32, #tpu.memory_space<vmem>>) dst(%dma_wait3A_300 : memref<10240x128xf32, #tpu.memory_space<vmem_shared>>)
        tpu.yield
      }) : () -> ()
      %add3A_239 = arith.constant 2 : i32
      %add3A_240 = arith.addi %mul3A_221, %add3A_239 : i32
      %mul3A_241 = arith.constant 128 : i32
      %mul3A_242 = arith.muli %add3A_240, %mul3A_241 : i32
      %dma_start3A_243 = arith.constant 0 : i32
      %dma_start3A_244 = arith.constant 0 : i32
      %dma_start3A_245 = arith.constant 0 : i32
      %dma_start3A_246 = arith.constant 0 : i32
      %dma_start3A_247 = tpu.memref_slice %arg7[%dma_start3A_244, %dma_start3A_245, %dma_start3A_246] : memref<2x128x128xf32, #tpu.memory_space<vmem>> -> memref<1x128x128xf32, #tpu.memory_space<vmem>>
      %dma_start3A_248 = tpu.memref_squeeze %dma_start3A_247 : memref<1x128x128xf32, #tpu.memory_space<vmem>> -> memref<128x128xf32, #tpu.memory_space<vmem>>
      %dma_start3A_249 = tpu.memref_slice %arg5[%dma_start3A_243, %mul3A_242] : memref<2x4992xi32, #tpu.memory_space<vmem>> -> memref<1x128xi32, #tpu.memory_space<vmem>>
      %dma_start3A_250 = tpu.memref_squeeze %dma_start3A_249 : memref<1x128xi32, #tpu.memory_space<vmem>> -> memref<128xi32, #tpu.memory_space<vmem>>
      %dma_start3A_251 = arith.constant 0 : i32
      %dma_start3A_252 = arith.constant 0 : i32
      %dma_start3A_253 = tpu.memref_slice %arg2[%dma_start3A_251, %dma_start3A_252] : memref<10000x128xf32, #tpu.memory_space<hbm>> -> memref<10000x128xf32, #tpu.memory_space<hbm>>
      tpu.enqueue_indirect_dma source(%dma_start3A_253 : memref<10000x128xf32, #tpu.memory_space<hbm>>) target(%dma_start3A_248 : memref<128x128xf32, #tpu.memory_space<vmem>>) offsets(%dma_start3A_250 : memref<128xi32, #tpu.memory_space<vmem>>) semaphore(%arg9 : memref<!tpu.dma_semaphore, #tpu.memory_space<semaphore_mem>>)
      %add3A_254 = arith.constant 1 : i32
      %add3A_255 = arith.addi %mul3A_221, %add3A_254 : i32
      %mul3A_256 = arith.constant 128 : i32
      %mul3A_257 = arith.muli %add3A_255, %mul3A_256 : i32
      %dma_wait3A_258 = arith.constant 0 : i32
      %dma_wait3A_259 = arith.constant 1 : i32
      %dma_wait3A_260 = arith.constant 0 : i32
      %dma_wait3A_261 = arith.constant 0 : i32
      %dma_wait3A_262 = tpu.memref_slice %arg7[%dma_wait3A_259, %dma_wait3A_260, %dma_wait3A_261] : memref<2x128x128xf32, #tpu.memory_space<vmem>> -> memref<1x128x128xf32, #tpu.memory_space<vmem>>
      %dma_wait3A_263 = tpu.memref_squeeze %dma_wait3A_262 : memref<1x128x128xf32, #tpu.memory_space<vmem>> -> memref<128x128xf32, #tpu.memory_space<vmem>>
      %dma_wait3A_264 = tpu.memref_slice %arg5[%dma_wait3A_258, %mul3A_257] : memref<2x4992xi32, #tpu.memory_space<vmem>> -> memref<1x128xi32, #tpu.memory_space<vmem>>
      %dma_wait3A_265 = tpu.memref_squeeze %dma_wait3A_264 : memref<1x128xi32, #tpu.memory_space<vmem>> -> memref<128xi32, #tpu.memory_space<vmem>>
      %dma_wait3A_266 = arith.constant 0 : i32
      %dma_wait3A_267 = arith.constant 0 : i32
      %dma_wait3A_268 = tpu.memref_slice %arg2[%dma_wait3A_266, %dma_wait3A_267] : memref<10000x128xf32, #tpu.memory_space<hbm>> -> memref<10000x128xf32, #tpu.memory_space<hbm>>
      tpu.wait_indirect_dma semaphore(%arg10 : memref<!tpu.dma_semaphore, #tpu.memory_space<semaphore_mem>>) src(%dma_wait3A_268 : memref<10000x128xf32, #tpu.memory_space<hbm>>) dst(%dma_wait3A_263 : memref<128x128xf32, #tpu.memory_space<vmem>>)
      %add3A_269 = arith.constant 1 : i32
      %add3A_270 = arith.addi %mul3A_221, %add3A_269 : i32
      %mul3A_271 = arith.constant 128 : i32
      %mul3A_272 = arith.muli %add3A_270, %mul3A_271 : i32
      %run_scoped3A_273 = arith.constant 1 : i32
      %run_scoped3A_274 = arith.constant 1 : i32
      "tpu.region"() ({
        %run_scoped3A_282 = tpu.sem_alloc : memref<!tpu.dma_semaphore, #tpu.memory_space<semaphore_mem>>
        %dma_start3A_283 = arith.constant 0 : i32
        %dma_start3A_284 = arith.constant 0 : i32
        %dma_start3A_285 = tpu.memref_slice %arg7[%run_scoped3A_273, %dma_start3A_283, %dma_start3A_284] : memref<2x128x128xf32, #tpu.memory_space<vmem>> -> memref<1x128x128xf32, #tpu.memory_space<vmem>>
        %dma_start3A_286 = tpu.memref_squeeze %dma_start3A_285 : memref<1x128x128xf32, #tpu.memory_space<vmem>> -> memref<128x128xf32, #tpu.memory_space<vmem>>
        %dma_start3A_287 = tpu.memref_slice %arg5[%run_scoped3A_274, %mul3A_272] : memref<2x4992xi32, #tpu.memory_space<vmem>> -> memref<1x128xi32, #tpu.memory_space<vmem>>
        %dma_start3A_288 = tpu.memref_squeeze %dma_start3A_287 : memref<1x128xi32, #tpu.memory_space<vmem>> -> memref<128xi32, #tpu.memory_space<vmem>>
        %dma_start3A_289 = arith.constant 0 : i32
        %dma_start3A_290 = arith.constant 0 : i32
        %dma_start3A_291 = tpu.memref_slice %arg8[%dma_start3A_289, %dma_start3A_290] : memref<10240x128xf32, #tpu.memory_space<vmem_shared>> -> memref<10240x128xf32, #tpu.memory_space<vmem_shared>>
        tpu.enqueue_indirect_dma source(%dma_start3A_286 : memref<128x128xf32, #tpu.memory_space<vmem>>) target(%dma_start3A_291 : memref<10240x128xf32, #tpu.memory_space<vmem_shared>>) offsets(%dma_start3A_288 : memref<128xi32, #tpu.memory_space<vmem>>) semaphore(%run_scoped3A_282 : memref<!tpu.dma_semaphore, #tpu.memory_space<semaphore_mem>>) {add = true}
        %dma_wait3A_292 = arith.constant 0 : i32
        %dma_wait3A_293 = arith.constant 0 : i32
        %dma_wait3A_294 = tpu.memref_slice %arg7[%run_scoped3A_273, %dma_wait3A_292, %dma_wait3A_293] : memref<2x128x128xf32, #tpu.memory_space<vmem>> -> memref<1x128x128xf32, #tpu.memory_space<vmem>>
        %dma_wait3A_295 = tpu.memref_squeeze %dma_wait3A_294 : memref<1x128x128xf32, #tpu.memory_space<vmem>> -> memref<128x128xf32, #tpu.memory_space<vmem>>
        %dma_wait3A_296 = tpu.memref_slice %arg5[%run_scoped3A_274, %mul3A_272] : memref<2x4992xi32, #tpu.memory_space<vmem>> -> memref<1x128xi32, #tpu.memory_space<vmem>>
        %dma_wait3A_297 = tpu.memref_squeeze %dma_wait3A_296 : memref<1x128xi32, #tpu.memory_space<vmem>> -> memref<128xi32, #tpu.memory_space<vmem>>
        %dma_wait3A_298 = arith.constant 0 : i32
        %dma_wait3A_299 = arith.constant 0 : i32
        %dma_wait3A_300 = tpu.memref_slice %arg8[%dma_wait3A_298, %dma_wait3A_299] : memref<10240x128xf32, #tpu.memory_space<vmem_shared>> -> memref<10240x128xf32, #tpu.memory_space<vmem_shared>>
        tpu.wait_indirect_dma semaphore(%run_scoped3A_282 : memref<!tpu.dma_semaphore, #tpu.memory_space<semaphore_mem>>) src(%dma_wait3A_295 : memref<128x128xf32, #tpu.memory_space<vmem>>) dst(%dma_wait3A_300 : memref<10240x128xf32, #tpu.memory_space<vmem_shared>>)
        tpu.yield
      }) : () -> ()
      %add3A_275 = arith.constant 3 : i32
      %add3A_276 = arith.addi %mul3A_221, %add3A_275 : i32
      %lt3A_277 = arith.constant 39 : i32
      %lt3A_278 = arith.cmpi slt, %add3A_276, %lt3A_277 : i32
      %convert_element_type3A_279 = arith.extui %lt3A_278 : i1 to i32
      %cond3A_280 = arith.constant 0 : i32
      %cond3A_281 = arith.cmpi ne, %convert_element_type3A_279, %cond3A_280 : i32
      scf.if %cond3A_281 {
        %add3A_282 = arith.constant 3 : i32
        %add3A_283 = arith.addi %mul3A_221, %add3A_282 : i32
        %mul3A_284 = arith.constant 128 : i32
        %mul3A_285 = arith.muli %add3A_283, %mul3A_284 : i32
        %dma_start3A_286 = arith.constant 0 : i32
        %dma_start3A_287 = arith.constant 1 : i32
        %dma_start3A_288 = arith.constant 0 : i32
        %dma_start3A_289 = arith.constant 0 : i32
        %dma_start3A_290 = tpu.memref_slice %arg7[%dma_start3A_287, %dma_start3A_288, %dma_start3A_289] : memref<2x128x128xf32, #tpu.memory_space<vmem>> -> memref<1x128x128xf32, #tpu.memory_space<vmem>>
        %dma_start3A_291 = tpu.memref_squeeze %dma_start3A_290 : memref<1x128x128xf32, #tpu.memory_space<vmem>> -> memref<128x128xf32, #tpu.memory_space<vmem>>
        %dma_start3A_292 = tpu.memref_slice %arg5[%dma_start3A_286, %mul3A_285] : memref<2x4992xi32, #tpu.memory_space<vmem>> -> memref<1x128xi32, #tpu.memory_space<vmem>>
        %dma_start3A_293 = tpu.memref_squeeze %dma_start3A_292 : memref<1x128xi32, #tpu.memory_space<vmem>> -> memref<128xi32, #tpu.memory_space<vmem>>
        %dma_start3A_294 = arith.constant 0 : i32
        %dma_start3A_295 = arith.constant 0 : i32
        %dma_start3A_296 = tpu.memref_slice %arg2[%dma_start3A_294, %dma_start3A_295] : memref<10000x128xf32, #tpu.memory_space<hbm>> -> memref<10000x128xf32, #tpu.memory_space<hbm>>
        tpu.enqueue_indirect_dma source(%dma_start3A_296 : memref<10000x128xf32, #tpu.memory_space<hbm>>) target(%dma_start3A_291 : memref<128x128xf32, #tpu.memory_space<vmem>>) offsets(%dma_start3A_293 : memref<128xi32, #tpu.memory_space<vmem>>) semaphore(%arg10 : memref<!tpu.dma_semaphore, #tpu.memory_space<semaphore_mem>>)
      } else {
      }
    }
    %scan3A_161 = arith.constant 18 : i32
    %dma_wait3A_162 = arith.constant 0 : i32
    %dma_wait3A_163 = arith.constant 0 : i32
    %dma_wait3A_164 = arith.constant 0 : i32
    %dma_wait3A_165 = arith.constant 0 : i32
    %dma_wait3A_166 = tpu.memref_slice %arg7[%dma_wait3A_163, %dma_wait3A_164, %dma_wait3A_165] : memref<2x128x128xf32, #tpu.memory_space<vmem>> -> memref<1x128x128xf32, #tpu.memory_space<vmem>>
    %dma_wait3A_167 = tpu.memref_squeeze %dma_wait3A_166 : memref<1x128x128xf32, #tpu.memory_space<vmem>> -> memref<128x128xf32, #tpu.memory_space<vmem>>
    %dma_wait3A_168 = arith.constant 4608 : i32
    %dma_wait3A_169 = tpu.memref_slice %arg5[%dma_wait3A_162, %dma_wait3A_168] : memref<2x4992xi32, #tpu.memory_space<vmem>> -> memref<1x128xi32, #tpu.memory_space<vmem>>
    %dma_wait3A_170 = tpu.memref_squeeze %dma_wait3A_169 : memref<1x128xi32, #tpu.memory_space<vmem>> -> memref<128xi32, #tpu.memory_space<vmem>>
    %dma_wait3A_171 = arith.constant 0 : i32
    %dma_wait3A_172 = arith.constant 0 : i32
    %dma_wait3A_173 = tpu.memref_slice %arg2[%dma_wait3A_171, %dma_wait3A_172] : memref<10000x128xf32, #tpu.memory_space<hbm>> -> memref<10000x128xf32, #tpu.memory_space<hbm>>
    tpu.wait_indirect_dma semaphore(%arg9 : memref<!tpu.dma_semaphore, #tpu.memory_space<semaphore_mem>>) src(%dma_wait3A_173 : memref<10000x128xf32, #tpu.memory_space<hbm>>) dst(%dma_wait3A_167 : memref<128x128xf32, #tpu.memory_space<vmem>>)
    %run_scoped3A_174 = arith.constant 0 : i32
    %run_scoped3A_175 = arith.constant 1 : i32
    "tpu.region"() ({
      %run_scoped3A_219 = tpu.sem_alloc : memref<!tpu.dma_semaphore, #tpu.memory_space<semaphore_mem>>
      %dma_start3A_220 = arith.constant 0 : i32
      %dma_start3A_221 = arith.constant 0 : i32
      %dma_start3A_222 = tpu.memref_slice %arg7[%run_scoped3A_174, %dma_start3A_220, %dma_start3A_221] : memref<2x128x128xf32, #tpu.memory_space<vmem>> -> memref<1x128x128xf32, #tpu.memory_space<vmem>>
      %dma_start3A_223 = tpu.memref_squeeze %dma_start3A_222 : memref<1x128x128xf32, #tpu.memory_space<vmem>> -> memref<128x128xf32, #tpu.memory_space<vmem>>
      %dma_start3A_224 = arith.constant 4608 : i32
      %dma_start3A_225 = tpu.memref_slice %arg5[%run_scoped3A_175, %dma_start3A_224] : memref<2x4992xi32, #tpu.memory_space<vmem>> -> memref<1x128xi32, #tpu.memory_space<vmem>>
      %dma_start3A_226 = tpu.memref_squeeze %dma_start3A_225 : memref<1x128xi32, #tpu.memory_space<vmem>> -> memref<128xi32, #tpu.memory_space<vmem>>
      %dma_start3A_227 = arith.constant 0 : i32
      %dma_start3A_228 = arith.constant 0 : i32
      %dma_start3A_229 = tpu.memref_slice %arg8[%dma_start3A_227, %dma_start3A_228] : memref<10240x128xf32, #tpu.memory_space<vmem_shared>> -> memref<10240x128xf32, #tpu.memory_space<vmem_shared>>
      tpu.enqueue_indirect_dma source(%dma_start3A_223 : memref<128x128xf32, #tpu.memory_space<vmem>>) target(%dma_start3A_229 : memref<10240x128xf32, #tpu.memory_space<vmem_shared>>) offsets(%dma_start3A_226 : memref<128xi32, #tpu.memory_space<vmem>>) semaphore(%run_scoped3A_219 : memref<!tpu.dma_semaphore, #tpu.memory_space<semaphore_mem>>) {add = true}
      %dma_wait3A_230 = arith.constant 0 : i32
      %dma_wait3A_231 = arith.constant 0 : i32
      %dma_wait3A_232 = tpu.memref_slice %arg7[%run_scoped3A_174, %dma_wait3A_230, %dma_wait3A_231] : memref<2x128x128xf32, #tpu.memory_space<vmem>> -> memref<1x128x128xf32, #tpu.memory_space<vmem>>
      %dma_wait3A_233 = tpu.memref_squeeze %dma_wait3A_232 : memref<1x128x128xf32, #tpu.memory_space<vmem>> -> memref<128x128xf32, #tpu.memory_space<vmem>>
      %dma_wait3A_234 = arith.constant 4608 : i32
      %dma_wait3A_235 = tpu.memref_slice %arg5[%run_scoped3A_175, %dma_wait3A_234] : memref<2x4992xi32, #tpu.memory_space<vmem>> -> memref<1x128xi32, #tpu.memory_space<vmem>>
      %dma_wait3A_236 = tpu.memref_squeeze %dma_wait3A_235 : memref<1x128xi32, #tpu.memory_space<vmem>> -> memref<128xi32, #tpu.memory_space<vmem>>
      %dma_wait3A_237 = arith.constant 0 : i32
      %dma_wait3A_238 = arith.constant 0 : i32
      %dma_wait3A_239 = tpu.memref_slice %arg8[%dma_wait3A_237, %dma_wait3A_238] : memref<10240x128xf32, #tpu.memory_space<vmem_shared>> -> memref<10240x128xf32, #tpu.memory_space<vmem_shared>>
      tpu.wait_indirect_dma semaphore(%run_scoped3A_219 : memref<!tpu.dma_semaphore, #tpu.memory_space<semaphore_mem>>) src(%dma_wait3A_233 : memref<128x128xf32, #tpu.memory_space<vmem>>) dst(%dma_wait3A_239 : memref<10240x128xf32, #tpu.memory_space<vmem_shared>>)
      tpu.yield
    }) : () -> ()
    %dma_wait3A_176 = arith.constant 0 : i32
    %dma_wait3A_177 = arith.constant 1 : i32
    %dma_wait3A_178 = arith.constant 0 : i32
    %dma_wait3A_179 = arith.constant 0 : i32
    %dma_wait3A_180 = tpu.memref_slice %arg7[%dma_wait3A_177, %dma_wait3A_178, %dma_wait3A_179] : memref<2x128x128xf32, #tpu.memory_space<vmem>> -> memref<1x128x128xf32, #tpu.memory_space<vmem>>
    %dma_wait3A_181 = tpu.memref_squeeze %dma_wait3A_180 : memref<1x128x128xf32, #tpu.memory_space<vmem>> -> memref<128x128xf32, #tpu.memory_space<vmem>>
    %dma_wait3A_182 = arith.constant 4736 : i32
    %dma_wait3A_183 = tpu.memref_slice %arg5[%dma_wait3A_176, %dma_wait3A_182] : memref<2x4992xi32, #tpu.memory_space<vmem>> -> memref<1x128xi32, #tpu.memory_space<vmem>>
    %dma_wait3A_184 = tpu.memref_squeeze %dma_wait3A_183 : memref<1x128xi32, #tpu.memory_space<vmem>> -> memref<128xi32, #tpu.memory_space<vmem>>
    %dma_wait3A_185 = arith.constant 0 : i32
    %dma_wait3A_186 = arith.constant 0 : i32
    %dma_wait3A_187 = tpu.memref_slice %arg2[%dma_wait3A_185, %dma_wait3A_186] : memref<10000x128xf32, #tpu.memory_space<hbm>> -> memref<10000x128xf32, #tpu.memory_space<hbm>>
    tpu.wait_indirect_dma semaphore(%arg10 : memref<!tpu.dma_semaphore, #tpu.memory_space<semaphore_mem>>) src(%dma_wait3A_187 : memref<10000x128xf32, #tpu.memory_space<hbm>>) dst(%dma_wait3A_181 : memref<128x128xf32, #tpu.memory_space<vmem>>)
    %run_scoped3A_188 = arith.constant 1 : i32
    %run_scoped3A_189 = arith.constant 1 : i32
    "tpu.region"() ({
      %run_scoped3A_219 = tpu.sem_alloc : memref<!tpu.dma_semaphore, #tpu.memory_space<semaphore_mem>>
      %dma_start3A_220 = arith.constant 0 : i32
      %dma_start3A_221 = arith.constant 0 : i32
      %dma_start3A_222 = tpu.memref_slice %arg7[%run_scoped3A_188, %dma_start3A_220, %dma_start3A_221] : memref<2x128x128xf32, #tpu.memory_space<vmem>> -> memref<1x128x128xf32, #tpu.memory_space<vmem>>
      %dma_start3A_223 = tpu.memref_squeeze %dma_start3A_222 : memref<1x128x128xf32, #tpu.memory_space<vmem>> -> memref<128x128xf32, #tpu.memory_space<vmem>>
      %dma_start3A_224 = arith.constant 4736 : i32
      %dma_start3A_225 = tpu.memref_slice %arg5[%run_scoped3A_189, %dma_start3A_224] : memref<2x4992xi32, #tpu.memory_space<vmem>> -> memref<1x128xi32, #tpu.memory_space<vmem>>
      %dma_start3A_226 = tpu.memref_squeeze %dma_start3A_225 : memref<1x128xi32, #tpu.memory_space<vmem>> -> memref<128xi32, #tpu.memory_space<vmem>>
      %dma_start3A_227 = arith.constant 0 : i32
      %dma_start3A_228 = arith.constant 0 : i32
      %dma_start3A_229 = tpu.memref_slice %arg8[%dma_start3A_227, %dma_start3A_228] : memref<10240x128xf32, #tpu.memory_space<vmem_shared>> -> memref<10240x128xf32, #tpu.memory_space<vmem_shared>>
      tpu.enqueue_indirect_dma source(%dma_start3A_223 : memref<128x128xf32, #tpu.memory_space<vmem>>) target(%dma_start3A_229 : memref<10240x128xf32, #tpu.memory_space<vmem_shared>>) offsets(%dma_start3A_226 : memref<128xi32, #tpu.memory_space<vmem>>) semaphore(%run_scoped3A_219 : memref<!tpu.dma_semaphore, #tpu.memory_space<semaphore_mem>>) {add = true}
      %dma_wait3A_230 = arith.constant 0 : i32
      %dma_wait3A_231 = arith.constant 0 : i32
      %dma_wait3A_232 = tpu.memref_slice %arg7[%run_scoped3A_188, %dma_wait3A_230, %dma_wait3A_231] : memref<2x128x128xf32, #tpu.memory_space<vmem>> -> memref<1x128x128xf32, #tpu.memory_space<vmem>>
      %dma_wait3A_233 = tpu.memref_squeeze %dma_wait3A_232 : memref<1x128x128xf32, #tpu.memory_space<vmem>> -> memref<128x128xf32, #tpu.memory_space<vmem>>
      %dma_wait3A_234 = arith.constant 4736 : i32
      %dma_wait3A_235 = tpu.memref_slice %arg5[%run_scoped3A_189, %dma_wait3A_234] : memref<2x4992xi32, #tpu.memory_space<vmem>> -> memref<1x128xi32, #tpu.memory_space<vmem>>
      %dma_wait3A_236 = tpu.memref_squeeze %dma_wait3A_235 : memref<1x128xi32, #tpu.memory_space<vmem>> -> memref<128xi32, #tpu.memory_space<vmem>>
      %dma_wait3A_237 = arith.constant 0 : i32
      %dma_wait3A_238 = arith.constant 0 : i32
      %dma_wait3A_239 = tpu.memref_slice %arg8[%dma_wait3A_237, %dma_wait3A_238] : memref<10240x128xf32, #tpu.memory_space<vmem_shared>> -> memref<10240x128xf32, #tpu.memory_space<vmem_shared>>
      tpu.wait_indirect_dma semaphore(%run_scoped3A_219 : memref<!tpu.dma_semaphore, #tpu.memory_space<semaphore_mem>>) src(%dma_wait3A_233 : memref<128x128xf32, #tpu.memory_space<vmem>>) dst(%dma_wait3A_239 : memref<10240x128xf32, #tpu.memory_space<vmem_shared>>)
      tpu.yield
    }) : () -> ()
    %dma_start3A_190 = arith.constant 0 : i32
    %dma_start3A_191 = arith.constant 0 : i32
    %dma_start3A_192 = arith.constant 0 : i32
    %dma_start3A_193 = arith.constant 0 : i32
    %dma_start3A_194 = tpu.memref_slice %arg7[%dma_start3A_191, %dma_start3A_192, %dma_start3A_193] : memref<2x128x128xf32, #tpu.memory_space<vmem>> -> memref<1x128x128xf32, #tpu.memory_space<vmem>>
    %dma_start3A_195 = tpu.memref_squeeze %dma_start3A_194 : memref<1x128x128xf32, #tpu.memory_space<vmem>> -> memref<128x128xf32, #tpu.memory_space<vmem>>
    %dma_start3A_196 = arith.constant 4864 : i32
    %dma_start3A_197 = tpu.memref_slice %arg5[%dma_start3A_190, %dma_start3A_196] : memref<2x4992xi32, #tpu.memory_space<vmem>> -> memref<1x128xi32, #tpu.memory_space<vmem>>
    %dma_start3A_198 = tpu.memref_squeeze %dma_start3A_197 : memref<1x128xi32, #tpu.memory_space<vmem>> -> memref<128xi32, #tpu.memory_space<vmem>>
    %dma_start3A_199 = arith.constant 0 : i32
    %dma_start3A_200 = arith.constant 0 : i32
    %dma_start3A_201 = tpu.memref_slice %arg2[%dma_start3A_199, %dma_start3A_200] : memref<10000x128xf32, #tpu.memory_space<hbm>> -> memref<10000x128xf32, #tpu.memory_space<hbm>>
    tpu.enqueue_indirect_dma source(%dma_start3A_201 : memref<10000x128xf32, #tpu.memory_space<hbm>>) target(%dma_start3A_195 : memref<128x128xf32, #tpu.memory_space<vmem>>) offsets(%dma_start3A_198 : memref<128xi32, #tpu.memory_space<vmem>>) semaphore(%arg9 : memref<!tpu.dma_semaphore, #tpu.memory_space<semaphore_mem>>)
    %dma_wait3A_202 = arith.constant 0 : i32
    %dma_wait3A_203 = arith.constant 0 : i32
    %dma_wait3A_204 = arith.constant 0 : i32
    %dma_wait3A_205 = arith.constant 0 : i32
    %dma_wait3A_206 = tpu.memref_slice %arg7[%dma_wait3A_203, %dma_wait3A_204, %dma_wait3A_205] : memref<2x128x128xf32, #tpu.memory_space<vmem>> -> memref<1x128x128xf32, #tpu.memory_space<vmem>>
    %dma_wait3A_207 = tpu.memref_squeeze %dma_wait3A_206 : memref<1x128x128xf32, #tpu.memory_space<vmem>> -> memref<128x128xf32, #tpu.memory_space<vmem>>
    %dma_wait3A_208 = arith.constant 4864 : i32
    %dma_wait3A_209 = tpu.memref_slice %arg5[%dma_wait3A_202, %dma_wait3A_208] : memref<2x4992xi32, #tpu.memory_space<vmem>> -> memref<1x128xi32, #tpu.memory_space<vmem>>
    %dma_wait3A_210 = tpu.memref_squeeze %dma_wait3A_209 : memref<1x128xi32, #tpu.memory_space<vmem>> -> memref<128xi32, #tpu.memory_space<vmem>>
    %dma_wait3A_211 = arith.constant 0 : i32
    %dma_wait3A_212 = arith.constant 0 : i32
    %dma_wait3A_213 = tpu.memref_slice %arg2[%dma_wait3A_211, %dma_wait3A_212] : memref<10000x128xf32, #tpu.memory_space<hbm>> -> memref<10000x128xf32, #tpu.memory_space<hbm>>
    tpu.wait_indirect_dma semaphore(%arg9 : memref<!tpu.dma_semaphore, #tpu.memory_space<semaphore_mem>>) src(%dma_wait3A_213 : memref<10000x128xf32, #tpu.memory_space<hbm>>) dst(%dma_wait3A_207 : memref<128x128xf32, #tpu.memory_space<vmem>>)
    %run_scoped3A_214 = arith.constant 0 : i32
    %run_scoped3A_215 = arith.constant 1 : i32
    "tpu.region"() ({
      %run_scoped3A_219 = tpu.sem_alloc : memref<!tpu.dma_semaphore, #tpu.memory_space<semaphore_mem>>
      %dma_start3A_220 = arith.constant 0 : i32
      %dma_start3A_221 = arith.constant 0 : i32
      %dma_start3A_222 = tpu.memref_slice %arg7[%run_scoped3A_214, %dma_start3A_220, %dma_start3A_221] : memref<2x128x128xf32, #tpu.memory_space<vmem>> -> memref<1x128x128xf32, #tpu.memory_space<vmem>>
      %dma_start3A_223 = tpu.memref_squeeze %dma_start3A_222 : memref<1x128x128xf32, #tpu.memory_space<vmem>> -> memref<128x128xf32, #tpu.memory_space<vmem>>
      %dma_start3A_224 = arith.constant 4864 : i32
      %dma_start3A_225 = tpu.memref_slice %arg5[%run_scoped3A_215, %dma_start3A_224] : memref<2x4992xi32, #tpu.memory_space<vmem>> -> memref<1x128xi32, #tpu.memory_space<vmem>>
      %dma_start3A_226 = tpu.memref_squeeze %dma_start3A_225 : memref<1x128xi32, #tpu.memory_space<vmem>> -> memref<128xi32, #tpu.memory_space<vmem>>
      %dma_start3A_227 = arith.constant 0 : i32
      %dma_start3A_228 = arith.constant 0 : i32
      %dma_start3A_229 = tpu.memref_slice %arg8[%dma_start3A_227, %dma_start3A_228] : memref<10240x128xf32, #tpu.memory_space<vmem_shared>> -> memref<10240x128xf32, #tpu.memory_space<vmem_shared>>
      tpu.enqueue_indirect_dma source(%dma_start3A_223 : memref<128x128xf32, #tpu.memory_space<vmem>>) target(%dma_start3A_229 : memref<10240x128xf32, #tpu.memory_space<vmem_shared>>) offsets(%dma_start3A_226 : memref<128xi32, #tpu.memory_space<vmem>>) semaphore(%run_scoped3A_219 : memref<!tpu.dma_semaphore, #tpu.memory_space<semaphore_mem>>) {add = true}
      %dma_wait3A_230 = arith.constant 0 : i32
      %dma_wait3A_231 = arith.constant 0 : i32
      %dma_wait3A_232 = tpu.memref_slice %arg7[%run_scoped3A_214, %dma_wait3A_230, %dma_wait3A_231] : memref<2x128x128xf32, #tpu.memory_space<vmem>> -> memref<1x128x128xf32, #tpu.memory_space<vmem>>
      %dma_wait3A_233 = tpu.memref_squeeze %dma_wait3A_232 : memref<1x128x128xf32, #tpu.memory_space<vmem>> -> memref<128x128xf32, #tpu.memory_space<vmem>>
      %dma_wait3A_234 = arith.constant 4864 : i32
      %dma_wait3A_235 = tpu.memref_slice %arg5[%run_scoped3A_215, %dma_wait3A_234] : memref<2x4992xi32, #tpu.memory_space<vmem>> -> memref<1x128xi32, #tpu.memory_space<vmem>>
      %dma_wait3A_236 = tpu.memref_squeeze %dma_wait3A_235 : memref<1x128xi32, #tpu.memory_space<vmem>> -> memref<128xi32, #tpu.memory_space<vmem>>
      %dma_wait3A_237 = arith.constant 0 : i32
      %dma_wait3A_238 = arith.constant 0 : i32
      %dma_wait3A_239 = tpu.memref_slice %arg8[%dma_wait3A_237, %dma_wait3A_238] : memref<10240x128xf32, #tpu.memory_space<vmem_shared>> -> memref<10240x128xf32, #tpu.memory_space<vmem_shared>>
      tpu.wait_indirect_dma semaphore(%run_scoped3A_219 : memref<!tpu.dma_semaphore, #tpu.memory_space<semaphore_mem>>) src(%dma_wait3A_233 : memref<128x128xf32, #tpu.memory_space<vmem>>) dst(%dma_wait3A_239 : memref<10240x128xf32, #tpu.memory_space<vmem_shared>>)
      tpu.yield
    }) : () -> ()
    %lt3A = arith.constant 4 : i32
    %lt3A_216 = arith.cmpi slt, %add3A, %lt3A : i32
    %convert_element_type3A = arith.extui %lt3A_216 : i1 to i32
    %cond3A = arith.constant 0 : i32
    %cond3A_217 = arith.cmpi ne, %convert_element_type3A, %cond3A : i32
    scf.if %cond3A_217 {
      %dma_start3A_219 = arith.constant 0 : i32
      %dma_start3A_220 = arith.constant 0 : i32
      %dma_start3A_221 = arith.constant 0 : i32
      %dma_start3A_222 = arith.constant 0 : i32
      %dma_start3A_223 = tpu.memref_slice %arg7[%dma_start3A_220, %dma_start3A_221, %dma_start3A_222] : memref<2x128x128xf32, #tpu.memory_space<vmem>> -> memref<1x128x128xf32, #tpu.memory_space<vmem>>
      %dma_start3A_224 = tpu.memref_squeeze %dma_start3A_223 : memref<1x128x128xf32, #tpu.memory_space<vmem>> -> memref<128x128xf32, #tpu.memory_space<vmem>>
      %dma_start3A_225 = arith.constant 0 : i32
      %dma_start3A_226 = tpu.memref_slice %arg6[%dma_start3A_219, %dma_start3A_225] : memref<2x128xi32, #tpu.memory_space<vmem>> -> memref<1x128xi32, #tpu.memory_space<vmem>>
      %dma_start3A_227 = tpu.memref_squeeze %dma_start3A_226 : memref<1x128xi32, #tpu.memory_space<vmem>> -> memref<128xi32, #tpu.memory_space<vmem>>
      %dma_start3A_228 = arith.constant 0 : i32
      %dma_start3A_229 = arith.constant 0 : i32
      %dma_start3A_230 = tpu.memref_slice %arg2[%dma_start3A_228, %dma_start3A_229] : memref<10000x128xf32, #tpu.memory_space<hbm>> -> memref<10000x128xf32, #tpu.memory_space<hbm>>
      tpu.enqueue_indirect_dma source(%dma_start3A_230 : memref<10000x128xf32, #tpu.memory_space<hbm>>) target(%dma_start3A_224 : memref<128x128xf32, #tpu.memory_space<vmem>>) offsets(%dma_start3A_227 : memref<128xi32, #tpu.memory_space<vmem>>) semaphore(%arg9 : memref<!tpu.dma_semaphore, #tpu.memory_space<semaphore_mem>>)
      %dma_wait3A_231 = arith.constant 0 : i32
      %dma_wait3A_232 = arith.constant 0 : i32
      %dma_wait3A_233 = arith.constant 0 : i32
      %dma_wait3A_234 = arith.constant 0 : i32
      %dma_wait3A_235 = tpu.memref_slice %arg7[%dma_wait3A_232, %dma_wait3A_233, %dma_wait3A_234] : memref<2x128x128xf32, #tpu.memory_space<vmem>> -> memref<1x128x128xf32, #tpu.memory_space<vmem>>
      %dma_wait3A_236 = tpu.memref_squeeze %dma_wait3A_235 : memref<1x128x128xf32, #tpu.memory_space<vmem>> -> memref<128x128xf32, #tpu.memory_space<vmem>>
      %dma_wait3A_237 = arith.constant 0 : i32
      %dma_wait3A_238 = tpu.memref_slice %arg6[%dma_wait3A_231, %dma_wait3A_237] : memref<2x128xi32, #tpu.memory_space<vmem>> -> memref<1x128xi32, #tpu.memory_space<vmem>>
      %dma_wait3A_239 = tpu.memref_squeeze %dma_wait3A_238 : memref<1x128xi32, #tpu.memory_space<vmem>> -> memref<128xi32, #tpu.memory_space<vmem>>
      %dma_wait3A_240 = arith.constant 0 : i32
      %dma_wait3A_241 = arith.constant 0 : i32
      %dma_wait3A_242 = tpu.memref_slice %arg2[%dma_wait3A_240, %dma_wait3A_241] : memref<10000x128xf32, #tpu.memory_space<hbm>> -> memref<10000x128xf32, #tpu.memory_space<hbm>>
      tpu.wait_indirect_dma semaphore(%arg9 : memref<!tpu.dma_semaphore, #tpu.memory_space<semaphore_mem>>) src(%dma_wait3A_242 : memref<10000x128xf32, #tpu.memory_space<hbm>>) dst(%dma_wait3A_236 : memref<128x128xf32, #tpu.memory_space<vmem>>)
      %run_scoped3A_243 = arith.constant 0 : i32
      %run_scoped3A_244 = arith.constant 1 : i32
      "tpu.region"() ({
        %run_scoped3A_245 = tpu.sem_alloc : memref<!tpu.dma_semaphore, #tpu.memory_space<semaphore_mem>>
        %dma_start3A_246 = arith.constant 0 : i32
        %dma_start3A_247 = arith.constant 0 : i32
        %dma_start3A_248 = tpu.memref_slice %arg7[%run_scoped3A_243, %dma_start3A_246, %dma_start3A_247] : memref<2x128x128xf32, #tpu.memory_space<vmem>> -> memref<1x128x128xf32, #tpu.memory_space<vmem>>
        %dma_start3A_249 = tpu.memref_squeeze %dma_start3A_248 : memref<1x128x128xf32, #tpu.memory_space<vmem>> -> memref<128x128xf32, #tpu.memory_space<vmem>>
        %dma_start3A_250 = arith.constant 0 : i32
        %dma_start3A_251 = tpu.memref_slice %arg6[%run_scoped3A_244, %dma_start3A_250] : memref<2x128xi32, #tpu.memory_space<vmem>> -> memref<1x128xi32, #tpu.memory_space<vmem>>
        %dma_start3A_252 = tpu.memref_squeeze %dma_start3A_251 : memref<1x128xi32, #tpu.memory_space<vmem>> -> memref<128xi32, #tpu.memory_space<vmem>>
        %dma_start3A_253 = arith.constant 0 : i32
        %dma_start3A_254 = arith.constant 0 : i32
        %dma_start3A_255 = tpu.memref_slice %arg8[%dma_start3A_253, %dma_start3A_254] : memref<10240x128xf32, #tpu.memory_space<vmem_shared>> -> memref<10240x128xf32, #tpu.memory_space<vmem_shared>>
        tpu.enqueue_indirect_dma source(%dma_start3A_249 : memref<128x128xf32, #tpu.memory_space<vmem>>) target(%dma_start3A_255 : memref<10240x128xf32, #tpu.memory_space<vmem_shared>>) offsets(%dma_start3A_252 : memref<128xi32, #tpu.memory_space<vmem>>) semaphore(%run_scoped3A_245 : memref<!tpu.dma_semaphore, #tpu.memory_space<semaphore_mem>>) {add = true}
        %dma_wait3A_256 = arith.constant 0 : i32
        %dma_wait3A_257 = arith.constant 0 : i32
        %dma_wait3A_258 = tpu.memref_slice %arg7[%run_scoped3A_243, %dma_wait3A_256, %dma_wait3A_257] : memref<2x128x128xf32, #tpu.memory_space<vmem>> -> memref<1x128x128xf32, #tpu.memory_space<vmem>>
        %dma_wait3A_259 = tpu.memref_squeeze %dma_wait3A_258 : memref<1x128x128xf32, #tpu.memory_space<vmem>> -> memref<128x128xf32, #tpu.memory_space<vmem>>
        %dma_wait3A_260 = arith.constant 0 : i32
        %dma_wait3A_261 = tpu.memref_slice %arg6[%run_scoped3A_244, %dma_wait3A_260] : memref<2x128xi32, #tpu.memory_space<vmem>> -> memref<1x128xi32, #tpu.memory_space<vmem>>
        %dma_wait3A_262 = tpu.memref_squeeze %dma_wait3A_261 : memref<1x128xi32, #tpu.memory_space<vmem>> -> memref<128xi32, #tpu.memory_space<vmem>>
        %dma_wait3A_263 = arith.constant 0 : i32
        %dma_wait3A_264 = arith.constant 0 : i32
        %dma_wait3A_265 = tpu.memref_slice %arg8[%dma_wait3A_263, %dma_wait3A_264] : memref<10240x128xf32, #tpu.memory_space<vmem_shared>> -> memref<10240x128xf32, #tpu.memory_space<vmem_shared>>
        tpu.wait_indirect_dma semaphore(%run_scoped3A_245 : memref<!tpu.dma_semaphore, #tpu.memory_space<semaphore_mem>>) src(%dma_wait3A_259 : memref<128x128xf32, #tpu.memory_space<vmem>>) dst(%dma_wait3A_265 : memref<10240x128xf32, #tpu.memory_space<vmem_shared>>)
        tpu.yield
      }) : () -> ()
    } else {
    }
    %barrier3A_218 = arith.constant 0 : index
    tpu.barrier barrier_id(%barrier3A_218)
    "tpu.region"() ({
      %run_scoped3A_219 = tpu.sem_alloc : memref<!tpu.dma_semaphore, #tpu.memory_space<semaphore_mem>>
      %dma_start3A_220 = arith.constant 0 : i32
      %dma_start3A_221 = tpu.memref_slice %arg4[%arg0, %mul3A_24, %dma_start3A_220] : memref<2x10240x128xf32, #tpu.memory_space<hbm>> -> memref<1x640x128xf32, #tpu.memory_space<hbm>>
      %dma_start3A_222 = tpu.memref_squeeze %dma_start3A_221 : memref<1x640x128xf32, #tpu.memory_space<hbm>> -> memref<640x128xf32, #tpu.memory_space<hbm>>
      %dma_start3A_223 = arith.constant 0 : i32
      %dma_start3A_224 = tpu.memref_slice %arg8[%mul3A_24, %dma_start3A_223] : memref<10240x128xf32, #tpu.memory_space<vmem_shared>> -> memref<640x128xf32, #tpu.memory_space<vmem_shared>>
      tpu.enqueue_dma source(%dma_start3A_224 : memref<640x128xf32, #tpu.memory_space<vmem_shared>>) target(%dma_start3A_222 : memref<640x128xf32, #tpu.memory_space<hbm>>) target_semaphore(%run_scoped3A_219 : memref<!tpu.dma_semaphore, #tpu.memory_space<semaphore_mem>>)
      %dma_wait3A_225 = arith.constant 0 : i32
      %dma_wait3A_226 = tpu.memref_slice %arg4[%arg0, %mul3A_24, %dma_wait3A_225] : memref<2x10240x128xf32, #tpu.memory_space<hbm>> -> memref<1x640x128xf32, #tpu.memory_space<hbm>>
      %dma_wait3A_227 = tpu.memref_squeeze %dma_wait3A_226 : memref<1x640x128xf32, #tpu.memory_space<hbm>> -> memref<640x128xf32, #tpu.memory_space<hbm>>
      %dma_wait3A_228 = arith.constant 0 : i32
      %dma_wait3A_229 = tpu.memref_slice %arg8[%mul3A_24, %dma_wait3A_228] : memref<10240x128xf32, #tpu.memory_space<vmem_shared>> -> memref<640x128xf32, #tpu.memory_space<vmem_shared>>
      tpu.wait_dma2 semaphore(%run_scoped3A_219 : memref<!tpu.dma_semaphore, #tpu.memory_space<semaphore_mem>>) src(%dma_wait3A_229 : memref<640x128xf32, #tpu.memory_space<vmem_shared>>) dst(%dma_wait3A_227 : memref<640x128xf32, #tpu.memory_space<hbm>>)
      tpu.yield
    }) : () -> ()
    return
  }
}

module attributes {stable_mosaic.version = 14 : i64} {
  func.func @body(%arg0: i32, %arg1: memref<8x128xf32, #tpu.memory_space<vmem>>, %arg2: memref<2x5000x128xf32, #tpu.memory_space<vmem>>, %arg3: memref<128x128xf32, #tpu.memory_space<vmem>>, %arg4: memref<5000x128xf32, #tpu.memory_space<vmem>>) attributes {dimension_semantics = [#tpu.dimension_semantics<arbitrary>], iteration_bounds = array<i64: 2>, scalar_prefetch = 0 : i64, scratch_operands = 0 : i64, tpu.core_type = #tpu.core_type<tc>, window_params = [{transform_indices = @transform_0, window_bounds = array<i64: 8, 128>}, {transform_indices = @transform_1, window_bounds = array<i64: 2, 5000, 128>}, {pipeline_mode = #tpu.pipeline_mode<synchronous>, transform_indices = @transform_2, window_bounds = array<i64: 128, 128>}, {transform_indices = @transform_3, window_bounds = array<i64: 5000, 128>}]} {
    %get3A = arith.constant 0 : index
    %get3A_0 = arith.constant 0 : index
    %get3A_1 = arith.constant 0 : index
    %get3A_2 = vector.load %arg2[%get3A, %get3A_0, %get3A_1] : memref<2x5000x128xf32, #tpu.memory_space<vmem>>, vector<1x5000x128xf32>
    %get3A_3 = vector.shape_cast %get3A_2 : vector<1x5000x128xf32> to vector<5000x128xf32>
    %get3A_4 = arith.constant 1 : index
    %get3A_5 = arith.constant 0 : index
    %get3A_6 = arith.constant 0 : index
    %get3A_7 = vector.load %arg2[%get3A_4, %get3A_5, %get3A_6] : memref<2x5000x128xf32, #tpu.memory_space<vmem>>, vector<1x5000x128xf32>
    %get3A_8 = vector.shape_cast %get3A_7 : vector<1x5000x128xf32> to vector<5000x128xf32>
    %add3A = arith.addf %get3A_3, %get3A_8 : vector<5000x128xf32>
    %get3A_9 = arith.constant 0 : index
    %get3A_10 = arith.constant 0 : index
    %get3A_11 = vector.load %arg3[%get3A_9, %get3A_10] : memref<128x128xf32, #tpu.memory_space<vmem>>, vector<128x128xf32>
    %dot_general3A = arith.constant dense<0.000000e+00> : vector<5000x128xf32>
    %dot_general3A_12 = tpu.matmul %add3A, %get3A_11, %dot_general3A {dimension_numbers = #tpu.dot_dimension_numbers<[1], [0], [0], [1], [0, 0, 1, 1], [], []>, transpose_lhs_hint = false} : vector<5000x128xf32>, vector<128x128xf32>, vector<5000x128xf32> -> vector<5000x128xf32>
    %max3A = arith.constant 0.000000e+00 : f32
    %max3A_13 = vector.broadcast %max3A : f32 to vector<5000x128xf32>
    %max3A_14 = arith.maximumf %dot_general3A_12, %max3A_13 : vector<5000x128xf32>
    %swap3A = arith.constant 0 : index
    %swap3A_15 = arith.constant 0 : index
    %swap3A_16 = vector.load %arg4[%swap3A, %swap3A_15] : memref<5000x128xf32, #tpu.memory_space<vmem>>, vector<5000x128xf32>
    tpu.vector_store %arg4[%swap3A, %swap3A_15], %max3A_14 {strides = array<i32>} : memref<5000x128xf32, #tpu.memory_space<vmem>>, vector<5000x128xf32>,
    return
  }
  func.func @transform_0(%arg0: i32) -> (i32, i32) {
    %c0_i32 = arith.constant 0 : i32
    %c0_i32_0 = arith.constant 0 : i32
    %c0_i32_1 = arith.constant 0 : i32
    return %c0_i32, %c0_i32_0 : i32, i32
  }
  func.func @transform_1(%arg0: i32) -> (i32, i32, i32) {
    %c0_i32 = arith.constant 0 : i32
    %c0_i32_0 = arith.constant 0 : i32
    %c0_i32_1 = arith.constant 0 : i32
    return %c0_i32, %arg0, %c0_i32_0 : i32, i32, i32
  }
  func.func @transform_2(%arg0: i32) -> (i32, i32) {
    %c0_i32 = arith.constant 0 : i32
    %c0_i32_0 = arith.constant 0 : i32
    %c0_i32_1 = arith.constant 0 : i32
    return %c0_i32, %c0_i32_0 : i32, i32
  }
  func.func @transform_3(%arg0: i32) -> (i32, i32) {
    %add3A = arith.constant 4 : i32
    %add3A_0 = arith.addi %arg0, %add3A : i32
    %c0_i32 = arith.constant 0 : i32
    %c0_i32_1 = arith.constant 0 : i32
    return %add3A_0, %c0_i32 : i32, i32
  }
}

module attributes {stable_mosaic.version = 14 : i64} {
  func.func @body(%arg0: i32, %arg1: memref<5000x128xf32, #tpu.memory_space<vmem>>, %arg2: memref<5000x128xf32, #tpu.memory_space<vmem>>, %arg3: memref<5000x128xf32, #tpu.memory_space<vmem>>) attributes {dimension_semantics = [#tpu.dimension_semantics<arbitrary>], iteration_bounds = array<i64: 4>, scalar_prefetch = 0 : i64, scratch_operands = 0 : i64, tpu.core_type = #tpu.core_type<tc>, window_params = [{transform_indices = @transform_0, window_bounds = array<i64: 5000, 128>}, {transform_indices = @transform_1, window_bounds = array<i64: 5000, 128>}, {transform_indices = @transform_2, window_bounds = array<i64: 5000, 128>}]} {
    %lt3A = arith.constant 2 : i32
    %lt3A_0 = arith.cmpi slt, %arg0, %lt3A : i32
    %convert_element_type3A = arith.extui %lt3A_0 : i1 to i32
    %cond3A = arith.constant 0 : i32
    %cond3A_1 = arith.cmpi ne, %convert_element_type3A, %cond3A : i32
    scf.if %cond3A_1 {
      %get3A = arith.constant 0 : index
      %get3A_6 = arith.constant 0 : index
      %get3A_7 = vector.load %arg1[%get3A, %get3A_6] : memref<5000x128xf32, #tpu.memory_space<vmem>>, vector<5000x128xf32>
      %swap3A = arith.constant 0 : index
      %swap3A_8 = arith.constant 0 : index
      %swap3A_9 = vector.load %arg3[%swap3A, %swap3A_8] : memref<5000x128xf32, #tpu.memory_space<vmem>>, vector<5000x128xf32>
      tpu.vector_store %arg3[%swap3A, %swap3A_8], %get3A_7 {strides = array<i32>} : memref<5000x128xf32, #tpu.memory_space<vmem>>, vector<5000x128xf32>,
    } else {
    }
    %ge3A = arith.constant 2 : i32
    %ge3A_2 = arith.cmpi sge, %arg0, %ge3A : i32
    %convert_element_type3A_3 = arith.extui %ge3A_2 : i1 to i32
    %cond3A_4 = arith.constant 0 : i32
    %cond3A_5 = arith.cmpi ne, %convert_element_type3A_3, %cond3A_4 : i32
    scf.if %cond3A_5 {
      %get3A = arith.constant 0 : index
      %get3A_6 = arith.constant 0 : index
      %get3A_7 = vector.load %arg2[%get3A, %get3A_6] : memref<5000x128xf32, #tpu.memory_space<vmem>>, vector<5000x128xf32>
      %swap3A = arith.constant 0 : index
      %swap3A_8 = arith.constant 0 : index
      %swap3A_9 = vector.load %arg3[%swap3A, %swap3A_8] : memref<5000x128xf32, #tpu.memory_space<vmem>>, vector<5000x128xf32>
      tpu.vector_store %arg3[%swap3A, %swap3A_8], %get3A_7 {strides = array<i32>} : memref<5000x128xf32, #tpu.memory_space<vmem>>, vector<5000x128xf32>,
    } else {
    }
    return
  }
  func.func @transform_0(%arg0: i32) -> (i32, i32) {
    %sub3A = arith.constant 0 : i32
    %sub3A_0 = arith.subi %arg0, %sub3A : i32
    %jit3A = arith.constant 0 : i32
    %jit3A_1 = arith.constant 1 : i32
    %max3A = arith.maxsi %jit3A, %sub3A_0 : i32
    %min3A = arith.minsi %jit3A_1, %max3A : i32
    %c0_i32 = arith.constant 0 : i32
    %c0_i32_2 = arith.constant 0 : i32
    return %min3A, %c0_i32 : i32, i32
  }
  func.func @transform_1(%arg0: i32) -> (i32, i32) {
    %sub3A = arith.constant 2 : i32
    %sub3A_0 = arith.subi %arg0, %sub3A : i32
    %jit3A = arith.constant 0 : i32
    %jit3A_1 = arith.constant 1 : i32
    %max3A = arith.maxsi %jit3A, %sub3A_0 : i32
    %min3A = arith.minsi %jit3A_1, %max3A : i32
    %c0_i32 = arith.constant 0 : i32
    %c0_i32_2 = arith.constant 0 : i32
    return %min3A, %c0_i32 : i32, i32
  }
  func.func @transform_2(%arg0: i32) -> (i32, i32) {
    %c0_i32 = arith.constant 0 : i32
    %c0_i32_0 = arith.constant 0 : i32
    return %arg0, %c0_i32 : i32, i32
  }
}

module attributes {stable_mosaic.version = 14 : i64} {
  func.func @body(%arg0: i32, %arg1: memref<2x5000x128xf32, #tpu.memory_space<vmem>>, %arg2: memref<128x128xf32, #tpu.memory_space<vmem>>, %arg3: memref<5000x128xf32, #tpu.memory_space<vmem>>) attributes {dimension_semantics = [#tpu.dimension_semantics<arbitrary>], iteration_bounds = array<i64: 2>, scalar_prefetch = 0 : i64, scratch_operands = 0 : i64, tpu.core_type = #tpu.core_type<tc>, window_params = [{transform_indices = @transform_0, window_bounds = array<i64: 2, 5000, 128>}, {pipeline_mode = #tpu.pipeline_mode<synchronous>, transform_indices = @transform_1, window_bounds = array<i64: 128, 128>}, {transform_indices = @transform_2, window_bounds = array<i64: 5000, 128>}]} {
    %get3A = arith.constant 0 : index
    %get3A_0 = arith.constant 0 : index
    %get3A_1 = arith.constant 0 : index
    %get3A_2 = vector.load %arg1[%get3A, %get3A_0, %get3A_1] : memref<2x5000x128xf32, #tpu.memory_space<vmem>>, vector<1x5000x128xf32>
    %get3A_3 = vector.shape_cast %get3A_2 : vector<1x5000x128xf32> to vector<5000x128xf32>
    %get3A_4 = arith.constant 1 : index
    %get3A_5 = arith.constant 0 : index
    %get3A_6 = arith.constant 0 : index
    %get3A_7 = vector.load %arg1[%get3A_4, %get3A_5, %get3A_6] : memref<2x5000x128xf32, #tpu.memory_space<vmem>>, vector<1x5000x128xf32>
    %get3A_8 = vector.shape_cast %get3A_7 : vector<1x5000x128xf32> to vector<5000x128xf32>
    %add3A = arith.addf %get3A_3, %get3A_8 : vector<5000x128xf32>
    %get3A_9 = arith.constant 0 : index
    %get3A_10 = arith.constant 0 : index
    %get3A_11 = vector.load %arg2[%get3A_9, %get3A_10] : memref<128x128xf32, #tpu.memory_space<vmem>>, vector<128x128xf32>
    %dot_general3A = arith.constant dense<0.000000e+00> : vector<5000x128xf32>
    %dot_general3A_12 = tpu.matmul %add3A, %get3A_11, %dot_general3A {dimension_numbers = #tpu.dot_dimension_numbers<[1], [0], [0], [1], [0, 0, 1, 1], [], []>, transpose_lhs_hint = false} : vector<5000x128xf32>, vector<128x128xf32>, vector<5000x128xf32> -> vector<5000x128xf32>
    %max3A = arith.constant 0.000000e+00 : f32
    %max3A_13 = vector.broadcast %max3A : f32 to vector<5000x128xf32>
    %max3A_14 = arith.maximumf %dot_general3A_12, %max3A_13 : vector<5000x128xf32>
    %swap3A = arith.constant 0 : index
    %swap3A_15 = arith.constant 0 : index
    %swap3A_16 = vector.load %arg3[%swap3A, %swap3A_15] : memref<5000x128xf32, #tpu.memory_space<vmem>>, vector<5000x128xf32>
    tpu.vector_store %arg3[%swap3A, %swap3A_15], %max3A_14 {strides = array<i32>} : memref<5000x128xf32, #tpu.memory_space<vmem>>, vector<5000x128xf32>,
    return
  }
  func.func @transform_0(%arg0: i32) -> (i32, i32, i32) {
    %c0_i32 = arith.constant 0 : i32
    %c0_i32_0 = arith.constant 0 : i32
    %c0_i32_1 = arith.constant 0 : i32
    return %c0_i32, %arg0, %c0_i32_0 : i32, i32, i32
  }
  func.func @transform_1(%arg0: i32) -> (i32, i32) {
    %c0_i32 = arith.constant 0 : i32
    %c0_i32_0 = arith.constant 0 : i32
    %c0_i32_1 = arith.constant 0 : i32
    return %c0_i32, %c0_i32_0 : i32, i32
  }
  func.func @transform_2(%arg0: i32) -> (i32, i32) {
    %c0_i32 = arith.constant 0 : i32
    %c0_i32_0 = arith.constant 0 : i32
    return %arg0, %c0_i32 : i32, i32
  }
}

</mosaic_0001>

<sc_bundles>
// kernel: kernel.10.cloned.1.call-start
scs
__scs_entry_jumppad:
0x0: {  	(pc) =	sbr.rel $0x88, $3  }
0x1: {  	(tag) =	ssettag $0x0;
	lr =	simm.s32 $0x1  }
0x2: {  	[smem:$0x3F9D] =	sst lr;
	_ =	strace $0xD0000000  }
0x3: {  	_ = 	snop  }
0x4: {  	_ = 	snop  }
0x5: {  	_ = 	snop  }
0x6: {  	_ = 	snop  }
0x7: {  	_ = 	snop  }
__scs_overlays_trampoline_lowered:
0x8: {  	[smem:$0x3FAC] =	sst s0  }
0x9: {  	[smem:$0x3FAD] =	sst s1  }
0xa: {  	[smem:$0x3FAE] =	sst s2  }
0xb: {  	[smem:$0x3FAF] =	sst s3  }
0xc: {  	[smem:$0x3FB0] =	sst s4  }
0xd: {  	[smem:$0x3FB1] =	sst s5  }
0xe: {  	[smem:$0x3FB2] =	sst s6  }
0xf: {  	[smem:$0x3FB3] =	sst s7  }
0x10: {  	[smem:$0x3FB4] =	sst s8  }
0x11: {  	[smem:$0x3FB5] =	sst s9;
	s0 =	simm.s32 @!p0 $0x0  }
0x12: {  	s1 =	sld [smem:$0x3F9B];
	s0 =	simm.s32 @p0 $0x1  }
0x13: {  	[smem:$0x3FB6] =	sst s0;
	s0 =	simm.s32 @!p1 $0x0  }
0x14: {  	s2 =	sld [smem:$0x3F9A];
	s0 =	simm.s32 @p1 $0x1  }
0x15: {  	[smem:$0x3FB7] =	sst s0;
	s0 =	simm.s32 @!p2 $0x0  }
0x16: {  	s3 =	sld [smem:$0x3FDB];
	s0 =	simm.s32 @p2 $0x1  }
0x17: {  	s4 =	simm.s32 $0x1BF5;
	[smem:$0x3FB9] =	sst s0  }
0x18: {  	s0 =	sld [smem:$0x3F9C];
	_ =	swait.ge [sflag:s4], $0x0  }
0x19: {  	s7 =	sld [smem:$0x3F9D]  }
0x1a: {  	s8 =	sadd.s32 $0xFFFFE003, lr  }
0x1b: {  	s9 =	sadd.s32 $0xFFFFFEF7, lr;
	s5 =	simm.s32 $0xFFFFFFFF;
	p2 =	slt.u32 s8, $0xFFFFF086  }
0x1c: {  	p1 =	slt.u32 s9, $0xF7A;
	s5 =	simm.s32 @!p2 $0x0  }
0x1d: {  	s5 =	simm.s32 @p1 $0x1;
	p0 =	seq.s32 s7, s2  }
0x1e: {  	s7 =	smul.u32 @!p0 $0xF7A, s2;
	p2 =	seq.s32 @!p0 s5, $0x0  }
0x1f: {  	s9 =	smul.u32 $0xF7A, s1;
	s8 =	simm.s32 @!p0 $0x1BF5;
	p2 =	por !p2, p0  }
0x20: {  	[sflag:s8] =	ssyncset.s32 @!p0 $0xFFFFF086;
	s6 =	sadd.s32 @!p0 s3, s7;
	s7 =	simm.s32 @!p0 $0x108  }
0x21: {  	s3 =	sadd.s32 s3, s9;
	s6 =	sadd.s32 @!p0 $0x88, s6;
	s7 =	simm.s32 @p2 $0x1082  }
0x22: {  	[simem:s7], [sflag:s8] =	dma.local @!p0 [hbm:s6], $0xF7A  }
0x23: {  	s9 =	sor.u32 $0xD0000000, s2;
	s6 =	simm.s32 $0x108;
	_ =	swait.ge @!p0 [sflag:s8], $0x0  }
0x24: {  	s3 =	sadd.s32 $0x88, s3;
	s6 =	simm.s32 @!p1 $0x1082;
	[sflag:s4] =	ssyncset.s32 $0xFFFFF086  }
0x25: {  	[simem:s6], [sflag:s4] =	dma.local [hbm:s3], $0xF7A  }
0x26: {  	[smem:$0x3F9D] =	sst s1;
	(tag) =	ssettag s2;
	_ =	strace s9  }
0x27: {  	s1 =	sld [smem:$0x3FAD]  }
0x28: {  	s2 =	sld [smem:$0x3FAE]  }
0x29: {  	s4 =	sld [smem:$0x3FB0]  }
0x2a: {  	p0 =	seq.s32 s5, $0x0;
	s5 =	sld [smem:$0x3FB1]  }
0x2b: {  	s6 =	sld [smem:$0x3FB2]  }
0x2c: {  	s7 =	sld [smem:$0x3FB3]  }
0x2d: {  	s3 =	simm.s32 $0x108;
	s8 =	sld [smem:$0x3FB4]  }
0x2e: {  	s3 =	simm.s32 @!p0 $0x1082;
	s9 =	sld [smem:$0x3FB5]  }
0x2f: {  	lr =	sadd.s32 s0, s3;
	s0 =	sld [smem:$0x3FAC]  }
0x30: {  	s3 =	sld [smem:$0x3FAF]  }
0x31: {  	[smem:$0x3FB8] =	sst s10  }
0x32: {  	s10 =	sld [smem:$0x3FB6];
	_ =	sdelay $0x3  }
0x33: {  	p0 =	seq.s32 s10, $0x1;
	s10 =	sld [smem:$0x3FB8];
	_ =	sdelay $0x3  }
0x34: {  	[smem:$0x3FB8] =	sst s10  }
0x35: {  	s10 =	sld [smem:$0x3FB7];
	_ =	sdelay $0x3  }
0x36: {  	p1 =	seq.s32 s10, $0x1;
	s10 =	sld [smem:$0x3FB8];
	_ =	sdelay $0x3  }
0x37: {  	[smem:$0x3FB8] =	sst s10  }
0x38: {  	s10 =	sld [smem:$0x3FB9]  }
0x39: {  	_ = 	snop;
	(pc) =	sbr.ind lr, $3  }
0x3a: {  	_ = 	snop  }
0x3b: {  	_ = 	snop  }
0x3c: {  	p2 =	seq.s32 s10, $0x1;
	s10 =	sld [smem:$0x3FB8]  }
0x3d: {  	_ =	shalt  }
0x3e: {  	_ =	shalt  }
0x3f: {  	_ =	shalt  }
0x40: {  	_ =	shalt  }
0x41: {  	_ =	shalt  }
0x42: {  	_ =	shalt  }
0x43: {  	_ =	shalt  }
0x44: {  	_ =	shalt  }
0x45: {  	_ =	shalt  }
0x46: {  	_ =	shalt  }
0x47: {  	_ =	shalt  }
0x48: {  	_ =	shalt  }
0x49: {  	_ =	shalt  }
0x4a: {  	_ =	shalt  }
0x4b: {  	_ =	shalt  }
0x4c: {  	_ =	shalt  }
0x4d: {  	_ =	shalt  }
0x4e: {  	_ =	shalt  }
0x4f: {  	_ =	shalt  }
0x50: {  	_ =	shalt  }
0x51: {  	_ =	shalt  }
0x52: {  	_ =	shalt  }
0x53: {  	_ =	shalt  }
0x54: {  	_ =	shalt  }
0x55: {  	_ =	shalt  }
0x56: {  	_ =	shalt  }
0x57: {  	_ =	shalt  }
0x58: {  	_ =	shalt  }
0x59: {  	_ =	shalt  }
0x5a: {  	_ =	shalt  }
0x5b: {  	_ =	shalt  }
0x5c: {  	_ =	shalt  }
0x5d: {  	_ =	shalt  }
0x5e: {  	_ =	shalt  }
0x5f: {  	_ =	shalt  }
0x60: {  	_ =	shalt  }
0x61: {  	_ =	shalt  }
0x62: {  	_ =	shalt  }
0x63: {  	_ =	shalt  }
0x64: {  	_ =	shalt  }
0x65: {  	_ =	shalt  }
0x66: {  	_ =	shalt  }
0x67: {  	_ =	shalt  }
0x68: {  	_ =	shalt  }
0x69: {  	_ =	shalt  }
0x6a: {  	_ =	shalt  }
0x6b: {  	_ =	shalt  }
0x6c: {  	_ =	shalt  }
0x6d: {  	_ =	shalt  }
0x6e: {  	_ =	shalt  }
0x6f: {  	_ =	shalt  }
0x70: {  	_ =	shalt  }
0x71: {  	_ =	shalt  }
0x72: {  	_ =	shalt  }
0x73: {  	_ =	shalt  }
0x74: {  	_ =	shalt  }
0x75: {  	_ =	shalt  }
0x76: {  	_ =	shalt  }
0x77: {  	_ =	shalt  }
0x78: {  	_ =	shalt  }
0x79: {  	_ =	shalt  }
0x7a: {  	_ =	shalt  }
0x7b: {  	_ =	shalt  }
0x7c: {  	_ =	shalt  }
0x7d: {  	_ =	shalt  }
0x7e: {  	_ =	shalt  }
0x7f: {  	_ =	shalt  }
0x80: {  	_ =	shalt  }
0x81: {  	_ =	shalt  }
0x82: {  	_ =	shalt  }
0x83: {  	_ =	shalt  }
0x84: {  	_ =	shalt  }
0x85: {  	_ =	shalt  }
0x86: {  	_ =	shalt  }
0x87: {  	_ =	shalt  }
.Lfunc_end0:
.L_simem_size_0:
called_computation.1_lowered:
.L_overlay_start_0:
0x88: {  	s2 =	sld [smem:$0x3FD9]  }
0x89: {  	s3 =	sld [smem:$0x3FFE];
	_ =	sdelay $0x1  }
0x8a: {  	s1 =	srdreg.scid  }
0x8b: {  	s0 =	sand.u32 $0x1, s1  }
0x8c: {  	s17 =	sshll.u32 s0, $0xA;
	s2 =	sadd.s32 s3, s2  }
0x8d: {  	s2 =	sadd.s32 s2, s17  }
0x8e: {  	[smem:$0x3FC4] =	sst s2  }
0x8f: {  	_ = 	snop  }
0x90: {  	s2 =	sld [smem:$0x3FC8];
	(tm) =	ssettm $0x1  }
0x91: {  	s18 =	sld [smem:$0x3FFB];
	_ =	sdelay $0x3  }
0x92: {  	_ =	strace s18  }
0x93: {  	s3 =	sld [smem:$0x3FFC];
	_ =	sdelay $0x3  }
0x94: {  	_ =	strace s3  }
0x95: {  	s3 =	sld [smem:$0x3FFD];
	_ =	sdelay $0x3  }
0x96: {  	_ =	strace s3  }
0x97: {  	_ =	strace $0x8FFFFFFF  }
0x98: {  	s19 =	sld [smem:$0x3FDB];
	_ =	sdelay $0x1  }
0x99: {  	s4 =	simm.s32 $_scs_section_size  }
0x9a: {  	s5 =	simm.s32 $_size__tile_overlayer_lowered;
	s6 =	simm.s32 $_tile_overlayer_lowered  }
0x9b: {  	s22 =	simm.s32 $0x1BFF;
	s21 =	sshll.u32 s6, $0x1;
	s3 =	sadd.s32 s4, s19  }
0x9c: {  	s7 =	simm.s32 $0x0;
	s20 =	sshll.u32 s5, $0x1;
	s5 =	sadd.s32 s21, s3  }
0x9d: {  	[timem:s7], [sflag:s22] =	dma.local [hbm:s5], s20  }
0x9e: {  	_ =	swait.ge [sflag:s22], s20  }
0x9f: {  	s4 =	ssub.s32 $0x0, s20;
	[sflag:s22] =	ssyncset.done $0x0  }
0xa0: {  	[sflag:s22] =	ssyncadd.s32 s4;
	_ =	sdelay $0x1  }
0xa1: {  	s23 =	simm.s32 $0x1B8B  }
0xa2: {  	_ =	swait.ge [sflag:s23], $0x1  }
0xa3: {  	[sflag:s23] =	ssyncset.done $0x0  }
0xa4: {  	s25 =	simm.s32 $0x1B8E;
	s24 =	sld [smem:$0x3FFE];
	[sflag:s23] =	ssyncadd.s32 $0xFFFFFFFF  }
0xa5: {  	s26 =	simm.s32 $execute0_lowered;
	[smem:$0x3FD2] =	sst s25  }
0xa6: {  	s5 =	sshll.u32 s26, $0x1;
	_ =	strace $0x80000049;
	[dreg:$0x1] =	wrdreg $0xFFFFFFFF  }
0xa7: {  	s28 =	simm.s32 $_size_execute0_lowered;
	s3 =	sadd.s32 s3, s5;
	[dreg:$0x0] =	wrdreg $0x0  }
0xa8: {  	s5 =	sshll.u32 s28, $0x1;
	[dreg:$0x2] =	wrdreg s3  }
0xa9: {  	[dreg:$0x3] =	wrdreg s5  }
0xaa: {  	[dreg:$0x4] =	wrdreg $0xC0  }
0xab: {  	_ =	task [dreg:s7], $0x5FFFF  }
0xac: {  	[dreg:$0x1] =	wrdreg $0xFFFFFFFF  }
0xad: {  	[dreg:$0x0] =	wrdreg $0x60  }
0xae: {  	[dreg:$0x2] =	wrdreg s24  }
0xaf: {  	[dreg:$0x3] =	wrdreg s2  }
0xb0: {  	[dreg:$0x4] =	wrdreg $0xA8000  }
0xb1: {  	[dreg:$0x5] =	wrdreg $0x9  }
0xb2: {  	_ =	task.clear_ibuf [dreg:s7], $0x6FFFF;
	_ =	strace $0x90000049  }
0xb3: {  	s29 =	simm.s32 $0x9;
	_ =	strace $0x8000004B  }
0xb4: {  	_ =	swait.ge [sflag:s29], $0x1  }
0xb5: {  	[sflag:s29] =	ssyncadd.s32 $0xFFFFFFFF  }
0xb6: {  	_ =	strace $0x9000004B  }
0xb7: {  	_ =	sfence  }
0xb8: {  	s30 =	sld [smem:$0x0];
	_ =	sdelay $0x2  }
0xb9: {  	s31 =	sshll.u32 s1, $0xD;
	s1 =	sshrl.u32 s1, $0x2  }
0xba: {  	s3 =	sand.u32 $0x4000, s31;
	s1 =	sadd.s32 s1, s30  }
0xbb: {  	s0 =	sor.u32 s3, s0;
	s1 =	sshll.u32 s1, $0x11  }
0xbc: {  	s0 =	sor.u32 s1, s0  }
0xbd: {  	s0 =	sadd.s32 $0x8F2B, s0  }
0xbe: {  	[sflag:s0] =	ssyncadd.remote.s32 $0x1  }
0xbf: {  	_ =	sfence.sel $0xFFFF  }
0xc0: {  	[dreg:$0x0] =	wrdreg $0xFFFFFFFF;
	(pc) =	sbr.abs _section_cstart, $3  }
0xc1: {  	[dreg:$0x1] =	wrdreg $0xFFFFFFFF  }
0xc2: {  	_ =	task.clear_ibuf [dreg:s7], $0x2FFFF;
	_ =	strace $0x9FFFFFFF  }
0xc3: {  	(tm) =	ssettm $0x7FFFFFFF  }
tec
execute0_lowered:
.L_overlay_start_1:
0x0: {  	(tag) =	ssettag $0x1  }
0x1: {  	s5 =	rddreg [dreg:$0x0]  }
0x2: {  	s11 =	rddreg [dreg:$0x1]  }
0x3: {  	s2 =	rddreg [dreg:$0x2]  }
0x4: {  	s0 =	srdreg.scid;
	s1 =	rddreg [dreg:$0x3];
	s3 =	simm.s32 $0x0  }
0x5: {  	s15 =	simm.s32 $0x2700;
	s16 =	simm.s32 $0x2800;
	s17 =	simm.s32 $0x3  }
0x6: {  	s18 =	simm.s32 $0x2;
	s19 =	simm.s32 $0x1;
	s20 =	simm.s32 $0x80  }
0x7: {  	s21 =	simm.s32 $0x100;
	s22 =	simm.s32 $0x6800;
	s23 =	simm.s32 $0x2480  }
0x8: {  	s24 =	simm.s32 $0x2580;
	s6 =	sand.u32 $0x1, s0;
	s0 =	stileid.u32  }
0x9: {  	s28 =	simm.s32 $0x0;
	[smem:$0x7FF] =	sst s3;
	s4 =	smul.u32 $0x140000, s6  }
0xa: {  	s7 =	smul.u32 $0x14000, s0;
	_ =	strace $0x8000004A;
	s25 =	ssub.s32 $0x2, s6  }
0xb: {  	s26 =	sshll.u32 s0, $0x1;
	s29 =	smul.u32 $0x50000, s0;
	p0 =	sgt.u32 s0, $0x1  }
0xc: {  	s8 =	sshrl.u32 s25, $0x1;
	s6 =	sor.u32 s6, s26;
	s26 =	simm.s32 $0x2680  }
0xd: {  	s7 =	sadd.s32 s7, s4;
	s4 =	sadd.s32 $0x1C00, s5;
	s30 =	smul.u32 $0x9C0, s6  }
0xe: {  	s14 =	ssub.s32 s25, s8;
	s31 =	smin.u32 s6, $0x3;
	s9 =	smul.u32 $0x4E00, s6  }
0xf: {  	s25 =	simm.s32 $0x2600;
	s7 =	sshrl.u32 s7, $0x3;
	s8 =	sshll.u32 s31, $0x5  }
0x10: {  	s14 =	smax.u32 s14, $0x1;
	s13 =	sadd.s32 s7, s5;
	s7 =	sshrl.u32 s29, $0x2  }
0x11: {  	s5 =	sadd.s32 s11, s30;
	s8 =	sadd.s32 s8, s11;
	s12 =	sshrl.u32 s9, $0x3  }
0x12: {  	s6 =	sadd.s32 s7, s2;
	s7 =	sadd.s32 $0x13800, s8;
	s12 =	sadd.s32 s11, s12  }
0x13: {  	s13 =	sadd.s32 $0x28E00, s13;
	s8 =	sadd.s32 $0x4000, s6;
	s9 =	sadd.s32 $0x8000, s6  }
0x14: {  	v0 =	vimm.f32 $0.0e+00;
	s10 =	sadd.s32 $0xC000, s6;
	s11 =	sadd.s32 $0x10000, s6;
	s12 =	sadd.s32 $0x4E0, s12  }
.LBB2_1:
0x15: {  	[tilespmem:s3], [sflag:$0x1] =	stream.linear.gather [hbm4b:s5+s3], $0x2700, $0x38;
	[tilespmem:$0x1E800] =	vst v63  }
0x16: {  	s29 =	simm.s32 $0x0;
	s30 =	simm.s32 $0x200  }
0x17: {  	[tilespmem:s15], [sflag:$0x2] =	stream.linear.gather [hbm4b:s7+s3], $0x100, $0x38;
	[tilespmem:$0x1E800] =	vst v63  }
.LBB2_2:
0x18: {  	p1 =	sne.s32 s30, $0xFE00;
	[tilespmem:s29+$0x2870] =	vst v0  }
0x19: {  	[tilespmem:s29+$0x2800] =	vst v0  }
0x1a: {  	[tilespmem:s29+$0x2810] =	vst v0  }
.Ltmp0:
0x1b: {  	[tilespmem:s29+$0x2820] =	vst v0;
	(pc) =	sbr.rel @p1 .LBB2_2-.Ltmp0, $4  }
0x1c: {  	[tilespmem:s29+$0x2830] =	vst v0  }
0x1d: {  	[tilespmem:s29+$0x2840] =	vst v0  }
0x1e: {  	[tilespmem:s29+$0x2850] =	vst v0  }
0x1f: {  	[tilespmem:s29+$0x2860] =	vst v0;
	s29 =	sshra.s32 s30, $0x2;
	s30 =	sadd.s32 $0x200, s30  }
0x20: {  	[tilespmem:s29+$0x2870] =	vst v0  }
0x21: {  	[tilespmem:s29+$0x2800] =	vst v0  }
0x22: {  	[tilespmem:s29+$0x2810] =	vst v0  }
0x23: {  	[tilespmem:s29+$0x2820] =	vst v0  }
0x24: {  	[tilespmem:s29+$0x2830] =	vst v0  }
0x25: {  	[tilespmem:s29+$0x2840] =	vst v0  }
0x26: {  	[tilespmem:s29+$0x2850] =	vst v0  }
0x27: {  	[tilespmem:s29+$0x2860] =	vst v0  }
0x28: {  	[spmem:s6] =	stream.linear.scatter [tilespmem:s16], [sflag:$0x3], $0x4000, $0x38;
	[tilespmem:$0x1E800] =	vst v63  }
0x29: {  	_ =	swait.ge [sflag:s17], $0x4000  }
0x2a: {  	[sflag:s17] =	ssyncset.done $0x0  }
0x2b: {  	[sflag:s17] =	ssyncadd.s32 $0xFFFFC000  }
0x2c: {  	[spmem:s8] =	stream.linear.scatter [tilespmem:s16], [sflag:$0x3], $0x4000, $0x38;
	[tilespmem:$0x1E800] =	vst v63  }
0x2d: {  	_ =	swait.ge [sflag:s17], $0x4000  }
0x2e: {  	[sflag:s17] =	ssyncset.done $0x0  }
0x2f: {  	[sflag:s17] =	ssyncadd.s32 $0xFFFFC000  }
0x30: {  	[spmem:s9] =	stream.linear.scatter [tilespmem:s16], [sflag:$0x3], $0x4000, $0x38;
	[tilespmem:$0x1E800] =	vst v63  }
0x31: {  	_ =	swait.ge [sflag:s17], $0x4000  }
0x32: {  	[sflag:s17] =	ssyncset.done $0x0  }
0x33: {  	[sflag:s17] =	ssyncadd.s32 $0xFFFFC000  }
0x34: {  	[spmem:s10] =	stream.linear.scatter [tilespmem:s16], [sflag:$0x3], $0x4000, $0x38;
	[tilespmem:$0x1E800] =	vst v63  }
0x35: {  	_ =	swait.ge [sflag:s17], $0x4000  }
0x36: {  	[sflag:s17] =	ssyncset.done $0x0  }
0x37: {  	[sflag:s17] =	ssyncadd.s32 $0xFFFFC000  }
0x38: {  	[spmem:s11] =	stream.linear.scatter [tilespmem:s16], [sflag:$0x3], $0x4000, $0x38;
	[tilespmem:$0x1E800] =	vst v63  }
0x39: {  	_ =	swait.ge [sflag:s17], $0x4000  }
0x3a: {  	[sflag:s17] =	ssyncset.done $0x0  }
0x3b: {  	[sflag:s17] =	ssyncadd.s32 $0xFFFFC000  }
0x3c: {  	_ =	swait.ge [sflag:s18], $0x100  }
0x3d: {  	[sflag:s18] =	ssyncset.done $0x0  }
0x3e: {  	[sflag:s18] =	ssyncadd.s32 $0xFFFFFF00  }
0x3f: {  	_ =	swait.ge [sflag:s19], $0x2700  }
0x40: {  	[sflag:s19] =	ssyncset.done $0x0  }
0x41: {  	[sflag:s19] =	ssyncadd.s32 $0xFFFFD900  }
0x42: {  	[tilespmem:s16], [sflag:$0x1] =	stream.indirect.gather [hbm4b:s4+s20], $0x80, s3, s20, $0xb8;
	[tilespmem:$0x1E800] =	vst v63  }
0x43: {  	_ = 	snop  }
0x44: {  	[tilespmem:s22], [sflag:$0x2] =	stream.indirect.gather [hbm4b:s4+s20], $0x80, s21, s20, $0xb8;
	[tilespmem:$0x1E800] =	vst v63  }
0x45: {  	[bflag:$0x0] =	sbarrier.arrive $0xFFFF  }
0x46: {  	_ =	swait.ge [sflag:s19], $0x4000  }
0x47: {  	[sflag:s19] =	ssyncset.done $0x0  }
0x48: {  	s29 =	simm.s32 $0x80;
	[sflag:s19] =	ssyncadd.s32 $0xFFFFC000  }
0x49: {  	[spmem:s2] =	stream.indirect.scatter.add.f32 [tilespmem:s16], [sflag:$0x3], $0x80, s29, s20, $0xb8;
	[tilespmem:$0x1E800] =	vst v63  }
0x4a: {  	_ =	swait.ge [sflag:s17], $0x4000  }
0x4b: {  	[sflag:s17] =	ssyncset.done $0x0  }
0x4c: {  	s29 =	simm.s32 $0x200;
	[sflag:s17] =	ssyncadd.s32 $0xFFFFC000  }
0x4d: {  	[tilespmem:s16], [sflag:$0x1] =	stream.indirect.gather [hbm4b:s4+s20], $0x80, s29, s20, $0xb8;
	[tilespmem:$0x1E800] =	vst v63  }
0x4e: {  	_ =	swait.ge [sflag:s18], $0x4000  }
0x4f: {  	[sflag:s18] =	ssyncset.done $0x0  }
0x50: {  	s29 =	simm.s32 $0x180;
	[sflag:s18] =	ssyncadd.s32 $0xFFFFC000  }
0x51: {  	[spmem:s2] =	stream.indirect.scatter.add.f32 [tilespmem:s22], [sflag:$0x3], $0x80, s29, s20, $0xb8;
	[tilespmem:$0x1E800] =	vst v63  }
0x52: {  	_ =	swait.ge [sflag:s17], $0x4000  }
0x53: {  	[sflag:s17] =	ssyncset.done $0x0  }
0x54: {  	s30 =	simm.s32 $0x300;
	s29 =	simm.s32 $0xFFFF7800;
	[sflag:s17] =	ssyncadd.s32 $0xFFFFC000  }
.LBB2_4:
0x55: {  	[tilespmem:s22], [sflag:$0x2] =	stream.indirect.gather [hbm4b:s4+s20], $0x80, s30, s20, $0xb8;
	[tilespmem:$0x1E800] =	vst v63  }
0x56: {  	s30 =	smov.u32 s29  }
0x57: {  	p1 =	sne.s32 s29, $0xFFFFF800;
	s29 =	sadd.s32 $0x800, s29;
	_ =	swait.ge [sflag:s19], $0x4000  }
0x58: {  	s30 =	sshra.s32 s30, $0x2;
	[sflag:s19] =	ssyncset.done $0x0  }
0x59: {  	s31 =	sadd.s32 $0x2480, s30;
	[sflag:s19] =	ssyncadd.s32 $0xFFFFC000  }
0x5a: {  	[spmem:s2] =	stream.indirect.scatter.add.f32 [tilespmem:s16], [sflag:$0x3], $0x80, s31, s20, $0xb8;
	[tilespmem:$0x1E800] =	vst v63  }
0x5b: {  	_ =	swait.ge [sflag:s17], $0x4000  }
0x5c: {  	[sflag:s17] =	ssyncset.done $0x0  }
0x5d: {  	s31 =	sadd.s32 $0x2600, s30;
	[sflag:s17] =	ssyncadd.s32 $0xFFFFC000  }
0x5e: {  	[tilespmem:s16], [sflag:$0x1] =	stream.indirect.gather [hbm4b:s4+s20], $0x80, s31, s20, $0xb8;
	[tilespmem:$0x1E800] =	vst v63  }
0x5f: {  	_ =	swait.ge [sflag:s18], $0x4000  }
0x60: {  	[sflag:s18] =	ssyncset.done $0x0  }
.Ltmp1:
0x61: {  	s31 =	sadd.s32 $0x2580, s30;
	[sflag:s18] =	ssyncadd.s32 $0xFFFFC000;
	(pc) =	sbr.rel @p1 .LBB2_4-.Ltmp1, $4  }
0x62: {  	[spmem:s2] =	stream.indirect.scatter.add.f32 [tilespmem:s22], [sflag:$0x3], $0x80, s31, s20, $0xb8;
	[tilespmem:$0x1E800] =	vst v63  }
0x63: {  	_ =	swait.ge [sflag:s17], $0x4000  }
0x64: {  	[sflag:s17] =	ssyncset.done $0x0  }
0x65: {  	s30 =	sadd.s32 $0x2700, s30;
	[sflag:s17] =	ssyncadd.s32 $0xFFFFC000  }
0x66: {  	[tilespmem:s22], [sflag:$0x2] =	stream.indirect.gather [hbm4b:s4+s20], $0x80, s30, s20, $0xb8;
	[tilespmem:$0x1E800] =	vst v63  }
0x67: {  	_ =	swait.ge [sflag:s19], $0x4000  }
0x68: {  	[sflag:s19] =	ssyncset.done $0x0  }
0x69: {  	[sflag:s19] =	ssyncadd.s32 $0xFFFFC000  }
0x6a: {  	[spmem:s2] =	stream.indirect.scatter.add.f32 [tilespmem:s16], [sflag:$0x3], $0x80, s23, s20, $0xb8;
	[tilespmem:$0x1E800] =	vst v63  }
0x6b: {  	_ =	swait.ge [sflag:s17], $0x4000  }
0x6c: {  	[sflag:s17] =	ssyncset.done $0x0  }
0x6d: {  	[sflag:s17] =	ssyncadd.s32 $0xFFFFC000  }
0x6e: {  	_ =	swait.ge [sflag:s18], $0x4000  }
0x6f: {  	[sflag:s18] =	ssyncset.done $0x0  }
0x70: {  	[sflag:s18] =	ssyncadd.s32 $0xFFFFC000  }
0x71: {  	[spmem:s2] =	stream.indirect.scatter.add.f32 [tilespmem:s22], [sflag:$0x3], $0x80, s24, s20, $0xb8;
	[tilespmem:$0x1E800] =	vst v63  }
0x72: {  	_ =	swait.ge [sflag:s17], $0x4000  }
0x73: {  	[sflag:s17] =	ssyncset.done $0x0  }
0x74: {  	[sflag:s17] =	ssyncadd.s32 $0xFFFFC000  }
0x75: {  	[tilespmem:s16], [sflag:$0x1] =	stream.indirect.gather [hbm4b:s4+s20], $0x80, s25, s20, $0xb8;
	[tilespmem:$0x1E800] =	vst v63  }
0x76: {  	_ =	swait.ge [sflag:s19], $0x4000  }
0x77: {  	[sflag:s19] =	ssyncset.done $0x0  }
0x78: {  	[sflag:s19] =	ssyncadd.s32 $0xFFFFC000  }
0x79: {  	[spmem:s2] =	stream.indirect.scatter.add.f32 [tilespmem:s16], [sflag:$0x3], $0x80, s26, s20, $0xb8;
	[tilespmem:$0x1E800] =	vst v63  }
0x7a: {  	_ =	swait.ge [sflag:s17], $0x4000  }
0x7b: {  	[sflag:s17] =	ssyncset.done $0x0  }
0x7c: {  	[sflag:s17] =	ssyncadd.s32 $0xFFFFC000  }
0x7d: {  	[tilespmem:s3], [sflag:$0x3] =	stream.linear.gather [hbm4b:s12+s3], $0x2700, $0x38;
	[tilespmem:$0x1E800] =	vst v63  }
0x7e: {  	_ =	swait.ge [sflag:s17], $0x2700  }
0x7f: {  	[sflag:s17] =	ssyncset.done $0x0  }
0x80: {  	[sflag:s17] =	ssyncadd.s32 $0xFFFFD900  }
0x81: {  	[tilespmem:s16], [sflag:$0x1] =	stream.indirect.gather [hbm4b:s4+s20], $0x80, s3, s20, $0xb8;
	[tilespmem:$0x1E800] =	vst v63  }
0x82: {  	_ = 	snop  }
0x83: {  	[tilespmem:s22], [sflag:$0x2] =	stream.indirect.gather [hbm4b:s4+s20], $0x80, s21, s20, $0xb8;
	[tilespmem:$0x1E800] =	vst v63  }
0x84: {  	_ =	swait.ge [sflag:s19], $0x4000  }
0x85: {  	[sflag:s19] =	ssyncset.done $0x0  }
0x86: {  	s29 =	simm.s32 $0x80;
	[sflag:s19] =	ssyncadd.s32 $0xFFFFC000  }
0x87: {  	[spmem:s2] =	stream.indirect.scatter.add.f32 [tilespmem:s16], [sflag:$0x3], $0x80, s29, s20, $0xb8;
	[tilespmem:$0x1E800] =	vst v63  }
0x88: {  	_ =	swait.ge [sflag:s17], $0x4000  }
0x89: {  	[sflag:s17] =	ssyncset.done $0x0  }
0x8a: {  	s29 =	simm.s32 $0x200;
	[sflag:s17] =	ssyncadd.s32 $0xFFFFC000  }
0x8b: {  	[tilespmem:s16], [sflag:$0x1] =	stream.indirect.gather [hbm4b:s4+s20], $0x80, s29, s20, $0xb8;
	[tilespmem:$0x1E800] =	vst v63  }
0x8c: {  	_ =	swait.ge [sflag:s18], $0x4000  }
0x8d: {  	[sflag:s18] =	ssyncset.done $0x0  }
0x8e: {  	s29 =	simm.s32 $0x180;
	[sflag:s18] =	ssyncadd.s32 $0xFFFFC000  }
0x8f: {  	[spmem:s2] =	stream.indirect.scatter.add.f32 [tilespmem:s22], [sflag:$0x3], $0x80, s29, s20, $0xb8;
	[tilespmem:$0x1E800] =	vst v63  }
0x90: {  	_ =	swait.ge [sflag:s17], $0x4000  }
0x91: {  	[sflag:s17] =	ssyncset.done $0x0  }
0x92: {  	s30 =	simm.s32 $0x300;
	s29 =	simm.s32 $0xFFFF7800;
	[sflag:s17] =	ssyncadd.s32 $0xFFFFC000  }
.LBB2_6:
0x93: {  	[tilespmem:s22], [sflag:$0x2] =	stream.indirect.gather [hbm4b:s4+s20], $0x80, s30, s20, $0xb8;
	[tilespmem:$0x1E800] =	vst v63  }
0x94: {  	s30 =	smov.u32 s29  }
0x95: {  	p1 =	sne.s32 s29, $0xFFFFF800;
	s29 =	sadd.s32 $0x800, s29;
	_ =	swait.ge [sflag:s19], $0x4000  }
0x96: {  	s30 =	sshra.s32 s30, $0x2;
	[sflag:s19] =	ssyncset.done $0x0  }
0x97: {  	s31 =	sadd.s32 $0x2480, s30;
	[sflag:s19] =	ssyncadd.s32 $0xFFFFC000  }
0x98: {  	[spmem:s2] =	stream.indirect.scatter.add.f32 [tilespmem:s16], [sflag:$0x3], $0x80, s31, s20, $0xb8;
	[tilespmem:$0x1E800] =	vst v63  }
0x99: {  	_ =	swait.ge [sflag:s17], $0x4000  }
0x9a: {  	[sflag:s17] =	ssyncset.done $0x0  }
0x9b: {  	s31 =	sadd.s32 $0x2600, s30;
	[sflag:s17] =	ssyncadd.s32 $0xFFFFC000  }
0x9c: {  	[tilespmem:s16], [sflag:$0x1] =	stream.indirect.gather [hbm4b:s4+s20], $0x80, s31, s20, $0xb8;
	[tilespmem:$0x1E800] =	vst v63  }
0x9d: {  	_ =	swait.ge [sflag:s18], $0x4000  }
0x9e: {  	[sflag:s18] =	ssyncset.done $0x0  }
.Ltmp2:
0x9f: {  	s31 =	sadd.s32 $0x2580, s30;
	[sflag:s18] =	ssyncadd.s32 $0xFFFFC000;
	(pc) =	sbr.rel @p1 .LBB2_6-.Ltmp2, $4  }
0xa0: {  	[spmem:s2] =	stream.indirect.scatter.add.f32 [tilespmem:s22], [sflag:$0x3], $0x80, s31, s20, $0xb8;
	[tilespmem:$0x1E800] =	vst v63  }
0xa1: {  	_ =	swait.ge [sflag:s17], $0x4000  }
0xa2: {  	[sflag:s17] =	ssyncset.done $0x0  }
0xa3: {  	s30 =	sadd.s32 $0x2700, s30;
	[sflag:s17] =	ssyncadd.s32 $0xFFFFC000  }
0xa4: {  	[tilespmem:s22], [sflag:$0x2] =	stream.indirect.gather [hbm4b:s4+s20], $0x80, s30, s20, $0xb8;
	[tilespmem:$0x1E800] =	vst v63  }
0xa5: {  	_ =	swait.ge [sflag:s19], $0x4000  }
0xa6: {  	[sflag:s19] =	ssyncset.done $0x0  }
0xa7: {  	[sflag:s19] =	ssyncadd.s32 $0xFFFFC000  }
0xa8: {  	[spmem:s2] =	stream.indirect.scatter.add.f32 [tilespmem:s16], [sflag:$0x3], $0x80, s23, s20, $0xb8;
	[tilespmem:$0x1E800] =	vst v63  }
0xa9: {  	_ =	swait.ge [sflag:s17], $0x4000  }
0xaa: {  	[sflag:s17] =	ssyncset.done $0x0  }
0xab: {  	[sflag:s17] =	ssyncadd.s32 $0xFFFFC000  }
0xac: {  	_ =	swait.ge [sflag:s18], $0x4000  }
0xad: {  	[sflag:s18] =	ssyncset.done $0x0  }
0xae: {  	[sflag:s18] =	ssyncadd.s32 $0xFFFFC000  }
0xaf: {  	[spmem:s2] =	stream.indirect.scatter.add.f32 [tilespmem:s22], [sflag:$0x3], $0x80, s24, s20, $0xb8;
	[tilespmem:$0x1E800] =	vst v63  }
0xb0: {  	_ =	swait.ge [sflag:s17], $0x4000  }
0xb1: {  	[sflag:s17] =	ssyncset.done $0x0  }
0xb2: {  	[sflag:s17] =	ssyncadd.s32 $0xFFFFC000  }
0xb3: {  	[tilespmem:s16], [sflag:$0x1] =	stream.indirect.gather [hbm4b:s4+s20], $0x80, s25, s20, $0xb8;
	[tilespmem:$0x1E800] =	vst v63  }
0xb4: {  	_ =	swait.ge [sflag:s19], $0x4000  }
0xb5: {  	[sflag:s19] =	ssyncset.done $0x0  }
0xb6: {  	[sflag:s19] =	ssyncadd.s32 $0xFFFFC000  }
0xb7: {  	[spmem:s2] =	stream.indirect.scatter.add.f32 [tilespmem:s16], [sflag:$0x3], $0x80, s26, s20, $0xb8;
	[tilespmem:$0x1E800] =	vst v63  }
0xb8: {  	_ =	swait.ge [sflag:s17], $0x4000  }
0xb9: {  	s29 =	simm.s32 @!p0 $0x80;
	[sflag:s17] =	ssyncset.done $0x0  }
0xba: {  	s30 =	simm.s32 @!p0 $0x2700;
	s31 =	simm.s32 @!p0 $0x2800;
	[sflag:s17] =	ssyncadd.s32 $0xFFFFC000  }
0xbb: {  	[tilespmem:s31], [sflag:$0x1] =	stream.indirect.gather @!p0 [hbm4b:s4+s29], $0x80, s30, s29, $0xb8;
	[tilespmem:$0x1E800] =	vst v63  }
0xbc: {  	s30 =	simm.s32 @!p0 $0x1  }
0xbd: {  	_ =	swait.ge @!p0 [sflag:s30], $0x4000  }
0xbe: {  	[sflag:s30] =	ssyncset.done @!p0 $0x0  }
0xbf: {  	[sflag:s30] =	ssyncadd.s32 @!p0 $0xFFFFC000;
	s30 =	simm.s32 @!p0 $0x2780  }
0xc0: {  	[spmem:s2] =	stream.indirect.scatter.add.f32 @!p0 [tilespmem:s31], [sflag:$0x3], $0x80, s30, s29, $0xb8;
	[tilespmem:$0x1E800] =	vst v63  }
0xc1: {  	s29 =	simm.s32 @!p0 $0x3  }
0xc2: {  	s28 =	sadd.s32 $0x1, s28;
	_ =	swait.ge @!p0 [sflag:s29], $0x4000  }
0xc3: {  	p1 =	sne.s32 s28, s14;
	[sflag:s29] =	ssyncset.done @!p0 $0x0  }
0xc4: {  	s30 =	sshll.u32 s0, $0x6;
	s31 =	sshrl.u32 s6, $0x3;
	[sflag:s29] =	ssyncadd.s32 @!p0 $0xFFFFC000  }
.Ltmp3:
0xc5: {  	s29 =	sor.u32 $0x1C03, s30;
	[bflag:$0x0] =	sbarrier.arrive $0xFFFF;
	(pc) =	sbr.rel @p1 .LBB2_1-.Ltmp3, $4  }
0xc6: {  	[hbm:s13], [sflag:s29] =	dma.local [spmem:s31], $0x2800  }
0xc7: {  	_ =	swait.ge [sflag:s17], $0x2800  }
0xc8: {  	[sflag:s17] =	ssyncset.done $0x0  }
0xc9: {  	[sflag:s17] =	ssyncadd.s32 $0xFFFFD800  }
0xca: {  	_ =	sfence.sel $0x180000  }
0xcb: {  	[bflag:$0x0] =	sbarrier.arrive $0xFFFF  }
0xcc: {  	p0 =	sne.s32 s0, $0x0;
	_ =	strace $0x9000004A  }
0xcd: {  	s0 =	sadd.s32 @!p0 $0x100000, s1;
	[bflag:$0x2] =	sbarrier.arrive $0xFFFF  }
0xce: {  	[sflag:s0] =	ssyncadd.tile.s32 @!p0 $0x1;
	_ =	shalt  }
.Lfunc_end2:
_tile_overlayer_lowered:
.L_overlay_start_2:
0xcf: {  	(tag) =	ssettag $0x2  }
0xd0: {  	s0 =	rddreg [dreg:$0x0];
	s2 =	stileid.u32  }
0xd1: {  	s1 =	rddreg [dreg:$0x1];
	p0 =	sne.s32 s2, $0x0  }
0xd2: {  	s3 =	rddreg [dreg:$0x2];
	[bflag:$0x3] =	sbarrier.arrive $0xFFFF;
	s2 =	simm.s32 @!p0 $0x1C03  }
0xd3: {  	[timem:s3], [sflag:s2] =	dma.local @!p0 [hbm:s0], s1  }
0xd4: {  	s0 =	simm.s32 @!p0 $0x3  }
0xd5: {  	_ =	swait.ge @!p0 [sflag:s0], s1  }
0xd6: {  	s1 =	ssub.s32 @!p0 $0x0, s1;
	[sflag:s0] =	ssyncset.done @!p0 $0x0  }
0xd7: {  	[sflag:s0] =	ssyncadd.s32 @!p0 s1  }
0xd8: {  	[bflag:$0x3] =	sbarrier.arrive $0xFFFF  }
0xd9: {  	_ =	shalt  }

// kernel: kernel.7.cloned.1.call-start
scs
__scs_entry_jumppad:
0x0: {  	(pc) =	sbr.rel $0x88, $3  }
0x1: {  	(tag) =	ssettag $0x0;
	lr =	simm.s32 $0x1  }
0x2: {  	[smem:$0x3F9D] =	sst lr;
	_ =	strace $0xD0000000  }
0x3: {  	_ = 	snop  }
0x4: {  	_ = 	snop  }
0x5: {  	_ = 	snop  }
0x6: {  	_ = 	snop  }
0x7: {  	_ = 	snop  }
__scs_overlays_trampoline_lowered:
0x8: {  	[smem:$0x3FAC] =	sst s0  }
0x9: {  	[smem:$0x3FAD] =	sst s1  }
0xa: {  	[smem:$0x3FAE] =	sst s2  }
0xb: {  	[smem:$0x3FAF] =	sst s3  }
0xc: {  	[smem:$0x3FB0] =	sst s4  }
0xd: {  	[smem:$0x3FB1] =	sst s5  }
0xe: {  	[smem:$0x3FB2] =	sst s6  }
0xf: {  	[smem:$0x3FB3] =	sst s7  }
0x10: {  	[smem:$0x3FB4] =	sst s8  }
0x11: {  	[smem:$0x3FB5] =	sst s9;
	s0 =	simm.s32 @!p0 $0x0  }
0x12: {  	s1 =	sld [smem:$0x3F9B];
	s0 =	simm.s32 @p0 $0x1  }
0x13: {  	[smem:$0x3FB6] =	sst s0;
	s0 =	simm.s32 @!p1 $0x0  }
0x14: {  	s2 =	sld [smem:$0x3F9A];
	s0 =	simm.s32 @p1 $0x1  }
0x15: {  	[smem:$0x3FB7] =	sst s0;
	s0 =	simm.s32 @!p2 $0x0  }
0x16: {  	s3 =	sld [smem:$0x3FDB];
	s0 =	simm.s32 @p2 $0x1  }
0x17: {  	s4 =	simm.s32 $0x1BF5;
	[smem:$0x3FB9] =	sst s0  }
0x18: {  	s0 =	sld [smem:$0x3F9C];
	_ =	swait.ge [sflag:s4], $0x0  }
0x19: {  	s7 =	sld [smem:$0x3F9D]  }
0x1a: {  	s8 =	sadd.s32 $0xFFFFE003, lr  }
0x1b: {  	s9 =	sadd.s32 $0xFFFFFEF7, lr;
	s5 =	simm.s32 $0xFFFFFFFF;
	p2 =	slt.u32 s8, $0xFFFFF086  }
0x1c: {  	p1 =	slt.u32 s9, $0xF7A;
	s5 =	simm.s32 @!p2 $0x0  }
0x1d: {  	s5 =	simm.s32 @p1 $0x1;
	p0 =	seq.s32 s7, s2  }
0x1e: {  	s7 =	smul.u32 @!p0 $0xF7A, s2;
	p2 =	seq.s32 @!p0 s5, $0x0  }
0x1f: {  	s9 =	smul.u32 $0xF7A, s1;
	s8 =	simm.s32 @!p0 $0x1BF5;
	p2 =	por !p2, p0  }
0x20: {  	[sflag:s8] =	ssyncset.s32 @!p0 $0xFFFFF086;
	s6 =	sadd.s32 @!p0 s3, s7;
	s7 =	simm.s32 @!p0 $0x108  }
0x21: {  	s3 =	sadd.s32 s3, s9;
	s6 =	sadd.s32 @!p0 $0x88, s6;
	s7 =	simm.s32 @p2 $0x1082  }
0x22: {  	[simem:s7], [sflag:s8] =	dma.local @!p0 [hbm:s6], $0xF7A  }
0x23: {  	s9 =	sor.u32 $0xD0000000, s2;
	s6 =	simm.s32 $0x108;
	_ =	swait.ge @!p0 [sflag:s8], $0x0  }
0x24: {  	s3 =	sadd.s32 $0x88, s3;
	s6 =	simm.s32 @!p1 $0x1082;
	[sflag:s4] =	ssyncset.s32 $0xFFFFF086  }
0x25: {  	[simem:s6], [sflag:s4] =	dma.local [hbm:s3], $0xF7A  }
0x26: {  	[smem:$0x3F9D] =	sst s1;
	(tag) =	ssettag s2;
	_ =	strace s9  }
0x27: {  	s1 =	sld [smem:$0x3FAD]  }
0x28: {  	s2 =	sld [smem:$0x3FAE]  }
0x29: {  	s4 =	sld [smem:$0x3FB0]  }
0x2a: {  	p0 =	seq.s32 s5, $0x0;
	s5 =	sld [smem:$0x3FB1]  }
0x2b: {  	s6 =	sld [smem:$0x3FB2]  }
0x2c: {  	s7 =	sld [smem:$0x3FB3]  }
0x2d: {  	s3 =	simm.s32 $0x108;
	s8 =	sld [smem:$0x3FB4]  }
0x2e: {  	s3 =	simm.s32 @!p0 $0x1082;
	s9 =	sld [smem:$0x3FB5]  }
0x2f: {  	lr =	sadd.s32 s0, s3;
	s0 =	sld [smem:$0x3FAC]  }
0x30: {  	s3 =	sld [smem:$0x3FAF]  }
0x31: {  	[smem:$0x3FB8] =	sst s10  }
0x32: {  	s10 =	sld [smem:$0x3FB6];
	_ =	sdelay $0x3  }
0x33: {  	p0 =	seq.s32 s10, $0x1;
	s10 =	sld [smem:$0x3FB8];
	_ =	sdelay $0x3  }
0x34: {  	[smem:$0x3FB8] =	sst s10  }
0x35: {  	s10 =	sld [smem:$0x3FB7];
	_ =	sdelay $0x3  }
0x36: {  	p1 =	seq.s32 s10, $0x1;
	s10 =	sld [smem:$0x3FB8];
	_ =	sdelay $0x3  }
0x37: {  	[smem:$0x3FB8] =	sst s10  }
0x38: {  	s10 =	sld [smem:$0x3FB9]  }
0x39: {  	_ = 	snop;
	(pc) =	sbr.ind lr, $3  }
0x3a: {  	_ = 	snop  }
0x3b: {  	_ = 	snop  }
0x3c: {  	p2 =	seq.s32 s10, $0x1;
	s10 =	sld [smem:$0x3FB8]  }
0x3d: {  	_ =	shalt  }
0x3e: {  	_ =	shalt  }
0x3f: {  	_ =	shalt  }
0x40: {  	_ =	shalt  }
0x41: {  	_ =	shalt  }
0x42: {  	_ =	shalt  }
0x43: {  	_ =	shalt  }
0x44: {  	_ =	shalt  }
0x45: {  	_ =	shalt  }
0x46: {  	_ =	shalt  }
0x47: {  	_ =	shalt  }
0x48: {  	_ =	shalt  }
0x49: {  	_ =	shalt  }
0x4a: {  	_ =	shalt  }
0x4b: {  	_ =	shalt  }
0x4c: {  	_ =	shalt  }
0x4d: {  	_ =	shalt  }
0x4e: {  	_ =	shalt  }
0x4f: {  	_ =	shalt  }
0x50: {  	_ =	shalt  }
0x51: {  	_ =	shalt  }
0x52: {  	_ =	shalt  }
0x53: {  	_ =	shalt  }
0x54: {  	_ =	shalt  }
0x55: {  	_ =	shalt  }
0x56: {  	_ =	shalt  }
0x57: {  	_ =	shalt  }
0x58: {  	_ =	shalt  }
0x59: {  	_ =	shalt  }
0x5a: {  	_ =	shalt  }
0x5b: {  	_ =	shalt  }
0x5c: {  	_ =	shalt  }
0x5d: {  	_ =	shalt  }
0x5e: {  	_ =	shalt  }
0x5f: {  	_ =	shalt  }
0x60: {  	_ =	shalt  }
0x61: {  	_ =	shalt  }
0x62: {  	_ =	shalt  }
0x63: {  	_ =	shalt  }
0x64: {  	_ =	shalt  }
0x65: {  	_ =	shalt  }
0x66: {  	_ =	shalt  }
0x67: {  	_ =	shalt  }
0x68: {  	_ =	shalt  }
0x69: {  	_ =	shalt  }
0x6a: {  	_ =	shalt  }
0x6b: {  	_ =	shalt  }
0x6c: {  	_ =	shalt  }
0x6d: {  	_ =	shalt  }
0x6e: {  	_ =	shalt  }
0x6f: {  	_ =	shalt  }
0x70: {  	_ =	shalt  }
0x71: {  	_ =	shalt  }
0x72: {  	_ =	shalt  }
0x73: {  	_ =	shalt  }
0x74: {  	_ =	shalt  }
0x75: {  	_ =	shalt  }
0x76: {  	_ =	shalt  }
0x77: {  	_ =	shalt  }
0x78: {  	_ =	shalt  }
0x79: {  	_ =	shalt  }
0x7a: {  	_ =	shalt  }
0x7b: {  	_ =	shalt  }
0x7c: {  	_ =	shalt  }
0x7d: {  	_ =	shalt  }
0x7e: {  	_ =	shalt  }
0x7f: {  	_ =	shalt  }
0x80: {  	_ =	shalt  }
0x81: {  	_ =	shalt  }
0x82: {  	_ =	shalt  }
0x83: {  	_ =	shalt  }
0x84: {  	_ =	shalt  }
0x85: {  	_ =	shalt  }
0x86: {  	_ =	shalt  }
0x87: {  	_ =	shalt  }
.Lfunc_end0:
.L_simem_size_0:
called_computation_lowered:
.L_overlay_start_0:
0x88: {  	s2 =	sld [smem:$0x3FD9]  }
0x89: {  	s3 =	sld [smem:$0x3FFE];
	_ =	sdelay $0x1  }
0x8a: {  	s1 =	srdreg.scid  }
0x8b: {  	s0 =	sand.u32 $0x1, s1  }
0x8c: {  	s18 =	sshll.u32 s0, $0xA;
	s2 =	sadd.s32 s3, s2  }
0x8d: {  	s2 =	sadd.s32 s2, s18  }
0x8e: {  	[smem:$0x3FC4] =	sst s2  }
0x8f: {  	_ = 	snop  }
0x90: {  	s2 =	sld [smem:$0x3FC9]  }
0x91: {  	s19 =	sld [smem:$0x3FC8]  }
0x92: {  	s4 =	sld [smem:$0x3FD0];
	(tm) =	ssettm $0x1  }
0x93: {  	s5 =	sld [smem:$0x3FFB];
	_ =	sdelay $0x3  }
0x94: {  	_ =	strace s5  }
0x95: {  	s5 =	sld [smem:$0x3FFC];
	_ =	sdelay $0x3  }
0x96: {  	_ =	strace s5  }
0x97: {  	s5 =	sld [smem:$0x3FFD];
	_ =	sdelay $0x3  }
0x98: {  	_ =	strace s5  }
0x99: {  	_ =	strace $0x8FFFFFFF  }
0x9a: {  	s20 =	sld [smem:$0x3FDB];
	_ =	sdelay $0x1  }
0x9b: {  	s6 =	simm.s32 $_scs_section_size  }
0x9c: {  	s7 =	simm.s32 $_size__tile_overlayer_lowered;
	s8 =	simm.s32 $_tile_overlayer_lowered  }
0x9d: {  	s23 =	simm.s32 $0x1BFF;
	s22 =	sshll.u32 s8, $0x1;
	s5 =	sadd.s32 s6, s20  }
0x9e: {  	s9 =	simm.s32 $0x0;
	s21 =	sshll.u32 s7, $0x1;
	s7 =	sadd.s32 s22, s5  }
0x9f: {  	[timem:s9], [sflag:s23] =	dma.local [hbm:s7], s21  }
0xa0: {  	_ =	swait.ge [sflag:s23], s21  }
0xa1: {  	s6 =	ssub.s32 $0x0, s21;
	[sflag:s23] =	ssyncset.done $0x0  }
0xa2: {  	[sflag:s23] =	ssyncadd.s32 s6;
	_ =	sdelay $0x1  }
0xa3: {  	s24 =	simm.s32 $0x1B8B  }
0xa4: {  	_ =	swait.ge [sflag:s24], $0x1  }
0xa5: {  	[sflag:s24] =	ssyncset.done $0x0  }
0xa6: {  	s25 =	simm.s32 $0x1B8E;
	[sflag:s24] =	ssyncadd.s32 $0xFFFFFFFF  }
0xa7: {  	s26 =	simm.s32 $execute0_lowered;
	[smem:$0x3FD2] =	sst s25  }
0xa8: {  	s6 =	sshll.u32 s26, $0x1;
	_ =	strace $0x80000046;
	[dreg:$0x1] =	wrdreg $0xFFFFFFFF  }
0xa9: {  	s28 =	simm.s32 $_size_execute0_lowered;
	s5 =	sadd.s32 s5, s6;
	[dreg:$0x0] =	wrdreg $0x0  }
0xaa: {  	s6 =	sshll.u32 s28, $0x1;
	[dreg:$0x2] =	wrdreg s5  }
0xab: {  	[dreg:$0x3] =	wrdreg s6  }
0xac: {  	[dreg:$0x4] =	wrdreg $0xC0  }
0xad: {  	_ =	task [dreg:s9], $0x5FFFF  }
0xae: {  	[dreg:$0x1] =	wrdreg $0xFFFFFFFF  }
0xaf: {  	[dreg:$0x0] =	wrdreg $0x60  }
0xb0: {  	[dreg:$0x2] =	wrdreg s2  }
0xb1: {  	[dreg:$0x3] =	wrdreg s19  }
0xb2: {  	[dreg:$0x4] =	wrdreg s4  }
0xb3: {  	[dreg:$0x5] =	wrdreg $0xA8000  }
0xb4: {  	[dreg:$0x6] =	wrdreg $0x9  }
0xb5: {  	_ =	task.clear_ibuf [dreg:s9], $0x7FFFF;
	_ =	strace $0x90000046  }
0xb6: {  	s29 =	simm.s32 $0x9;
	_ =	strace $0x80000048  }
0xb7: {  	_ =	swait.ge [sflag:s29], $0x1  }
0xb8: {  	[sflag:s29] =	ssyncadd.s32 $0xFFFFFFFF  }
0xb9: {  	_ =	strace $0x90000048  }
0xba: {  	_ =	sfence  }
0xbb: {  	s30 =	sld [smem:$0x0];
	_ =	sdelay $0x2  }
0xbc: {  	s31 =	sshll.u32 s1, $0xD;
	s1 =	sshrl.u32 s1, $0x2  }
0xbd: {  	s3 =	sand.u32 $0x4000, s31;
	s1 =	sadd.s32 s1, s30  }
0xbe: {  	s0 =	sor.u32 s3, s0;
	s1 =	sshll.u32 s1, $0x11  }
0xbf: {  	s0 =	sor.u32 s1, s0  }
0xc0: {  	s0 =	sadd.s32 $0x8F2B, s0  }
0xc1: {  	[sflag:s0] =	ssyncadd.remote.s32 $0x1  }
0xc2: {  	_ =	sfence.sel $0xFFFF  }
0xc3: {  	[dreg:$0x0] =	wrdreg $0xFFFFFFFF;
	(pc) =	sbr.abs _section_cstart, $3  }
0xc4: {  	[dreg:$0x1] =	wrdreg $0xFFFFFFFF  }
0xc5: {  	_ =	task.clear_ibuf [dreg:s9], $0x2FFFF;
	_ =	strace $0x9FFFFFFF  }
0xc6: {  	(tm) =	ssettm $0x7FFFFFFF  }
0xc7: {  	_ =	shalt  }
tec
execute0_lowered:
.L_overlay_start_1:
0x0: {  	(tag) =	ssettag $0x1  }
0x1: {  	s1 =	rddreg [dreg:$0x0]  }
0x2: {  	s11 =	rddreg [dreg:$0x1]  }
0x3: {  	s13 =	rddreg [dreg:$0x2]  }
0x4: {  	s2 =	srdreg.scid;
	s0 =	stileid.u32  }
0x5: {  	s3 =	rddreg [dreg:$0x3];
	s4 =	simm.s32 $0x0;
	s16 =	simm.s32 $0x2800  }
0x6: {  	s17 =	simm.s32 $0x3;
	s18 =	simm.s32 $0x2;
	s19 =	simm.s32 $0x1  }
0x7: {  	s20 =	simm.s32 $0x80;
	s21 =	simm.s32 $0x100;
	s22 =	simm.s32 $0x6800  }
0x8: {  	s23 =	simm.s32 $0x2480;
	s24 =	simm.s32 $0x2580;
	s28 =	simm.s32 $0x0  }
0x9: {  	s5 =	sand.u32 $0x1, s2;
	s2 =	rddreg [dreg:$0x4];
	s10 =	smul.u32 $0x50000, s0  }
0xa: {  	s6 =	sshll.u32 s0, $0x1;
	[smem:$0x7FF] =	sst s4;
	s15 =	smul.u32 $0x14000, s0  }
0xb: {  	p0 =	sgt.u32 s0, $0x1;
	s6 =	sor.u32 s5, s6;
	s30 =	smul.u32 $0x140000, s5  }
0xc: {  	s7 =	ssub.s32 $0x2, s5;
	_ =	strace $0x80000047;
	s8 =	smul.u32 $0x9C0, s6  }
0xd: {  	s9 =	sshrl.u32 s7, $0x1;
	s25 =	smin.u32 s6, $0x3;
	s12 =	smul.u32 $0x4E00, s6  }
0xe: {  	s29 =	sshrl.u32 s10, $0x2;
	s14 =	ssub.s32 s7, s9;
	s26 =	sshll.u32 s25, $0x5  }
0xf: {  	s5 =	sadd.s32 s29, s3;
	s15 =	sadd.s32 s15, s30;
	s25 =	simm.s32 $0x2600  }
0x10: {  	s31 =	sadd.s32 s26, s11;
	s6 =	sadd.s32 s11, s8;
	s8 =	sadd.s32 $0x4000, s5  }
0x11: {  	s9 =	sadd.s32 $0x8000, s5;
	s12 =	sshrl.u32 s12, $0x3;
	s10 =	sadd.s32 $0xC000, s5  }
0x12: {  	s15 =	sshrl.u32 s15, $0x3;
	s14 =	smax.u32 s14, $0x1;
	s26 =	simm.s32 $0x2680  }
0x13: {  	s7 =	sadd.s32 $0x13800, s31;
	s12 =	sadd.s32 s11, s12;
	s11 =	sadd.s32 $0x10000, s5  }
0x14: {  	v0 =	vimm.f32 $0.0e+00;
	s13 =	sadd.s32 s13, s15;
	s15 =	simm.s32 $0x2700;
	s12 =	sadd.s32 $0x4E0, s12  }
.LBB2_1:
0x15: {  	[tilespmem:s4], [sflag:$0x1] =	stream.linear.gather [hbm4b:s6+s4], $0x2700, $0x38;
	[tilespmem:$0x1E800] =	vst v63  }
0x16: {  	s29 =	simm.s32 $0x0;
	s30 =	simm.s32 $0x200  }
0x17: {  	[tilespmem:s15], [sflag:$0x2] =	stream.linear.gather [hbm4b:s7+s4], $0x100, $0x38;
	[tilespmem:$0x1E800] =	vst v63  }
.LBB2_2:
0x18: {  	p1 =	sne.s32 s30, $0xFE00;
	[tilespmem:s29+$0x2870] =	vst v0  }
0x19: {  	[tilespmem:s29+$0x2800] =	vst v0  }
0x1a: {  	[tilespmem:s29+$0x2810] =	vst v0  }
.Ltmp0:
0x1b: {  	[tilespmem:s29+$0x2820] =	vst v0;
	(pc) =	sbr.rel @p1 .LBB2_2-.Ltmp0, $4  }
0x1c: {  	[tilespmem:s29+$0x2830] =	vst v0  }
0x1d: {  	[tilespmem:s29+$0x2840] =	vst v0  }
0x1e: {  	[tilespmem:s29+$0x2850] =	vst v0  }
0x1f: {  	[tilespmem:s29+$0x2860] =	vst v0;
	s29 =	sshra.s32 s30, $0x2;
	s30 =	sadd.s32 $0x200, s30  }
0x20: {  	[tilespmem:s29+$0x2870] =	vst v0  }
0x21: {  	[tilespmem:s29+$0x2800] =	vst v0  }
0x22: {  	[tilespmem:s29+$0x2810] =	vst v0  }
0x23: {  	[tilespmem:s29+$0x2820] =	vst v0  }
0x24: {  	[tilespmem:s29+$0x2830] =	vst v0  }
0x25: {  	[tilespmem:s29+$0x2840] =	vst v0  }
0x26: {  	[tilespmem:s29+$0x2850] =	vst v0  }
0x27: {  	[tilespmem:s29+$0x2860] =	vst v0  }
0x28: {  	[spmem:s5] =	stream.linear.scatter [tilespmem:s16], [sflag:$0x3], $0x4000, $0x38;
	[tilespmem:$0x1E800] =	vst v63  }
0x29: {  	_ =	swait.ge [sflag:s17], $0x4000  }
0x2a: {  	[sflag:s17] =	ssyncset.done $0x0  }
0x2b: {  	[sflag:s17] =	ssyncadd.s32 $0xFFFFC000  }
0x2c: {  	[spmem:s8] =	stream.linear.scatter [tilespmem:s16], [sflag:$0x3], $0x4000, $0x38;
	[tilespmem:$0x1E800] =	vst v63  }
0x2d: {  	_ =	swait.ge [sflag:s17], $0x4000  }
0x2e: {  	[sflag:s17] =	ssyncset.done $0x0  }
0x2f: {  	[sflag:s17] =	ssyncadd.s32 $0xFFFFC000  }
0x30: {  	[spmem:s9] =	stream.linear.scatter [tilespmem:s16], [sflag:$0x3], $0x4000, $0x38;
	[tilespmem:$0x1E800] =	vst v63  }
0x31: {  	_ =	swait.ge [sflag:s17], $0x4000  }
0x32: {  	[sflag:s17] =	ssyncset.done $0x0  }
0x33: {  	[sflag:s17] =	ssyncadd.s32 $0xFFFFC000  }
0x34: {  	[spmem:s10] =	stream.linear.scatter [tilespmem:s16], [sflag:$0x3], $0x4000, $0x38;
	[tilespmem:$0x1E800] =	vst v63  }
0x35: {  	_ =	swait.ge [sflag:s17], $0x4000  }
0x36: {  	[sflag:s17] =	ssyncset.done $0x0  }
0x37: {  	[sflag:s17] =	ssyncadd.s32 $0xFFFFC000  }
0x38: {  	[spmem:s11] =	stream.linear.scatter [tilespmem:s16], [sflag:$0x3], $0x4000, $0x38;
	[tilespmem:$0x1E800] =	vst v63  }
0x39: {  	_ =	swait.ge [sflag:s17], $0x4000  }
0x3a: {  	[sflag:s17] =	ssyncset.done $0x0  }
0x3b: {  	[sflag:s17] =	ssyncadd.s32 $0xFFFFC000  }
0x3c: {  	_ =	swait.ge [sflag:s18], $0x100  }
0x3d: {  	[sflag:s18] =	ssyncset.done $0x0  }
0x3e: {  	[sflag:s18] =	ssyncadd.s32 $0xFFFFFF00  }
0x3f: {  	_ =	swait.ge [sflag:s19], $0x2700  }
0x40: {  	[sflag:s19] =	ssyncset.done $0x0  }
0x41: {  	[sflag:s19] =	ssyncadd.s32 $0xFFFFD900  }
0x42: {  	[tilespmem:s16], [sflag:$0x1] =	stream.indirect.gather [hbm4b:s1+s20], $0x80, s4, s20, $0xb8;
	[tilespmem:$0x1E800] =	vst v63  }
0x43: {  	_ = 	snop  }
0x44: {  	[tilespmem:s22], [sflag:$0x2] =	stream.indirect.gather [hbm4b:s1+s20], $0x80, s21, s20, $0xb8;
	[tilespmem:$0x1E800] =	vst v63  }
0x45: {  	[bflag:$0x0] =	sbarrier.arrive $0xFFFF  }
0x46: {  	_ =	swait.ge [sflag:s19], $0x4000  }
0x47: {  	[sflag:s19] =	ssyncset.done $0x0  }
0x48: {  	s29 =	simm.s32 $0x80;
	[sflag:s19] =	ssyncadd.s32 $0xFFFFC000  }
0x49: {  	[spmem:s3] =	stream.indirect.scatter.add.f32 [tilespmem:s16], [sflag:$0x3], $0x80, s29, s20, $0xb8;
	[tilespmem:$0x1E800] =	vst v63  }
0x4a: {  	_ =	swait.ge [sflag:s17], $0x4000  }
0x4b: {  	[sflag:s17] =	ssyncset.done $0x0  }
0x4c: {  	s29 =	simm.s32 $0x200;
	[sflag:s17] =	ssyncadd.s32 $0xFFFFC000  }
0x4d: {  	[tilespmem:s16], [sflag:$0x1] =	stream.indirect.gather [hbm4b:s1+s20], $0x80, s29, s20, $0xb8;
	[tilespmem:$0x1E800] =	vst v63  }
0x4e: {  	_ =	swait.ge [sflag:s18], $0x4000  }
0x4f: {  	[sflag:s18] =	ssyncset.done $0x0  }
0x50: {  	s29 =	simm.s32 $0x180;
	[sflag:s18] =	ssyncadd.s32 $0xFFFFC000  }
0x51: {  	[spmem:s3] =	stream.indirect.scatter.add.f32 [tilespmem:s22], [sflag:$0x3], $0x80, s29, s20, $0xb8;
	[tilespmem:$0x1E800] =	vst v63  }
0x52: {  	_ =	swait.ge [sflag:s17], $0x4000  }
0x53: {  	[sflag:s17] =	ssyncset.done $0x0  }
0x54: {  	s30 =	simm.s32 $0x300;
	s29 =	simm.s32 $0xFFFF7800;
	[sflag:s17] =	ssyncadd.s32 $0xFFFFC000  }
.LBB2_4:
0x55: {  	[tilespmem:s22], [sflag:$0x2] =	stream.indirect.gather [hbm4b:s1+s20], $0x80, s30, s20, $0xb8;
	[tilespmem:$0x1E800] =	vst v63  }
0x56: {  	s30 =	smov.u32 s29  }
0x57: {  	p1 =	sne.s32 s29, $0xFFFFF800;
	s29 =	sadd.s32 $0x800, s29;
	_ =	swait.ge [sflag:s19], $0x4000  }
0x58: {  	s30 =	sshra.s32 s30, $0x2;
	[sflag:s19] =	ssyncset.done $0x0  }
0x59: {  	s31 =	sadd.s32 $0x2480, s30;
	[sflag:s19] =	ssyncadd.s32 $0xFFFFC000  }
0x5a: {  	[spmem:s3] =	stream.indirect.scatter.add.f32 [tilespmem:s16], [sflag:$0x3], $0x80, s31, s20, $0xb8;
	[tilespmem:$0x1E800] =	vst v63  }
0x5b: {  	_ =	swait.ge [sflag:s17], $0x4000  }
0x5c: {  	[sflag:s17] =	ssyncset.done $0x0  }
0x5d: {  	s31 =	sadd.s32 $0x2600, s30;
	[sflag:s17] =	ssyncadd.s32 $0xFFFFC000  }
0x5e: {  	[tilespmem:s16], [sflag:$0x1] =	stream.indirect.gather [hbm4b:s1+s20], $0x80, s31, s20, $0xb8;
	[tilespmem:$0x1E800] =	vst v63  }
0x5f: {  	_ =	swait.ge [sflag:s18], $0x4000  }
0x60: {  	[sflag:s18] =	ssyncset.done $0x0  }
.Ltmp1:
0x61: {  	s31 =	sadd.s32 $0x2580, s30;
	[sflag:s18] =	ssyncadd.s32 $0xFFFFC000;
	(pc) =	sbr.rel @p1 .LBB2_4-.Ltmp1, $4  }
0x62: {  	[spmem:s3] =	stream.indirect.scatter.add.f32 [tilespmem:s22], [sflag:$0x3], $0x80, s31, s20, $0xb8;
	[tilespmem:$0x1E800] =	vst v63  }
0x63: {  	_ =	swait.ge [sflag:s17], $0x4000  }
0x64: {  	[sflag:s17] =	ssyncset.done $0x0  }
0x65: {  	s30 =	sadd.s32 $0x2700, s30;
	[sflag:s17] =	ssyncadd.s32 $0xFFFFC000  }
0x66: {  	[tilespmem:s22], [sflag:$0x2] =	stream.indirect.gather [hbm4b:s1+s20], $0x80, s30, s20, $0xb8;
	[tilespmem:$0x1E800] =	vst v63  }
0x67: {  	_ =	swait.ge [sflag:s19], $0x4000  }
0x68: {  	[sflag:s19] =	ssyncset.done $0x0  }
0x69: {  	[sflag:s19] =	ssyncadd.s32 $0xFFFFC000  }
0x6a: {  	[spmem:s3] =	stream.indirect.scatter.add.f32 [tilespmem:s16], [sflag:$0x3], $0x80, s23, s20, $0xb8;
	[tilespmem:$0x1E800] =	vst v63  }
0x6b: {  	_ =	swait.ge [sflag:s17], $0x4000  }
0x6c: {  	[sflag:s17] =	ssyncset.done $0x0  }
0x6d: {  	[sflag:s17] =	ssyncadd.s32 $0xFFFFC000  }
0x6e: {  	_ =	swait.ge [sflag:s18], $0x4000  }
0x6f: {  	[sflag:s18] =	ssyncset.done $0x0  }
0x70: {  	[sflag:s18] =	ssyncadd.s32 $0xFFFFC000  }
0x71: {  	[spmem:s3] =	stream.indirect.scatter.add.f32 [tilespmem:s22], [sflag:$0x3], $0x80, s24, s20, $0xb8;
	[tilespmem:$0x1E800] =	vst v63  }
0x72: {  	_ =	swait.ge [sflag:s17], $0x4000  }
0x73: {  	[sflag:s17] =	ssyncset.done $0x0  }
0x74: {  	[sflag:s17] =	ssyncadd.s32 $0xFFFFC000  }
0x75: {  	[tilespmem:s16], [sflag:$0x1] =	stream.indirect.gather [hbm4b:s1+s20], $0x80, s25, s20, $0xb8;
	[tilespmem:$0x1E800] =	vst v63  }
0x76: {  	_ =	swait.ge [sflag:s19], $0x4000  }
0x77: {  	[sflag:s19] =	ssyncset.done $0x0  }
0x78: {  	[sflag:s19] =	ssyncadd.s32 $0xFFFFC000  }
0x79: {  	[spmem:s3] =	stream.indirect.scatter.add.f32 [tilespmem:s16], [sflag:$0x3], $0x80, s26, s20, $0xb8;
	[tilespmem:$0x1E800] =	vst v63  }
0x7a: {  	_ =	swait.ge [sflag:s17], $0x4000  }
0x7b: {  	[sflag:s17] =	ssyncset.done $0x0  }
0x7c: {  	[sflag:s17] =	ssyncadd.s32 $0xFFFFC000  }
0x7d: {  	[tilespmem:s4], [sflag:$0x3] =	stream.linear.gather [hbm4b:s12+s4], $0x2700, $0x38;
	[tilespmem:$0x1E800] =	vst v63  }
0x7e: {  	_ =	swait.ge [sflag:s17], $0x2700  }
0x7f: {  	[sflag:s17] =	ssyncset.done $0x0  }
0x80: {  	[sflag:s17] =	ssyncadd.s32 $0xFFFFD900  }
0x81: {  	[tilespmem:s16], [sflag:$0x1] =	stream.indirect.gather [hbm4b:s1+s20], $0x80, s4, s20, $0xb8;
	[tilespmem:$0x1E800] =	vst v63  }
0x82: {  	_ = 	snop  }
0x83: {  	[tilespmem:s22], [sflag:$0x2] =	stream.indirect.gather [hbm4b:s1+s20], $0x80, s21, s20, $0xb8;
	[tilespmem:$0x1E800] =	vst v63  }
0x84: {  	_ =	swait.ge [sflag:s19], $0x4000  }
0x85: {  	[sflag:s19] =	ssyncset.done $0x0  }
0x86: {  	s29 =	simm.s32 $0x80;
	[sflag:s19] =	ssyncadd.s32 $0xFFFFC000  }
0x87: {  	[spmem:s3] =	stream.indirect.scatter.add.f32 [tilespmem:s16], [sflag:$0x3], $0x80, s29, s20, $0xb8;
	[tilespmem:$0x1E800] =	vst v63  }
0x88: {  	_ =	swait.ge [sflag:s17], $0x4000  }
0x89: {  	[sflag:s17] =	ssyncset.done $0x0  }
0x8a: {  	s29 =	simm.s32 $0x200;
	[sflag:s17] =	ssyncadd.s32 $0xFFFFC000  }
0x8b: {  	[tilespmem:s16], [sflag:$0x1] =	stream.indirect.gather [hbm4b:s1+s20], $0x80, s29, s20, $0xb8;
	[tilespmem:$0x1E800] =	vst v63  }
0x8c: {  	_ =	swait.ge [sflag:s18], $0x4000  }
0x8d: {  	[sflag:s18] =	ssyncset.done $0x0  }
0x8e: {  	s29 =	simm.s32 $0x180;
	[sflag:s18] =	ssyncadd.s32 $0xFFFFC000  }
0x8f: {  	[spmem:s3] =	stream.indirect.scatter.add.f32 [tilespmem:s22], [sflag:$0x3], $0x80, s29, s20, $0xb8;
	[tilespmem:$0x1E800] =	vst v63  }
0x90: {  	_ =	swait.ge [sflag:s17], $0x4000  }
0x91: {  	[sflag:s17] =	ssyncset.done $0x0  }
0x92: {  	s30 =	simm.s32 $0x300;
	s29 =	simm.s32 $0xFFFF7800;
	[sflag:s17] =	ssyncadd.s32 $0xFFFFC000  }
.LBB2_6:
0x93: {  	[tilespmem:s22], [sflag:$0x2] =	stream.indirect.gather [hbm4b:s1+s20], $0x80, s30, s20, $0xb8;
	[tilespmem:$0x1E800] =	vst v63  }
0x94: {  	s30 =	smov.u32 s29  }
0x95: {  	p1 =	sne.s32 s29, $0xFFFFF800;
	s29 =	sadd.s32 $0x800, s29;
	_ =	swait.ge [sflag:s19], $0x4000  }
0x96: {  	s30 =	sshra.s32 s30, $0x2;
	[sflag:s19] =	ssyncset.done $0x0  }
0x97: {  	s31 =	sadd.s32 $0x2480, s30;
	[sflag:s19] =	ssyncadd.s32 $0xFFFFC000  }
0x98: {  	[spmem:s3] =	stream.indirect.scatter.add.f32 [tilespmem:s16], [sflag:$0x3], $0x80, s31, s20, $0xb8;
	[tilespmem:$0x1E800] =	vst v63  }
0x99: {  	_ =	swait.ge [sflag:s17], $0x4000  }
0x9a: {  	[sflag:s17] =	ssyncset.done $0x0  }
0x9b: {  	s31 =	sadd.s32 $0x2600, s30;
	[sflag:s17] =	ssyncadd.s32 $0xFFFFC000  }
0x9c: {  	[tilespmem:s16], [sflag:$0x1] =	stream.indirect.gather [hbm4b:s1+s20], $0x80, s31, s20, $0xb8;
	[tilespmem:$0x1E800] =	vst v63  }
0x9d: {  	_ =	swait.ge [sflag:s18], $0x4000  }
0x9e: {  	[sflag:s18] =	ssyncset.done $0x0  }
.Ltmp2:
0x9f: {  	s31 =	sadd.s32 $0x2580, s30;
	[sflag:s18] =	ssyncadd.s32 $0xFFFFC000;
	(pc) =	sbr.rel @p1 .LBB2_6-.Ltmp2, $4  }
0xa0: {  	[spmem:s3] =	stream.indirect.scatter.add.f32 [tilespmem:s22], [sflag:$0x3], $0x80, s31, s20, $0xb8;
	[tilespmem:$0x1E800] =	vst v63  }
0xa1: {  	_ =	swait.ge [sflag:s17], $0x4000  }
0xa2: {  	[sflag:s17] =	ssyncset.done $0x0  }
0xa3: {  	s30 =	sadd.s32 $0x2700, s30;
	[sflag:s17] =	ssyncadd.s32 $0xFFFFC000  }
0xa4: {  	[tilespmem:s22], [sflag:$0x2] =	stream.indirect.gather [hbm4b:s1+s20], $0x80, s30, s20, $0xb8;
	[tilespmem:$0x1E800] =	vst v63  }
0xa5: {  	_ =	swait.ge [sflag:s19], $0x4000  }
0xa6: {  	[sflag:s19] =	ssyncset.done $0x0  }
0xa7: {  	[sflag:s19] =	ssyncadd.s32 $0xFFFFC000  }
0xa8: {  	[spmem:s3] =	stream.indirect.scatter.add.f32 [tilespmem:s16], [sflag:$0x3], $0x80, s23, s20, $0xb8;
	[tilespmem:$0x1E800] =	vst v63  }
0xa9: {  	_ =	swait.ge [sflag:s17], $0x4000  }
0xaa: {  	[sflag:s17] =	ssyncset.done $0x0  }
0xab: {  	[sflag:s17] =	ssyncadd.s32 $0xFFFFC000  }
0xac: {  	_ =	swait.ge [sflag:s18], $0x4000  }
0xad: {  	[sflag:s18] =	ssyncset.done $0x0  }
0xae: {  	[sflag:s18] =	ssyncadd.s32 $0xFFFFC000  }
0xaf: {  	[spmem:s3] =	stream.indirect.scatter.add.f32 [tilespmem:s22], [sflag:$0x3], $0x80, s24, s20, $0xb8;
	[tilespmem:$0x1E800] =	vst v63  }
0xb0: {  	_ =	swait.ge [sflag:s17], $0x4000  }
0xb1: {  	[sflag:s17] =	ssyncset.done $0x0  }
0xb2: {  	[sflag:s17] =	ssyncadd.s32 $0xFFFFC000  }
0xb3: {  	[tilespmem:s16], [sflag:$0x1] =	stream.indirect.gather [hbm4b:s1+s20], $0x80, s25, s20, $0xb8;
	[tilespmem:$0x1E800] =	vst v63  }
0xb4: {  	_ =	swait.ge [sflag:s19], $0x4000  }
0xb5: {  	[sflag:s19] =	ssyncset.done $0x0  }
0xb6: {  	[sflag:s19] =	ssyncadd.s32 $0xFFFFC000  }
0xb7: {  	[spmem:s3] =	stream.indirect.scatter.add.f32 [tilespmem:s16], [sflag:$0x3], $0x80, s26, s20, $0xb8;
	[tilespmem:$0x1E800] =	vst v63  }
0xb8: {  	_ =	swait.ge [sflag:s17], $0x4000  }
0xb9: {  	s29 =	simm.s32 @!p0 $0x80;
	[sflag:s17] =	ssyncset.done $0x0  }
0xba: {  	s30 =	simm.s32 @!p0 $0x2700;
	s31 =	simm.s32 @!p0 $0x2800;
	[sflag:s17] =	ssyncadd.s32 $0xFFFFC000  }
0xbb: {  	[tilespmem:s31], [sflag:$0x1] =	stream.indirect.gather @!p0 [hbm4b:s1+s29], $0x80, s30, s29, $0xb8;
	[tilespmem:$0x1E800] =	vst v63  }
0xbc: {  	s30 =	simm.s32 @!p0 $0x1  }
0xbd: {  	_ =	swait.ge @!p0 [sflag:s30], $0x4000  }
0xbe: {  	[sflag:s30] =	ssyncset.done @!p0 $0x0  }
0xbf: {  	[sflag:s30] =	ssyncadd.s32 @!p0 $0xFFFFC000;
	s30 =	simm.s32 @!p0 $0x2780  }
0xc0: {  	[spmem:s3] =	stream.indirect.scatter.add.f32 @!p0 [tilespmem:s31], [sflag:$0x3], $0x80, s30, s29, $0xb8;
	[tilespmem:$0x1E800] =	vst v63  }
0xc1: {  	s29 =	simm.s32 @!p0 $0x3  }
0xc2: {  	s28 =	sadd.s32 $0x1, s28;
	_ =	swait.ge @!p0 [sflag:s29], $0x4000  }
0xc3: {  	p1 =	sne.s32 s28, s14;
	[sflag:s29] =	ssyncset.done @!p0 $0x0  }
0xc4: {  	s30 =	sshll.u32 s0, $0x6;
	s31 =	sshrl.u32 s5, $0x3;
	[sflag:s29] =	ssyncadd.s32 @!p0 $0xFFFFC000  }
.Ltmp3:
0xc5: {  	s29 =	sor.u32 $0x1C03, s30;
	[bflag:$0x0] =	sbarrier.arrive $0xFFFF;
	(pc) =	sbr.rel @p1 .LBB2_1-.Ltmp3, $4  }
0xc6: {  	[hbm:s13], [sflag:s29] =	dma.local [spmem:s31], $0x2800  }
0xc7: {  	_ =	swait.ge [sflag:s17], $0x2800  }
0xc8: {  	[sflag:s17] =	ssyncset.done $0x0  }
0xc9: {  	[sflag:s17] =	ssyncadd.s32 $0xFFFFD800  }
0xca: {  	_ =	sfence.sel $0x180000  }
0xcb: {  	[bflag:$0x0] =	sbarrier.arrive $0xFFFF  }
0xcc: {  	p0 =	sne.s32 s0, $0x0;
	_ =	strace $0x90000047  }
0xcd: {  	s0 =	sadd.s32 @!p0 $0x100000, s2;
	[bflag:$0x2] =	sbarrier.arrive $0xFFFF  }
0xce: {  	[sflag:s0] =	ssyncadd.tile.s32 @!p0 $0x1;
	_ =	shalt  }
.Lfunc_end2:
_tile_overlayer_lowered:
.L_overlay_start_2:
0xcf: {  	(tag) =	ssettag $0x2  }
0xd0: {  	s0 =	rddreg [dreg:$0x0];
	s2 =	stileid.u32  }
0xd1: {  	s1 =	rddreg [dreg:$0x1];
	p0 =	sne.s32 s2, $0x0  }
0xd2: {  	s3 =	rddreg [dreg:$0x2];
	[bflag:$0x3] =	sbarrier.arrive $0xFFFF;
	s2 =	simm.s32 @!p0 $0x1C03  }
0xd3: {  	[timem:s3], [sflag:s2] =	dma.local @!p0 [hbm:s0], s1  }
0xd4: {  	s0 =	simm.s32 @!p0 $0x3  }
0xd5: {  	_ =	swait.ge @!p0 [sflag:s0], s1  }
0xd6: {  	s1 =	ssub.s32 @!p0 $0x0, s1;
	[sflag:s0] =	ssyncset.done @!p0 $0x0  }
0xd7: {  	[sflag:s0] =	ssyncadd.s32 @!p0 s1  }
0xd8: {  	[bflag:$0x3] =	sbarrier.arrive $0xFFFF  }
0xd9: {  	_ =	shalt  }

</sc_bundles>
